<compile_context>
chip_gen: v7x
topology: tpu7x:2x2x1
jax: 0.10.2.dev20260603
libtpu: 0.0.44.dev20260713+nightly
codegen_flags: <defaults>
</compile_context>

<pallas_src>
import functools

import jax
import jax.numpy as jnp
from jax import lax
from jax.experimental import pallas as pl
from jax.experimental.pallas import tpu as pltpu
from jax.experimental.pallas import tpu_sc as plsc

_VOCAB_ROWS = 100002
_EMB_DIM = 16
_BATCH = 16384

_info = plsc.get_sparse_core_info()
_NC, _NS, _L = _info.num_cores, _info.num_subcores, _info.num_lanes
_NW = _NC * _NS
_B_PER_W = _BATCH // _NW
_CB = _B_PER_W // 128

_mesh = plsc.VectorSubcoreMesh(core_axis_name="c", subcore_axis_name="s")


@functools.partial(
    pl.kernel,
    mesh=_mesh,
    out_type=jax.ShapeDtypeStruct((2, _BATCH // 128, 8, 128), jnp.float32),
    compiler_params=pltpu.CompilerParams(
        use_tc_tiling_on_sc=False, needs_layout_passes=False
    ),
    scratch_types=[
        pltpu.VMEM((_B_PER_W,), jnp.int32),
        pltpu.VMEM((_EMB_DIM, _B_PER_W), jnp.int32),
        pltpu.VMEM((_EMB_DIM, _B_PER_W), jnp.float32),
        pltpu.SemaphoreType.DMA,
        pltpu.SemaphoreType.DMA,
    ],
)
def _sc_gather(table_hbm, idx_hbm, out_hbm, idx_v, idx2_v, t_v, sem0, sem1):
    wid = lax.axis_index("s") * _NC + lax.axis_index("c")
    base = wid * _B_PER_W
    pltpu.sync_copy(idx_hbm.at[pl.ds(base, _B_PER_W)], idx_v)

    n_chunks = _B_PER_W // _L

    def make_idx_row(d):
        def body(i, carry):
            v = idx_v[pl.ds(i * _L, _L)]
            idx2_v[d, pl.ds(i * _L, _L)] = v + (d * _VOCAB_ROWS)
            return carry

        lax.fori_loop(0, n_chunks, body, 0, unroll=4)

    descs = []
    for d in range(_EMB_DIM):
        make_idx_row(d)
        sem = sem0 if d < 8 else sem1
        descs.append(pltpu.async_copy(table_hbm.at[idx2_v.at[d]], t_v.at[d], sem))

    for d in range(8):
        descs[d].wait()
    for j in range(_CB):
        pltpu.sync_copy(
            t_v.at[pl.ds(0, 8), pl.ds(128 * j, 128)],
            out_hbm.at[0, wid * _CB + j],
        )
    for d in range(8, _EMB_DIM):
        descs[d].wait()
    for j in range(_CB):
        pltpu.sync_copy(
            t_v.at[pl.ds(8, 8), pl.ds(128 * j, 128)],
            out_hbm.at[1, wid * _CB + j],
        )


@jax.jit
def kernel(inputs, table):
    idx = inputs.reshape(-1).astype(jnp.int32)
    tlin = table.T.reshape(-1)
    r = _sc_gather(tlin, idx)
    return r.transpose(1, 3, 0, 2).reshape(_BATCH, _EMB_DIM)

# --- scband reference (transcript-rebuilt; emitter-appended) ---
"""Pipeline reference for scband-string-lookup-embedding-layer-43877385896380 (READ-ONLY COPY).

The authoritative reference and input builder live on the scoring server;
editing this copy changes nothing except your own understanding.
"""

import jax, jax.numpy as jnp
import numpy as np

VOCAB = 100000          # len(voc_list)
TABLE_ROWS = VOCAB + 2  # StringLookup vocab (V + 1 OOV) + 1 per Keras Embedding sizing in module
EMB_DIM = 16
BATCH = 16384


def setup_inputs(seed: int = 0) -> dict:
    key = jax.random.key(seed)
    k_idx, k_tbl = jax.random.split(key)
    # String lookup is modeled as precomputed integer indices (the output of
    # layers.StringLookup), since strings are not representable as jax arrays.
    indices = jax.random.randint(k_idx, (BATCH, 1), 0, TABLE_ROWS, dtype=jnp.int32).astype(jnp.int64)
    # Embedding table, glorot_normal init: std = sqrt(2 / (fan_in + fan_out))
    std = np.sqrt(2.0 / (TABLE_ROWS + EMB_DIM)).astype(np.float32)
    table = jax.random.normal(k_tbl, (TABLE_ROWS, EMB_DIM), dtype=jnp.float32) * std
    return {"inputs": indices, "table": table}


def reference(inputs, table):
    # lookup_indices = string_lookup_layer(inputs)  -> already integer ids here
    # embedding_res = embedding_layer(lookup_indices)
    emb = jnp.take(table, inputs, axis=0)           # [B, 1, D]
    # reshape_layer: Reshape((embedding_dimension,)) -> [B, D]
    emb = emb.reshape(emb.shape[0], EMB_DIM)
    return emb

if __name__ == "__main__":
    import jax
    _d = setup_inputs()
    print(jax.jit(kernel)(*tuple(_d.values())))

</pallas_src>

<mosaic_0001>
#map = affine_map<(d0, d1) -> (0)>
#map1 = affine_map<(d0, d1) -> (0, 0, 0, 0)>
module attributes {stable_mosaic.version = 14 : i64} {
  func.func @_sc_gather(%arg0: i32, %arg1: i32, %arg2: memref<1600032xf32, #tpu.memory_space<hbm>>, %arg3: memref<16384xi32, #tpu.memory_space<hbm>>, %arg4: memref<2x128x8x128xf32, #tpu.memory_space<hbm>>, %arg5: memref<512xi32, #tpu.memory_space<vmem>>, %arg6: memref<16x512xi32, #tpu.memory_space<vmem>>, %arg7: memref<16x512xf32, #tpu.memory_space<vmem>>, %arg8: memref<!tpu.dma_semaphore, #tpu.memory_space<semaphore_mem>>, %arg9: memref<!tpu.dma_semaphore, #tpu.memory_space<semaphore_mem>>) attributes {dimension_semantics = [#tpu.dimension_semantics<core_parallel>, #tpu.dimension_semantics<subcore_parallel>], iteration_bounds = array<i64: 2, 16>, scalar_prefetch = 0 : i64, scratch_operands = 5 : i64, tpu.core_type = #tpu.core_type<sc_vector_subcore>, window_params = [{transform_indices = #map}, {transform_indices = #map}, {transform_indices = #map1}]} {
    %mul3A = arith.constant 2 : i32
    %mul3A_0 = arith.muli %arg1, %mul3A : i32
    %add3A = arith.addi %mul3A_0, %arg0 : i32
    %mul3A_1 = arith.constant 512 : i32
    %mul3A_2 = arith.muli %add3A, %mul3A_1 : i32
    "tpu.region"() ({
      %run_scoped3A_455 = tpu.sem_alloc : memref<!tpu.dma_semaphore, #tpu.memory_space<semaphore_mem>>
      %dma_start3A_456 = tpu.memref_slice %arg3[%mul3A_2] : memref<16384xi32, #tpu.memory_space<hbm>> -> memref<512xi32, #tpu.memory_space<hbm>>
      %dma_start3A_457 = tpu.memref_slice %arg3[%mul3A_2] : memref<16384xi32, #tpu.memory_space<hbm>> -> memref<512xi32, #tpu.memory_space<hbm>>
      tpu.enqueue_dma source(%dma_start3A_457 : memref<512xi32, #tpu.memory_space<hbm>>) target(%arg5 : memref<512xi32, #tpu.memory_space<vmem>>) target_semaphore(%run_scoped3A_455 : memref<!tpu.dma_semaphore, #tpu.memory_space<semaphore_mem>>)
      %dma_wait3A_458 = tpu.memref_slice %arg3[%mul3A_2] : memref<16384xi32, #tpu.memory_space<hbm>> -> memref<512xi32, #tpu.memory_space<hbm>>
      %dma_wait3A_459 = tpu.memref_slice %arg3[%mul3A_2] : memref<16384xi32, #tpu.memory_space<hbm>> -> memref<512xi32, #tpu.memory_space<hbm>>
      tpu.wait_dma2 semaphore(%run_scoped3A_455 : memref<!tpu.dma_semaphore, #tpu.memory_space<semaphore_mem>>) src(%dma_wait3A_459 : memref<512xi32, #tpu.memory_space<hbm>>) dst(%arg5 : memref<512xi32, #tpu.memory_space<vmem>>)
      tpu.yield
    }) : () -> ()
    %scan3A = arith.constant 0 : i32
    %scan3A_3 = arith.constant 0 : i32
    %scan3A_4 = arith.constant 32 : i32
    %scan3A_5 = arith.addi %scan3A_3, %scan3A_4 : i32
    %scan3A_6 = arith.constant 4 : i32
    scf.for %scan3A_455 = %scan3A_3 to %scan3A_5 step %scan3A_6  : i32 {
      %mul3A_456 = arith.constant 16 : i32
      %mul3A_457 = arith.muli %scan3A_455, %mul3A_456 : i32
      %get3A = arith.index_cast %mul3A_457 : i32 to index
      %get3A_458 = tpu.vector_load %arg5[%get3A] {strides = array<i32>} : memref<512xi32, #tpu.memory_space<vmem>>, vector<16xi32>,
      %add3A_459 = arith.constant 0 : i32
      %add3A_460 = vector.broadcast %add3A_459 : i32 to vector<16xi32>
      %add3A_461 = arith.addi %get3A_458, %add3A_460 : vector<16xi32>
      %mul3A_462 = arith.constant 16 : i32
      %mul3A_463 = arith.muli %scan3A_455, %mul3A_462 : i32
      %swap3A = arith.constant 0 : i32
      %swap3A_464 = arith.index_cast %swap3A : i32 to index
      %swap3A_465 = arith.index_cast %mul3A_463 : i32 to index
      %swap3A_466 = tpu.vector_load %arg6[%swap3A_464, %swap3A_465] {strides = array<i32>} : memref<16x512xi32, #tpu.memory_space<vmem>>, vector<16xi32>,
      tpu.vector_store %arg6[%swap3A_464, %swap3A_465], %add3A_461 {strides = array<i32>} : memref<16x512xi32, #tpu.memory_space<vmem>>, vector<16xi32>,
      %scan3A_467 = arith.constant 1 : i32
      %scan3A_468 = arith.addi %scan3A_455, %scan3A_467 : i32
      %mul3A_469 = arith.constant 16 : i32
      %mul3A_470 = arith.muli %scan3A_468, %mul3A_469 : i32
      %get3A_471 = arith.index_cast %mul3A_470 : i32 to index
      %get3A_472 = tpu.vector_load %arg5[%get3A_471] {strides = array<i32>} : memref<512xi32, #tpu.memory_space<vmem>>, vector<16xi32>,
      %add3A_473 = arith.constant 0 : i32
      %add3A_474 = vector.broadcast %add3A_473 : i32 to vector<16xi32>
      %add3A_475 = arith.addi %get3A_472, %add3A_474 : vector<16xi32>
      %mul3A_476 = arith.constant 16 : i32
      %mul3A_477 = arith.muli %scan3A_468, %mul3A_476 : i32
      %swap3A_478 = arith.constant 0 : i32
      %swap3A_479 = arith.index_cast %swap3A_478 : i32 to index
      %swap3A_480 = arith.index_cast %mul3A_477 : i32 to index
      %swap3A_481 = tpu.vector_load %arg6[%swap3A_479, %swap3A_480] {strides = array<i32>} : memref<16x512xi32, #tpu.memory_space<vmem>>, vector<16xi32>,
      tpu.vector_store %arg6[%swap3A_479, %swap3A_480], %add3A_475 {strides = array<i32>} : memref<16x512xi32, #tpu.memory_space<vmem>>, vector<16xi32>,
      %scan3A_482 = arith.constant 2 : i32
      %scan3A_483 = arith.addi %scan3A_455, %scan3A_482 : i32
      %mul3A_484 = arith.constant 16 : i32
      %mul3A_485 = arith.muli %scan3A_483, %mul3A_484 : i32
      %get3A_486 = arith.index_cast %mul3A_485 : i32 to index
      %get3A_487 = tpu.vector_load %arg5[%get3A_486] {strides = array<i32>} : memref<512xi32, #tpu.memory_space<vmem>>, vector<16xi32>,
      %add3A_488 = arith.constant 0 : i32
      %add3A_489 = vector.broadcast %add3A_488 : i32 to vector<16xi32>
      %add3A_490 = arith.addi %get3A_487, %add3A_489 : vector<16xi32>
      %mul3A_491 = arith.constant 16 : i32
      %mul3A_492 = arith.muli %scan3A_483, %mul3A_491 : i32
      %swap3A_493 = arith.constant 0 : i32
      %swap3A_494 = arith.index_cast %swap3A_493 : i32 to index
      %swap3A_495 = arith.index_cast %mul3A_492 : i32 to index
      %swap3A_496 = tpu.vector_load %arg6[%swap3A_494, %swap3A_495] {strides = array<i32>} : memref<16x512xi32, #tpu.memory_space<vmem>>, vector<16xi32>,
      tpu.vector_store %arg6[%swap3A_494, %swap3A_495], %add3A_490 {strides = array<i32>} : memref<16x512xi32, #tpu.memory_space<vmem>>, vector<16xi32>,
      %scan3A_497 = arith.constant 3 : i32
      %scan3A_498 = arith.addi %scan3A_455, %scan3A_497 : i32
      %mul3A_499 = arith.constant 16 : i32
      %mul3A_500 = arith.muli %scan3A_498, %mul3A_499 : i32
      %get3A_501 = arith.index_cast %mul3A_500 : i32 to index
      %get3A_502 = tpu.vector_load %arg5[%get3A_501] {strides = array<i32>} : memref<512xi32, #tpu.memory_space<vmem>>, vector<16xi32>,
      %add3A_503 = arith.constant 0 : i32
      %add3A_504 = vector.broadcast %add3A_503 : i32 to vector<16xi32>
      %add3A_505 = arith.addi %get3A_502, %add3A_504 : vector<16xi32>
      %mul3A_506 = arith.constant 16 : i32
      %mul3A_507 = arith.muli %scan3A_498, %mul3A_506 : i32
      %swap3A_508 = arith.constant 0 : i32
      %swap3A_509 = arith.index_cast %swap3A_508 : i32 to index
      %swap3A_510 = arith.index_cast %mul3A_507 : i32 to index
      %swap3A_511 = tpu.vector_load %arg6[%swap3A_509, %swap3A_510] {strides = array<i32>} : memref<16x512xi32, #tpu.memory_space<vmem>>, vector<16xi32>,
      tpu.vector_store %arg6[%swap3A_509, %swap3A_510], %add3A_505 {strides = array<i32>} : memref<16x512xi32, #tpu.memory_space<vmem>>, vector<16xi32>,
    }
    %scan3A_7 = arith.constant 32 : i32
    %dma_start3A = arith.constant 0 : i32
    %dma_start3A_8 = arith.constant 0 : i32
    %dma_start3A_9 = arith.constant 0 : i32
    %dma_start3A_10 = tpu.memref_slice %arg7[%dma_start3A_8, %dma_start3A_9] : memref<16x512xf32, #tpu.memory_space<vmem>> -> memref<1x512xf32, #tpu.memory_space<vmem>>
    %dma_start3A_11 = tpu.memref_squeeze %dma_start3A_10 : memref<1x512xf32, #tpu.memory_space<vmem>> -> memref<512xf32, #tpu.memory_space<vmem>>
    %dma_start3A_12 = arith.constant 0 : i32
    %dma_start3A_13 = tpu.memref_slice %arg6[%dma_start3A, %dma_start3A_12] : memref<16x512xi32, #tpu.memory_space<vmem>> -> memref<1x512xi32, #tpu.memory_space<vmem>>
    %dma_start3A_14 = tpu.memref_squeeze %dma_start3A_13 : memref<1x512xi32, #tpu.memory_space<vmem>> -> memref<512xi32, #tpu.memory_space<vmem>>
    %dma_start3A_15 = arith.constant 0 : i32
    %dma_start3A_16 = tpu.memref_slice %arg2[%dma_start3A_15] : memref<1600032xf32, #tpu.memory_space<hbm>> -> memref<1600032xf32, #tpu.memory_space<hbm>>
    tpu.enqueue_indirect_dma source(%dma_start3A_16 : memref<1600032xf32, #tpu.memory_space<hbm>>) target(%dma_start3A_11 : memref<512xf32, #tpu.memory_space<vmem>>) offsets(%dma_start3A_14 : memref<512xi32, #tpu.memory_space<vmem>>) semaphore(%arg8 : memref<!tpu.dma_semaphore, #tpu.memory_space<semaphore_mem>>)
    %scan3A_17 = arith.constant 0 : i32
    %scan3A_18 = arith.constant 0 : i32
    %scan3A_19 = arith.constant 32 : i32
    %scan3A_20 = arith.addi %scan3A_18, %scan3A_19 : i32
    %scan3A_21 = arith.constant 4 : i32
    scf.for %scan3A_455 = %scan3A_18 to %scan3A_20 step %scan3A_21  : i32 {
      %mul3A_456 = arith.constant 16 : i32
      %mul3A_457 = arith.muli %scan3A_455, %mul3A_456 : i32
      %get3A = arith.index_cast %mul3A_457 : i32 to index
      %get3A_458 = tpu.vector_load %arg5[%get3A] {strides = array<i32>} : memref<512xi32, #tpu.memory_space<vmem>>, vector<16xi32>,
      %add3A_459 = arith.constant 100002 : i32
      %add3A_460 = vector.broadcast %add3A_459 : i32 to vector<16xi32>
      %add3A_461 = arith.addi %get3A_458, %add3A_460 : vector<16xi32>
      %mul3A_462 = arith.constant 16 : i32
      %mul3A_463 = arith.muli %scan3A_455, %mul3A_462 : i32
      %swap3A = arith.constant 1 : i32
      %swap3A_464 = arith.index_cast %swap3A : i32 to index
      %swap3A_465 = arith.index_cast %mul3A_463 : i32 to index
      %swap3A_466 = tpu.vector_load %arg6[%swap3A_464, %swap3A_465] {strides = array<i32>} : memref<16x512xi32, #tpu.memory_space<vmem>>, vector<16xi32>,
      tpu.vector_store %arg6[%swap3A_464, %swap3A_465], %add3A_461 {strides = array<i32>} : memref<16x512xi32, #tpu.memory_space<vmem>>, vector<16xi32>,
      %scan3A_467 = arith.constant 1 : i32
      %scan3A_468 = arith.addi %scan3A_455, %scan3A_467 : i32
      %mul3A_469 = arith.constant 16 : i32
      %mul3A_470 = arith.muli %scan3A_468, %mul3A_469 : i32
      %get3A_471 = arith.index_cast %mul3A_470 : i32 to index
      %get3A_472 = tpu.vector_load %arg5[%get3A_471] {strides = array<i32>} : memref<512xi32, #tpu.memory_space<vmem>>, vector<16xi32>,
      %add3A_473 = arith.constant 100002 : i32
      %add3A_474 = vector.broadcast %add3A_473 : i32 to vector<16xi32>
      %add3A_475 = arith.addi %get3A_472, %add3A_474 : vector<16xi32>
      %mul3A_476 = arith.constant 16 : i32
      %mul3A_477 = arith.muli %scan3A_468, %mul3A_476 : i32
      %swap3A_478 = arith.constant 1 : i32
      %swap3A_479 = arith.index_cast %swap3A_478 : i32 to index
      %swap3A_480 = arith.index_cast %mul3A_477 : i32 to index
      %swap3A_481 = tpu.vector_load %arg6[%swap3A_479, %swap3A_480] {strides = array<i32>} : memref<16x512xi32, #tpu.memory_space<vmem>>, vector<16xi32>,
      tpu.vector_store %arg6[%swap3A_479, %swap3A_480], %add3A_475 {strides = array<i32>} : memref<16x512xi32, #tpu.memory_space<vmem>>, vector<16xi32>,
      %scan3A_482 = arith.constant 2 : i32
      %scan3A_483 = arith.addi %scan3A_455, %scan3A_482 : i32
      %mul3A_484 = arith.constant 16 : i32
      %mul3A_485 = arith.muli %scan3A_483, %mul3A_484 : i32
      %get3A_486 = arith.index_cast %mul3A_485 : i32 to index
      %get3A_487 = tpu.vector_load %arg5[%get3A_486] {strides = array<i32>} : memref<512xi32, #tpu.memory_space<vmem>>, vector<16xi32>,
      %add3A_488 = arith.constant 100002 : i32
      %add3A_489 = vector.broadcast %add3A_488 : i32 to vector<16xi32>
      %add3A_490 = arith.addi %get3A_487, %add3A_489 : vector<16xi32>
      %mul3A_491 = arith.constant 16 : i32
      %mul3A_492 = arith.muli %scan3A_483, %mul3A_491 : i32
      %swap3A_493 = arith.constant 1 : i32
      %swap3A_494 = arith.index_cast %swap3A_493 : i32 to index
      %swap3A_495 = arith.index_cast %mul3A_492 : i32 to index
      %swap3A_496 = tpu.vector_load %arg6[%swap3A_494, %swap3A_495] {strides = array<i32>} : memref<16x512xi32, #tpu.memory_space<vmem>>, vector<16xi32>,
      tpu.vector_store %arg6[%swap3A_494, %swap3A_495], %add3A_490 {strides = array<i32>} : memref<16x512xi32, #tpu.memory_space<vmem>>, vector<16xi32>,
      %scan3A_497 = arith.constant 3 : i32
      %scan3A_498 = arith.addi %scan3A_455, %scan3A_497 : i32
      %mul3A_499 = arith.constant 16 : i32
      %mul3A_500 = arith.muli %scan3A_498, %mul3A_499 : i32
      %get3A_501 = arith.index_cast %mul3A_500 : i32 to index
      %get3A_502 = tpu.vector_load %arg5[%get3A_501] {strides = array<i32>} : memref<512xi32, #tpu.memory_space<vmem>>, vector<16xi32>,
      %add3A_503 = arith.constant 100002 : i32
      %add3A_504 = vector.broadcast %add3A_503 : i32 to vector<16xi32>
      %add3A_505 = arith.addi %get3A_502, %add3A_504 : vector<16xi32>
      %mul3A_506 = arith.constant 16 : i32
      %mul3A_507 = arith.muli %scan3A_498, %mul3A_506 : i32
      %swap3A_508 = arith.constant 1 : i32
      %swap3A_509 = arith.index_cast %swap3A_508 : i32 to index
      %swap3A_510 = arith.index_cast %mul3A_507 : i32 to index
      %swap3A_511 = tpu.vector_load %arg6[%swap3A_509, %swap3A_510] {strides = array<i32>} : memref<16x512xi32, #tpu.memory_space<vmem>>, vector<16xi32>,
      tpu.vector_store %arg6[%swap3A_509, %swap3A_510], %add3A_505 {strides = array<i32>} : memref<16x512xi32, #tpu.memory_space<vmem>>, vector<16xi32>,
    }
    %scan3A_22 = arith.constant 32 : i32
    %dma_start3A_23 = arith.constant 1 : i32
    %dma_start3A_24 = arith.constant 1 : i32
    %dma_start3A_25 = arith.constant 0 : i32
    %dma_start3A_26 = tpu.memref_slice %arg7[%dma_start3A_24, %dma_start3A_25] : memref<16x512xf32, #tpu.memory_space<vmem>> -> memref<1x512xf32, #tpu.memory_space<vmem>>
    %dma_start3A_27 = tpu.memref_squeeze %dma_start3A_26 : memref<1x512xf32, #tpu.memory_space<vmem>> -> memref<512xf32, #tpu.memory_space<vmem>>
    %dma_start3A_28 = arith.constant 0 : i32
    %dma_start3A_29 = tpu.memref_slice %arg6[%dma_start3A_23, %dma_start3A_28] : memref<16x512xi32, #tpu.memory_space<vmem>> -> memref<1x512xi32, #tpu.memory_space<vmem>>
    %dma_start3A_30 = tpu.memref_squeeze %dma_start3A_29 : memref<1x512xi32, #tpu.memory_space<vmem>> -> memref<512xi32, #tpu.memory_space<vmem>>
    %dma_start3A_31 = arith.constant 0 : i32
    %dma_start3A_32 = tpu.memref_slice %arg2[%dma_start3A_31] : memref<1600032xf32, #tpu.memory_space<hbm>> -> memref<1600032xf32, #tpu.memory_space<hbm>>
    tpu.enqueue_indirect_dma source(%dma_start3A_32 : memref<1600032xf32, #tpu.memory_space<hbm>>) target(%dma_start3A_27 : memref<512xf32, #tpu.memory_space<vmem>>) offsets(%dma_start3A_30 : memref<512xi32, #tpu.memory_space<vmem>>) semaphore(%arg8 : memref<!tpu.dma_semaphore, #tpu.memory_space<semaphore_mem>>)
    %scan3A_33 = arith.constant 0 : i32
    %scan3A_34 = arith.constant 0 : i32
    %scan3A_35 = arith.constant 32 : i32
    %scan3A_36 = arith.addi %scan3A_34, %scan3A_35 : i32
    %scan3A_37 = arith.constant 4 : i32
    scf.for %scan3A_455 = %scan3A_34 to %scan3A_36 step %scan3A_37  : i32 {
      %mul3A_456 = arith.constant 16 : i32
      %mul3A_457 = arith.muli %scan3A_455, %mul3A_456 : i32
      %get3A = arith.index_cast %mul3A_457 : i32 to index
      %get3A_458 = tpu.vector_load %arg5[%get3A] {strides = array<i32>} : memref<512xi32, #tpu.memory_space<vmem>>, vector<16xi32>,
      %add3A_459 = arith.constant 200004 : i32
      %add3A_460 = vector.broadcast %add3A_459 : i32 to vector<16xi32>
      %add3A_461 = arith.addi %get3A_458, %add3A_460 : vector<16xi32>
      %mul3A_462 = arith.constant 16 : i32
      %mul3A_463 = arith.muli %scan3A_455, %mul3A_462 : i32
      %swap3A = arith.constant 2 : i32
      %swap3A_464 = arith.index_cast %swap3A : i32 to index
      %swap3A_465 = arith.index_cast %mul3A_463 : i32 to index
      %swap3A_466 = tpu.vector_load %arg6[%swap3A_464, %swap3A_465] {strides = array<i32>} : memref<16x512xi32, #tpu.memory_space<vmem>>, vector<16xi32>,
      tpu.vector_store %arg6[%swap3A_464, %swap3A_465], %add3A_461 {strides = array<i32>} : memref<16x512xi32, #tpu.memory_space<vmem>>, vector<16xi32>,
      %scan3A_467 = arith.constant 1 : i32
      %scan3A_468 = arith.addi %scan3A_455, %scan3A_467 : i32
      %mul3A_469 = arith.constant 16 : i32
      %mul3A_470 = arith.muli %scan3A_468, %mul3A_469 : i32
      %get3A_471 = arith.index_cast %mul3A_470 : i32 to index
      %get3A_472 = tpu.vector_load %arg5[%get3A_471] {strides = array<i32>} : memref<512xi32, #tpu.memory_space<vmem>>, vector<16xi32>,
      %add3A_473 = arith.constant 200004 : i32
      %add3A_474 = vector.broadcast %add3A_473 : i32 to vector<16xi32>
      %add3A_475 = arith.addi %get3A_472, %add3A_474 : vector<16xi32>
      %mul3A_476 = arith.constant 16 : i32
      %mul3A_477 = arith.muli %scan3A_468, %mul3A_476 : i32
      %swap3A_478 = arith.constant 2 : i32
      %swap3A_479 = arith.index_cast %swap3A_478 : i32 to index
      %swap3A_480 = arith.index_cast %mul3A_477 : i32 to index
      %swap3A_481 = tpu.vector_load %arg6[%swap3A_479, %swap3A_480] {strides = array<i32>} : memref<16x512xi32, #tpu.memory_space<vmem>>, vector<16xi32>,
      tpu.vector_store %arg6[%swap3A_479, %swap3A_480], %add3A_475 {strides = array<i32>} : memref<16x512xi32, #tpu.memory_space<vmem>>, vector<16xi32>,
      %scan3A_482 = arith.constant 2 : i32
      %scan3A_483 = arith.addi %scan3A_455, %scan3A_482 : i32
      %mul3A_484 = arith.constant 16 : i32
      %mul3A_485 = arith.muli %scan3A_483, %mul3A_484 : i32
      %get3A_486 = arith.index_cast %mul3A_485 : i32 to index
      %get3A_487 = tpu.vector_load %arg5[%get3A_486] {strides = array<i32>} : memref<512xi32, #tpu.memory_space<vmem>>, vector<16xi32>,
      %add3A_488 = arith.constant 200004 : i32
      %add3A_489 = vector.broadcast %add3A_488 : i32 to vector<16xi32>
      %add3A_490 = arith.addi %get3A_487, %add3A_489 : vector<16xi32>
      %mul3A_491 = arith.constant 16 : i32
      %mul3A_492 = arith.muli %scan3A_483, %mul3A_491 : i32
      %swap3A_493 = arith.constant 2 : i32
      %swap3A_494 = arith.index_cast %swap3A_493 : i32 to index
      %swap3A_495 = arith.index_cast %mul3A_492 : i32 to index
      %swap3A_496 = tpu.vector_load %arg6[%swap3A_494, %swap3A_495] {strides = array<i32>} : memref<16x512xi32, #tpu.memory_space<vmem>>, vector<16xi32>,
      tpu.vector_store %arg6[%swap3A_494, %swap3A_495], %add3A_490 {strides = array<i32>} : memref<16x512xi32, #tpu.memory_space<vmem>>, vector<16xi32>,
      %scan3A_497 = arith.constant 3 : i32
      %scan3A_498 = arith.addi %scan3A_455, %scan3A_497 : i32
      %mul3A_499 = arith.constant 16 : i32
      %mul3A_500 = arith.muli %scan3A_498, %mul3A_499 : i32
      %get3A_501 = arith.index_cast %mul3A_500 : i32 to index
      %get3A_502 = tpu.vector_load %arg5[%get3A_501] {strides = array<i32>} : memref<512xi32, #tpu.memory_space<vmem>>, vector<16xi32>,
      %add3A_503 = arith.constant 200004 : i32
      %add3A_504 = vector.broadcast %add3A_503 : i32 to vector<16xi32>
      %add3A_505 = arith.addi %get3A_502, %add3A_504 : vector<16xi32>
      %mul3A_506 = arith.constant 16 : i32
      %mul3A_507 = arith.muli %scan3A_498, %mul3A_506 : i32
      %swap3A_508 = arith.constant 2 : i32
      %swap3A_509 = arith.index_cast %swap3A_508 : i32 to index
      %swap3A_510 = arith.index_cast %mul3A_507 : i32 to index
      %swap3A_511 = tpu.vector_load %arg6[%swap3A_509, %swap3A_510] {strides = array<i32>} : memref<16x512xi32, #tpu.memory_space<vmem>>, vector<16xi32>,
      tpu.vector_store %arg6[%swap3A_509, %swap3A_510], %add3A_505 {strides = array<i32>} : memref<16x512xi32, #tpu.memory_space<vmem>>, vector<16xi32>,
    }
    %scan3A_38 = arith.constant 32 : i32
    %dma_start3A_39 = arith.constant 2 : i32
    %dma_start3A_40 = arith.constant 2 : i32
    %dma_start3A_41 = arith.constant 0 : i32
    %dma_start3A_42 = tpu.memref_slice %arg7[%dma_start3A_40, %dma_start3A_41] : memref<16x512xf32, #tpu.memory_space<vmem>> -> memref<1x512xf32, #tpu.memory_space<vmem>>
    %dma_start3A_43 = tpu.memref_squeeze %dma_start3A_42 : memref<1x512xf32, #tpu.memory_space<vmem>> -> memref<512xf32, #tpu.memory_space<vmem>>
    %dma_start3A_44 = arith.constant 0 : i32
    %dma_start3A_45 = tpu.memref_slice %arg6[%dma_start3A_39, %dma_start3A_44] : memref<16x512xi32, #tpu.memory_space<vmem>> -> memref<1x512xi32, #tpu.memory_space<vmem>>
    %dma_start3A_46 = tpu.memref_squeeze %dma_start3A_45 : memref<1x512xi32, #tpu.memory_space<vmem>> -> memref<512xi32, #tpu.memory_space<vmem>>
    %dma_start3A_47 = arith.constant 0 : i32
    %dma_start3A_48 = tpu.memref_slice %arg2[%dma_start3A_47] : memref<1600032xf32, #tpu.memory_space<hbm>> -> memref<1600032xf32, #tpu.memory_space<hbm>>
    tpu.enqueue_indirect_dma source(%dma_start3A_48 : memref<1600032xf32, #tpu.memory_space<hbm>>) target(%dma_start3A_43 : memref<512xf32, #tpu.memory_space<vmem>>) offsets(%dma_start3A_46 : memref<512xi32, #tpu.memory_space<vmem>>) semaphore(%arg8 : memref<!tpu.dma_semaphore, #tpu.memory_space<semaphore_mem>>)
    %scan3A_49 = arith.constant 0 : i32
    %scan3A_50 = arith.constant 0 : i32
    %scan3A_51 = arith.constant 32 : i32
    %scan3A_52 = arith.addi %scan3A_50, %scan3A_51 : i32
    %scan3A_53 = arith.constant 4 : i32
    scf.for %scan3A_455 = %scan3A_50 to %scan3A_52 step %scan3A_53  : i32 {
      %mul3A_456 = arith.constant 16 : i32
      %mul3A_457 = arith.muli %scan3A_455, %mul3A_456 : i32
      %get3A = arith.index_cast %mul3A_457 : i32 to index
      %get3A_458 = tpu.vector_load %arg5[%get3A] {strides = array<i32>} : memref<512xi32, #tpu.memory_space<vmem>>, vector<16xi32>,
      %add3A_459 = arith.constant 300006 : i32
      %add3A_460 = vector.broadcast %add3A_459 : i32 to vector<16xi32>
      %add3A_461 = arith.addi %get3A_458, %add3A_460 : vector<16xi32>
      %mul3A_462 = arith.constant 16 : i32
      %mul3A_463 = arith.muli %scan3A_455, %mul3A_462 : i32
      %swap3A = arith.constant 3 : i32
      %swap3A_464 = arith.index_cast %swap3A : i32 to index
      %swap3A_465 = arith.index_cast %mul3A_463 : i32 to index
      %swap3A_466 = tpu.vector_load %arg6[%swap3A_464, %swap3A_465] {strides = array<i32>} : memref<16x512xi32, #tpu.memory_space<vmem>>, vector<16xi32>,
      tpu.vector_store %arg6[%swap3A_464, %swap3A_465], %add3A_461 {strides = array<i32>} : memref<16x512xi32, #tpu.memory_space<vmem>>, vector<16xi32>,
      %scan3A_467 = arith.constant 1 : i32
      %scan3A_468 = arith.addi %scan3A_455, %scan3A_467 : i32
      %mul3A_469 = arith.constant 16 : i32
      %mul3A_470 = arith.muli %scan3A_468, %mul3A_469 : i32
      %get3A_471 = arith.index_cast %mul3A_470 : i32 to index
      %get3A_472 = tpu.vector_load %arg5[%get3A_471] {strides = array<i32>} : memref<512xi32, #tpu.memory_space<vmem>>, vector<16xi32>,
      %add3A_473 = arith.constant 300006 : i32
      %add3A_474 = vector.broadcast %add3A_473 : i32 to vector<16xi32>
      %add3A_475 = arith.addi %get3A_472, %add3A_474 : vector<16xi32>
      %mul3A_476 = arith.constant 16 : i32
      %mul3A_477 = arith.muli %scan3A_468, %mul3A_476 : i32
      %swap3A_478 = arith.constant 3 : i32
      %swap3A_479 = arith.index_cast %swap3A_478 : i32 to index
      %swap3A_480 = arith.index_cast %mul3A_477 : i32 to index
      %swap3A_481 = tpu.vector_load %arg6[%swap3A_479, %swap3A_480] {strides = array<i32>} : memref<16x512xi32, #tpu.memory_space<vmem>>, vector<16xi32>,
      tpu.vector_store %arg6[%swap3A_479, %swap3A_480], %add3A_475 {strides = array<i32>} : memref<16x512xi32, #tpu.memory_space<vmem>>, vector<16xi32>,
      %scan3A_482 = arith.constant 2 : i32
      %scan3A_483 = arith.addi %scan3A_455, %scan3A_482 : i32
      %mul3A_484 = arith.constant 16 : i32
      %mul3A_485 = arith.muli %scan3A_483, %mul3A_484 : i32
      %get3A_486 = arith.index_cast %mul3A_485 : i32 to index
      %get3A_487 = tpu.vector_load %arg5[%get3A_486] {strides = array<i32>} : memref<512xi32, #tpu.memory_space<vmem>>, vector<16xi32>,
      %add3A_488 = arith.constant 300006 : i32
      %add3A_489 = vector.broadcast %add3A_488 : i32 to vector<16xi32>
      %add3A_490 = arith.addi %get3A_487, %add3A_489 : vector<16xi32>
      %mul3A_491 = arith.constant 16 : i32
      %mul3A_492 = arith.muli %scan3A_483, %mul3A_491 : i32
      %swap3A_493 = arith.constant 3 : i32
      %swap3A_494 = arith.index_cast %swap3A_493 : i32 to index
      %swap3A_495 = arith.index_cast %mul3A_492 : i32 to index
      %swap3A_496 = tpu.vector_load %arg6[%swap3A_494, %swap3A_495] {strides = array<i32>} : memref<16x512xi32, #tpu.memory_space<vmem>>, vector<16xi32>,
      tpu.vector_store %arg6[%swap3A_494, %swap3A_495], %add3A_490 {strides = array<i32>} : memref<16x512xi32, #tpu.memory_space<vmem>>, vector<16xi32>,
      %scan3A_497 = arith.constant 3 : i32
      %scan3A_498 = arith.addi %scan3A_455, %scan3A_497 : i32
      %mul3A_499 = arith.constant 16 : i32
      %mul3A_500 = arith.muli %scan3A_498, %mul3A_499 : i32
      %get3A_501 = arith.index_cast %mul3A_500 : i32 to index
      %get3A_502 = tpu.vector_load %arg5[%get3A_501] {strides = array<i32>} : memref<512xi32, #tpu.memory_space<vmem>>, vector<16xi32>,
      %add3A_503 = arith.constant 300006 : i32
      %add3A_504 = vector.broadcast %add3A_503 : i32 to vector<16xi32>
      %add3A_505 = arith.addi %get3A_502, %add3A_504 : vector<16xi32>
      %mul3A_506 = arith.constant 16 : i32
      %mul3A_507 = arith.muli %scan3A_498, %mul3A_506 : i32
      %swap3A_508 = arith.constant 3 : i32
      %swap3A_509 = arith.index_cast %swap3A_508 : i32 to index
      %swap3A_510 = arith.index_cast %mul3A_507 : i32 to index
      %swap3A_511 = tpu.vector_load %arg6[%swap3A_509, %swap3A_510] {strides = array<i32>} : memref<16x512xi32, #tpu.memory_space<vmem>>, vector<16xi32>,
      tpu.vector_store %arg6[%swap3A_509, %swap3A_510], %add3A_505 {strides = array<i32>} : memref<16x512xi32, #tpu.memory_space<vmem>>, vector<16xi32>,
    }
    %scan3A_54 = arith.constant 32 : i32
    %dma_start3A_55 = arith.constant 3 : i32
    %dma_start3A_56 = arith.constant 3 : i32
    %dma_start3A_57 = arith.constant 0 : i32
    %dma_start3A_58 = tpu.memref_slice %arg7[%dma_start3A_56, %dma_start3A_57] : memref<16x512xf32, #tpu.memory_space<vmem>> -> memref<1x512xf32, #tpu.memory_space<vmem>>
    %dma_start3A_59 = tpu.memref_squeeze %dma_start3A_58 : memref<1x512xf32, #tpu.memory_space<vmem>> -> memref<512xf32, #tpu.memory_space<vmem>>
    %dma_start3A_60 = arith.constant 0 : i32
    %dma_start3A_61 = tpu.memref_slice %arg6[%dma_start3A_55, %dma_start3A_60] : memref<16x512xi32, #tpu.memory_space<vmem>> -> memref<1x512xi32, #tpu.memory_space<vmem>>
    %dma_start3A_62 = tpu.memref_squeeze %dma_start3A_61 : memref<1x512xi32, #tpu.memory_space<vmem>> -> memref<512xi32, #tpu.memory_space<vmem>>
    %dma_start3A_63 = arith.constant 0 : i32
    %dma_start3A_64 = tpu.memref_slice %arg2[%dma_start3A_63] : memref<1600032xf32, #tpu.memory_space<hbm>> -> memref<1600032xf32, #tpu.memory_space<hbm>>
    tpu.enqueue_indirect_dma source(%dma_start3A_64 : memref<1600032xf32, #tpu.memory_space<hbm>>) target(%dma_start3A_59 : memref<512xf32, #tpu.memory_space<vmem>>) offsets(%dma_start3A_62 : memref<512xi32, #tpu.memory_space<vmem>>) semaphore(%arg8 : memref<!tpu.dma_semaphore, #tpu.memory_space<semaphore_mem>>)
    %scan3A_65 = arith.constant 0 : i32
    %scan3A_66 = arith.constant 0 : i32
    %scan3A_67 = arith.constant 32 : i32
    %scan3A_68 = arith.addi %scan3A_66, %scan3A_67 : i32
    %scan3A_69 = arith.constant 4 : i32
    scf.for %scan3A_455 = %scan3A_66 to %scan3A_68 step %scan3A_69  : i32 {
      %mul3A_456 = arith.constant 16 : i32
      %mul3A_457 = arith.muli %scan3A_455, %mul3A_456 : i32
      %get3A = arith.index_cast %mul3A_457 : i32 to index
      %get3A_458 = tpu.vector_load %arg5[%get3A] {strides = array<i32>} : memref<512xi32, #tpu.memory_space<vmem>>, vector<16xi32>,
      %add3A_459 = arith.constant 400008 : i32
      %add3A_460 = vector.broadcast %add3A_459 : i32 to vector<16xi32>
      %add3A_461 = arith.addi %get3A_458, %add3A_460 : vector<16xi32>
      %mul3A_462 = arith.constant 16 : i32
      %mul3A_463 = arith.muli %scan3A_455, %mul3A_462 : i32
      %swap3A = arith.constant 4 : i32
      %swap3A_464 = arith.index_cast %swap3A : i32 to index
      %swap3A_465 = arith.index_cast %mul3A_463 : i32 to index
      %swap3A_466 = tpu.vector_load %arg6[%swap3A_464, %swap3A_465] {strides = array<i32>} : memref<16x512xi32, #tpu.memory_space<vmem>>, vector<16xi32>,
      tpu.vector_store %arg6[%swap3A_464, %swap3A_465], %add3A_461 {strides = array<i32>} : memref<16x512xi32, #tpu.memory_space<vmem>>, vector<16xi32>,
      %scan3A_467 = arith.constant 1 : i32
      %scan3A_468 = arith.addi %scan3A_455, %scan3A_467 : i32
      %mul3A_469 = arith.constant 16 : i32
      %mul3A_470 = arith.muli %scan3A_468, %mul3A_469 : i32
      %get3A_471 = arith.index_cast %mul3A_470 : i32 to index
      %get3A_472 = tpu.vector_load %arg5[%get3A_471] {strides = array<i32>} : memref<512xi32, #tpu.memory_space<vmem>>, vector<16xi32>,
      %add3A_473 = arith.constant 400008 : i32
      %add3A_474 = vector.broadcast %add3A_473 : i32 to vector<16xi32>
      %add3A_475 = arith.addi %get3A_472, %add3A_474 : vector<16xi32>
      %mul3A_476 = arith.constant 16 : i32
      %mul3A_477 = arith.muli %scan3A_468, %mul3A_476 : i32
      %swap3A_478 = arith.constant 4 : i32
      %swap3A_479 = arith.index_cast %swap3A_478 : i32 to index
      %swap3A_480 = arith.index_cast %mul3A_477 : i32 to index
      %swap3A_481 = tpu.vector_load %arg6[%swap3A_479, %swap3A_480] {strides = array<i32>} : memref<16x512xi32, #tpu.memory_space<vmem>>, vector<16xi32>,
      tpu.vector_store %arg6[%swap3A_479, %swap3A_480], %add3A_475 {strides = array<i32>} : memref<16x512xi32, #tpu.memory_space<vmem>>, vector<16xi32>,
      %scan3A_482 = arith.constant 2 : i32
      %scan3A_483 = arith.addi %scan3A_455, %scan3A_482 : i32
      %mul3A_484 = arith.constant 16 : i32
      %mul3A_485 = arith.muli %scan3A_483, %mul3A_484 : i32
      %get3A_486 = arith.index_cast %mul3A_485 : i32 to index
      %get3A_487 = tpu.vector_load %arg5[%get3A_486] {strides = array<i32>} : memref<512xi32, #tpu.memory_space<vmem>>, vector<16xi32>,
      %add3A_488 = arith.constant 400008 : i32
      %add3A_489 = vector.broadcast %add3A_488 : i32 to vector<16xi32>
      %add3A_490 = arith.addi %get3A_487, %add3A_489 : vector<16xi32>
      %mul3A_491 = arith.constant 16 : i32
      %mul3A_492 = arith.muli %scan3A_483, %mul3A_491 : i32
      %swap3A_493 = arith.constant 4 : i32
      %swap3A_494 = arith.index_cast %swap3A_493 : i32 to index
      %swap3A_495 = arith.index_cast %mul3A_492 : i32 to index
      %swap3A_496 = tpu.vector_load %arg6[%swap3A_494, %swap3A_495] {strides = array<i32>} : memref<16x512xi32, #tpu.memory_space<vmem>>, vector<16xi32>,
      tpu.vector_store %arg6[%swap3A_494, %swap3A_495], %add3A_490 {strides = array<i32>} : memref<16x512xi32, #tpu.memory_space<vmem>>, vector<16xi32>,
      %scan3A_497 = arith.constant 3 : i32
      %scan3A_498 = arith.addi %scan3A_455, %scan3A_497 : i32
      %mul3A_499 = arith.constant 16 : i32
      %mul3A_500 = arith.muli %scan3A_498, %mul3A_499 : i32
      %get3A_501 = arith.index_cast %mul3A_500 : i32 to index
      %get3A_502 = tpu.vector_load %arg5[%get3A_501] {strides = array<i32>} : memref<512xi32, #tpu.memory_space<vmem>>, vector<16xi32>,
      %add3A_503 = arith.constant 400008 : i32
      %add3A_504 = vector.broadcast %add3A_503 : i32 to vector<16xi32>
      %add3A_505 = arith.addi %get3A_502, %add3A_504 : vector<16xi32>
      %mul3A_506 = arith.constant 16 : i32
      %mul3A_507 = arith.muli %scan3A_498, %mul3A_506 : i32
      %swap3A_508 = arith.constant 4 : i32
      %swap3A_509 = arith.index_cast %swap3A_508 : i32 to index
      %swap3A_510 = arith.index_cast %mul3A_507 : i32 to index
      %swap3A_511 = tpu.vector_load %arg6[%swap3A_509, %swap3A_510] {strides = array<i32>} : memref<16x512xi32, #tpu.memory_space<vmem>>, vector<16xi32>,
      tpu.vector_store %arg6[%swap3A_509, %swap3A_510], %add3A_505 {strides = array<i32>} : memref<16x512xi32, #tpu.memory_space<vmem>>, vector<16xi32>,
    }
    %scan3A_70 = arith.constant 32 : i32
    %dma_start3A_71 = arith.constant 4 : i32
    %dma_start3A_72 = arith.constant 4 : i32
    %dma_start3A_73 = arith.constant 0 : i32
    %dma_start3A_74 = tpu.memref_slice %arg7[%dma_start3A_72, %dma_start3A_73] : memref<16x512xf32, #tpu.memory_space<vmem>> -> memref<1x512xf32, #tpu.memory_space<vmem>>
    %dma_start3A_75 = tpu.memref_squeeze %dma_start3A_74 : memref<1x512xf32, #tpu.memory_space<vmem>> -> memref<512xf32, #tpu.memory_space<vmem>>
    %dma_start3A_76 = arith.constant 0 : i32
    %dma_start3A_77 = tpu.memref_slice %arg6[%dma_start3A_71, %dma_start3A_76] : memref<16x512xi32, #tpu.memory_space<vmem>> -> memref<1x512xi32, #tpu.memory_space<vmem>>
    %dma_start3A_78 = tpu.memref_squeeze %dma_start3A_77 : memref<1x512xi32, #tpu.memory_space<vmem>> -> memref<512xi32, #tpu.memory_space<vmem>>
    %dma_start3A_79 = arith.constant 0 : i32
    %dma_start3A_80 = tpu.memref_slice %arg2[%dma_start3A_79] : memref<1600032xf32, #tpu.memory_space<hbm>> -> memref<1600032xf32, #tpu.memory_space<hbm>>
    tpu.enqueue_indirect_dma source(%dma_start3A_80 : memref<1600032xf32, #tpu.memory_space<hbm>>) target(%dma_start3A_75 : memref<512xf32, #tpu.memory_space<vmem>>) offsets(%dma_start3A_78 : memref<512xi32, #tpu.memory_space<vmem>>) semaphore(%arg8 : memref<!tpu.dma_semaphore, #tpu.memory_space<semaphore_mem>>)
    %scan3A_81 = arith.constant 0 : i32
    %scan3A_82 = arith.constant 0 : i32
    %scan3A_83 = arith.constant 32 : i32
    %scan3A_84 = arith.addi %scan3A_82, %scan3A_83 : i32
    %scan3A_85 = arith.constant 4 : i32
    scf.for %scan3A_455 = %scan3A_82 to %scan3A_84 step %scan3A_85  : i32 {
      %mul3A_456 = arith.constant 16 : i32
      %mul3A_457 = arith.muli %scan3A_455, %mul3A_456 : i32
      %get3A = arith.index_cast %mul3A_457 : i32 to index
      %get3A_458 = tpu.vector_load %arg5[%get3A] {strides = array<i32>} : memref<512xi32, #tpu.memory_space<vmem>>, vector<16xi32>,
      %add3A_459 = arith.constant 500010 : i32
      %add3A_460 = vector.broadcast %add3A_459 : i32 to vector<16xi32>
      %add3A_461 = arith.addi %get3A_458, %add3A_460 : vector<16xi32>
      %mul3A_462 = arith.constant 16 : i32
      %mul3A_463 = arith.muli %scan3A_455, %mul3A_462 : i32
      %swap3A = arith.constant 5 : i32
      %swap3A_464 = arith.index_cast %swap3A : i32 to index
      %swap3A_465 = arith.index_cast %mul3A_463 : i32 to index
      %swap3A_466 = tpu.vector_load %arg6[%swap3A_464, %swap3A_465] {strides = array<i32>} : memref<16x512xi32, #tpu.memory_space<vmem>>, vector<16xi32>,
      tpu.vector_store %arg6[%swap3A_464, %swap3A_465], %add3A_461 {strides = array<i32>} : memref<16x512xi32, #tpu.memory_space<vmem>>, vector<16xi32>,
      %scan3A_467 = arith.constant 1 : i32
      %scan3A_468 = arith.addi %scan3A_455, %scan3A_467 : i32
      %mul3A_469 = arith.constant 16 : i32
      %mul3A_470 = arith.muli %scan3A_468, %mul3A_469 : i32
      %get3A_471 = arith.index_cast %mul3A_470 : i32 to index
      %get3A_472 = tpu.vector_load %arg5[%get3A_471] {strides = array<i32>} : memref<512xi32, #tpu.memory_space<vmem>>, vector<16xi32>,
      %add3A_473 = arith.constant 500010 : i32
      %add3A_474 = vector.broadcast %add3A_473 : i32 to vector<16xi32>
      %add3A_475 = arith.addi %get3A_472, %add3A_474 : vector<16xi32>
      %mul3A_476 = arith.constant 16 : i32
      %mul3A_477 = arith.muli %scan3A_468, %mul3A_476 : i32
      %swap3A_478 = arith.constant 5 : i32
      %swap3A_479 = arith.index_cast %swap3A_478 : i32 to index
      %swap3A_480 = arith.index_cast %mul3A_477 : i32 to index
      %swap3A_481 = tpu.vector_load %arg6[%swap3A_479, %swap3A_480] {strides = array<i32>} : memref<16x512xi32, #tpu.memory_space<vmem>>, vector<16xi32>,
      tpu.vector_store %arg6[%swap3A_479, %swap3A_480], %add3A_475 {strides = array<i32>} : memref<16x512xi32, #tpu.memory_space<vmem>>, vector<16xi32>,
      %scan3A_482 = arith.constant 2 : i32
      %scan3A_483 = arith.addi %scan3A_455, %scan3A_482 : i32
      %mul3A_484 = arith.constant 16 : i32
      %mul3A_485 = arith.muli %scan3A_483, %mul3A_484 : i32
      %get3A_486 = arith.index_cast %mul3A_485 : i32 to index
      %get3A_487 = tpu.vector_load %arg5[%get3A_486] {strides = array<i32>} : memref<512xi32, #tpu.memory_space<vmem>>, vector<16xi32>,
      %add3A_488 = arith.constant 500010 : i32
      %add3A_489 = vector.broadcast %add3A_488 : i32 to vector<16xi32>
      %add3A_490 = arith.addi %get3A_487, %add3A_489 : vector<16xi32>
      %mul3A_491 = arith.constant 16 : i32
      %mul3A_492 = arith.muli %scan3A_483, %mul3A_491 : i32
      %swap3A_493 = arith.constant 5 : i32
      %swap3A_494 = arith.index_cast %swap3A_493 : i32 to index
      %swap3A_495 = arith.index_cast %mul3A_492 : i32 to index
      %swap3A_496 = tpu.vector_load %arg6[%swap3A_494, %swap3A_495] {strides = array<i32>} : memref<16x512xi32, #tpu.memory_space<vmem>>, vector<16xi32>,
      tpu.vector_store %arg6[%swap3A_494, %swap3A_495], %add3A_490 {strides = array<i32>} : memref<16x512xi32, #tpu.memory_space<vmem>>, vector<16xi32>,
      %scan3A_497 = arith.constant 3 : i32
      %scan3A_498 = arith.addi %scan3A_455, %scan3A_497 : i32
      %mul3A_499 = arith.constant 16 : i32
      %mul3A_500 = arith.muli %scan3A_498, %mul3A_499 : i32
      %get3A_501 = arith.index_cast %mul3A_500 : i32 to index
      %get3A_502 = tpu.vector_load %arg5[%get3A_501] {strides = array<i32>} : memref<512xi32, #tpu.memory_space<vmem>>, vector<16xi32>,
      %add3A_503 = arith.constant 500010 : i32
      %add3A_504 = vector.broadcast %add3A_503 : i32 to vector<16xi32>
      %add3A_505 = arith.addi %get3A_502, %add3A_504 : vector<16xi32>
      %mul3A_506 = arith.constant 16 : i32
      %mul3A_507 = arith.muli %scan3A_498, %mul3A_506 : i32
      %swap3A_508 = arith.constant 5 : i32
      %swap3A_509 = arith.index_cast %swap3A_508 : i32 to index
      %swap3A_510 = arith.index_cast %mul3A_507 : i32 to index
      %swap3A_511 = tpu.vector_load %arg6[%swap3A_509, %swap3A_510] {strides = array<i32>} : memref<16x512xi32, #tpu.memory_space<vmem>>, vector<16xi32>,
      tpu.vector_store %arg6[%swap3A_509, %swap3A_510], %add3A_505 {strides = array<i32>} : memref<16x512xi32, #tpu.memory_space<vmem>>, vector<16xi32>,
    }
    %scan3A_86 = arith.constant 32 : i32
    %dma_start3A_87 = arith.constant 5 : i32
    %dma_start3A_88 = arith.constant 5 : i32
    %dma_start3A_89 = arith.constant 0 : i32
    %dma_start3A_90 = tpu.memref_slice %arg7[%dma_start3A_88, %dma_start3A_89] : memref<16x512xf32, #tpu.memory_space<vmem>> -> memref<1x512xf32, #tpu.memory_space<vmem>>
    %dma_start3A_91 = tpu.memref_squeeze %dma_start3A_90 : memref<1x512xf32, #tpu.memory_space<vmem>> -> memref<512xf32, #tpu.memory_space<vmem>>
    %dma_start3A_92 = arith.constant 0 : i32
    %dma_start3A_93 = tpu.memref_slice %arg6[%dma_start3A_87, %dma_start3A_92] : memref<16x512xi32, #tpu.memory_space<vmem>> -> memref<1x512xi32, #tpu.memory_space<vmem>>
    %dma_start3A_94 = tpu.memref_squeeze %dma_start3A_93 : memref<1x512xi32, #tpu.memory_space<vmem>> -> memref<512xi32, #tpu.memory_space<vmem>>
    %dma_start3A_95 = arith.constant 0 : i32
    %dma_start3A_96 = tpu.memref_slice %arg2[%dma_start3A_95] : memref<1600032xf32, #tpu.memory_space<hbm>> -> memref<1600032xf32, #tpu.memory_space<hbm>>
    tpu.enqueue_indirect_dma source(%dma_start3A_96 : memref<1600032xf32, #tpu.memory_space<hbm>>) target(%dma_start3A_91 : memref<512xf32, #tpu.memory_space<vmem>>) offsets(%dma_start3A_94 : memref<512xi32, #tpu.memory_space<vmem>>) semaphore(%arg8 : memref<!tpu.dma_semaphore, #tpu.memory_space<semaphore_mem>>)
    %scan3A_97 = arith.constant 0 : i32
    %scan3A_98 = arith.constant 0 : i32
    %scan3A_99 = arith.constant 32 : i32
    %scan3A_100 = arith.addi %scan3A_98, %scan3A_99 : i32
    %scan3A_101 = arith.constant 4 : i32
    scf.for %scan3A_455 = %scan3A_98 to %scan3A_100 step %scan3A_101  : i32 {
      %mul3A_456 = arith.constant 16 : i32
      %mul3A_457 = arith.muli %scan3A_455, %mul3A_456 : i32
      %get3A = arith.index_cast %mul3A_457 : i32 to index
      %get3A_458 = tpu.vector_load %arg5[%get3A] {strides = array<i32>} : memref<512xi32, #tpu.memory_space<vmem>>, vector<16xi32>,
      %add3A_459 = arith.constant 600012 : i32
      %add3A_460 = vector.broadcast %add3A_459 : i32 to vector<16xi32>
      %add3A_461 = arith.addi %get3A_458, %add3A_460 : vector<16xi32>
      %mul3A_462 = arith.constant 16 : i32
      %mul3A_463 = arith.muli %scan3A_455, %mul3A_462 : i32
      %swap3A = arith.constant 6 : i32
      %swap3A_464 = arith.index_cast %swap3A : i32 to index
      %swap3A_465 = arith.index_cast %mul3A_463 : i32 to index
      %swap3A_466 = tpu.vector_load %arg6[%swap3A_464, %swap3A_465] {strides = array<i32>} : memref<16x512xi32, #tpu.memory_space<vmem>>, vector<16xi32>,
      tpu.vector_store %arg6[%swap3A_464, %swap3A_465], %add3A_461 {strides = array<i32>} : memref<16x512xi32, #tpu.memory_space<vmem>>, vector<16xi32>,
      %scan3A_467 = arith.constant 1 : i32
      %scan3A_468 = arith.addi %scan3A_455, %scan3A_467 : i32
      %mul3A_469 = arith.constant 16 : i32
      %mul3A_470 = arith.muli %scan3A_468, %mul3A_469 : i32
      %get3A_471 = arith.index_cast %mul3A_470 : i32 to index
      %get3A_472 = tpu.vector_load %arg5[%get3A_471] {strides = array<i32>} : memref<512xi32, #tpu.memory_space<vmem>>, vector<16xi32>,
      %add3A_473 = arith.constant 600012 : i32
      %add3A_474 = vector.broadcast %add3A_473 : i32 to vector<16xi32>
      %add3A_475 = arith.addi %get3A_472, %add3A_474 : vector<16xi32>
      %mul3A_476 = arith.constant 16 : i32
      %mul3A_477 = arith.muli %scan3A_468, %mul3A_476 : i32
      %swap3A_478 = arith.constant 6 : i32
      %swap3A_479 = arith.index_cast %swap3A_478 : i32 to index
      %swap3A_480 = arith.index_cast %mul3A_477 : i32 to index
      %swap3A_481 = tpu.vector_load %arg6[%swap3A_479, %swap3A_480] {strides = array<i32>} : memref<16x512xi32, #tpu.memory_space<vmem>>, vector<16xi32>,
      tpu.vector_store %arg6[%swap3A_479, %swap3A_480], %add3A_475 {strides = array<i32>} : memref<16x512xi32, #tpu.memory_space<vmem>>, vector<16xi32>,
      %scan3A_482 = arith.constant 2 : i32
      %scan3A_483 = arith.addi %scan3A_455, %scan3A_482 : i32
      %mul3A_484 = arith.constant 16 : i32
      %mul3A_485 = arith.muli %scan3A_483, %mul3A_484 : i32
      %get3A_486 = arith.index_cast %mul3A_485 : i32 to index
      %get3A_487 = tpu.vector_load %arg5[%get3A_486] {strides = array<i32>} : memref<512xi32, #tpu.memory_space<vmem>>, vector<16xi32>,
      %add3A_488 = arith.constant 600012 : i32
      %add3A_489 = vector.broadcast %add3A_488 : i32 to vector<16xi32>
      %add3A_490 = arith.addi %get3A_487, %add3A_489 : vector<16xi32>
      %mul3A_491 = arith.constant 16 : i32
      %mul3A_492 = arith.muli %scan3A_483, %mul3A_491 : i32
      %swap3A_493 = arith.constant 6 : i32
      %swap3A_494 = arith.index_cast %swap3A_493 : i32 to index
      %swap3A_495 = arith.index_cast %mul3A_492 : i32 to index
      %swap3A_496 = tpu.vector_load %arg6[%swap3A_494, %swap3A_495] {strides = array<i32>} : memref<16x512xi32, #tpu.memory_space<vmem>>, vector<16xi32>,
      tpu.vector_store %arg6[%swap3A_494, %swap3A_495], %add3A_490 {strides = array<i32>} : memref<16x512xi32, #tpu.memory_space<vmem>>, vector<16xi32>,
      %scan3A_497 = arith.constant 3 : i32
      %scan3A_498 = arith.addi %scan3A_455, %scan3A_497 : i32
      %mul3A_499 = arith.constant 16 : i32
      %mul3A_500 = arith.muli %scan3A_498, %mul3A_499 : i32
      %get3A_501 = arith.index_cast %mul3A_500 : i32 to index
      %get3A_502 = tpu.vector_load %arg5[%get3A_501] {strides = array<i32>} : memref<512xi32, #tpu.memory_space<vmem>>, vector<16xi32>,
      %add3A_503 = arith.constant 600012 : i32
      %add3A_504 = vector.broadcast %add3A_503 : i32 to vector<16xi32>
      %add3A_505 = arith.addi %get3A_502, %add3A_504 : vector<16xi32>
      %mul3A_506 = arith.constant 16 : i32
      %mul3A_507 = arith.muli %scan3A_498, %mul3A_506 : i32
      %swap3A_508 = arith.constant 6 : i32
      %swap3A_509 = arith.index_cast %swap3A_508 : i32 to index
      %swap3A_510 = arith.index_cast %mul3A_507 : i32 to index
      %swap3A_511 = tpu.vector_load %arg6[%swap3A_509, %swap3A_510] {strides = array<i32>} : memref<16x512xi32, #tpu.memory_space<vmem>>, vector<16xi32>,
      tpu.vector_store %arg6[%swap3A_509, %swap3A_510], %add3A_505 {strides = array<i32>} : memref<16x512xi32, #tpu.memory_space<vmem>>, vector<16xi32>,
    }
    %scan3A_102 = arith.constant 32 : i32
    %dma_start3A_103 = arith.constant 6 : i32
    %dma_start3A_104 = arith.constant 6 : i32
    %dma_start3A_105 = arith.constant 0 : i32
    %dma_start3A_106 = tpu.memref_slice %arg7[%dma_start3A_104, %dma_start3A_105] : memref<16x512xf32, #tpu.memory_space<vmem>> -> memref<1x512xf32, #tpu.memory_space<vmem>>
    %dma_start3A_107 = tpu.memref_squeeze %dma_start3A_106 : memref<1x512xf32, #tpu.memory_space<vmem>> -> memref<512xf32, #tpu.memory_space<vmem>>
    %dma_start3A_108 = arith.constant 0 : i32
    %dma_start3A_109 = tpu.memref_slice %arg6[%dma_start3A_103, %dma_start3A_108] : memref<16x512xi32, #tpu.memory_space<vmem>> -> memref<1x512xi32, #tpu.memory_space<vmem>>
    %dma_start3A_110 = tpu.memref_squeeze %dma_start3A_109 : memref<1x512xi32, #tpu.memory_space<vmem>> -> memref<512xi32, #tpu.memory_space<vmem>>
    %dma_start3A_111 = arith.constant 0 : i32
    %dma_start3A_112 = tpu.memref_slice %arg2[%dma_start3A_111] : memref<1600032xf32, #tpu.memory_space<hbm>> -> memref<1600032xf32, #tpu.memory_space<hbm>>
    tpu.enqueue_indirect_dma source(%dma_start3A_112 : memref<1600032xf32, #tpu.memory_space<hbm>>) target(%dma_start3A_107 : memref<512xf32, #tpu.memory_space<vmem>>) offsets(%dma_start3A_110 : memref<512xi32, #tpu.memory_space<vmem>>) semaphore(%arg8 : memref<!tpu.dma_semaphore, #tpu.memory_space<semaphore_mem>>)
    %scan3A_113 = arith.constant 0 : i32
    %scan3A_114 = arith.constant 0 : i32
    %scan3A_115 = arith.constant 32 : i32
    %scan3A_116 = arith.addi %scan3A_114, %scan3A_115 : i32
    %scan3A_117 = arith.constant 4 : i32
    scf.for %scan3A_455 = %scan3A_114 to %scan3A_116 step %scan3A_117  : i32 {
      %mul3A_456 = arith.constant 16 : i32
      %mul3A_457 = arith.muli %scan3A_455, %mul3A_456 : i32
      %get3A = arith.index_cast %mul3A_457 : i32 to index
      %get3A_458 = tpu.vector_load %arg5[%get3A] {strides = array<i32>} : memref<512xi32, #tpu.memory_space<vmem>>, vector<16xi32>,
      %add3A_459 = arith.constant 700014 : i32
      %add3A_460 = vector.broadcast %add3A_459 : i32 to vector<16xi32>
      %add3A_461 = arith.addi %get3A_458, %add3A_460 : vector<16xi32>
      %mul3A_462 = arith.constant 16 : i32
      %mul3A_463 = arith.muli %scan3A_455, %mul3A_462 : i32
      %swap3A = arith.constant 7 : i32
      %swap3A_464 = arith.index_cast %swap3A : i32 to index
      %swap3A_465 = arith.index_cast %mul3A_463 : i32 to index
      %swap3A_466 = tpu.vector_load %arg6[%swap3A_464, %swap3A_465] {strides = array<i32>} : memref<16x512xi32, #tpu.memory_space<vmem>>, vector<16xi32>,
      tpu.vector_store %arg6[%swap3A_464, %swap3A_465], %add3A_461 {strides = array<i32>} : memref<16x512xi32, #tpu.memory_space<vmem>>, vector<16xi32>,
      %scan3A_467 = arith.constant 1 : i32
      %scan3A_468 = arith.addi %scan3A_455, %scan3A_467 : i32
      %mul3A_469 = arith.constant 16 : i32
      %mul3A_470 = arith.muli %scan3A_468, %mul3A_469 : i32
      %get3A_471 = arith.index_cast %mul3A_470 : i32 to index
      %get3A_472 = tpu.vector_load %arg5[%get3A_471] {strides = array<i32>} : memref<512xi32, #tpu.memory_space<vmem>>, vector<16xi32>,
      %add3A_473 = arith.constant 700014 : i32
      %add3A_474 = vector.broadcast %add3A_473 : i32 to vector<16xi32>
      %add3A_475 = arith.addi %get3A_472, %add3A_474 : vector<16xi32>
      %mul3A_476 = arith.constant 16 : i32
      %mul3A_477 = arith.muli %scan3A_468, %mul3A_476 : i32
      %swap3A_478 = arith.constant 7 : i32
      %swap3A_479 = arith.index_cast %swap3A_478 : i32 to index
      %swap3A_480 = arith.index_cast %mul3A_477 : i32 to index
      %swap3A_481 = tpu.vector_load %arg6[%swap3A_479, %swap3A_480] {strides = array<i32>} : memref<16x512xi32, #tpu.memory_space<vmem>>, vector<16xi32>,
      tpu.vector_store %arg6[%swap3A_479, %swap3A_480], %add3A_475 {strides = array<i32>} : memref<16x512xi32, #tpu.memory_space<vmem>>, vector<16xi32>,
      %scan3A_482 = arith.constant 2 : i32
      %scan3A_483 = arith.addi %scan3A_455, %scan3A_482 : i32
      %mul3A_484 = arith.constant 16 : i32
      %mul3A_485 = arith.muli %scan3A_483, %mul3A_484 : i32
      %get3A_486 = arith.index_cast %mul3A_485 : i32 to index
      %get3A_487 = tpu.vector_load %arg5[%get3A_486] {strides = array<i32>} : memref<512xi32, #tpu.memory_space<vmem>>, vector<16xi32>,
      %add3A_488 = arith.constant 700014 : i32
      %add3A_489 = vector.broadcast %add3A_488 : i32 to vector<16xi32>
      %add3A_490 = arith.addi %get3A_487, %add3A_489 : vector<16xi32>
      %mul3A_491 = arith.constant 16 : i32
      %mul3A_492 = arith.muli %scan3A_483, %mul3A_491 : i32
      %swap3A_493 = arith.constant 7 : i32
      %swap3A_494 = arith.index_cast %swap3A_493 : i32 to index
      %swap3A_495 = arith.index_cast %mul3A_492 : i32 to index
      %swap3A_496 = tpu.vector_load %arg6[%swap3A_494, %swap3A_495] {strides = array<i32>} : memref<16x512xi32, #tpu.memory_space<vmem>>, vector<16xi32>,
      tpu.vector_store %arg6[%swap3A_494, %swap3A_495], %add3A_490 {strides = array<i32>} : memref<16x512xi32, #tpu.memory_space<vmem>>, vector<16xi32>,
      %scan3A_497 = arith.constant 3 : i32
      %scan3A_498 = arith.addi %scan3A_455, %scan3A_497 : i32
      %mul3A_499 = arith.constant 16 : i32
      %mul3A_500 = arith.muli %scan3A_498, %mul3A_499 : i32
      %get3A_501 = arith.index_cast %mul3A_500 : i32 to index
      %get3A_502 = tpu.vector_load %arg5[%get3A_501] {strides = array<i32>} : memref<512xi32, #tpu.memory_space<vmem>>, vector<16xi32>,
      %add3A_503 = arith.constant 700014 : i32
      %add3A_504 = vector.broadcast %add3A_503 : i32 to vector<16xi32>
      %add3A_505 = arith.addi %get3A_502, %add3A_504 : vector<16xi32>
      %mul3A_506 = arith.constant 16 : i32
      %mul3A_507 = arith.muli %scan3A_498, %mul3A_506 : i32
      %swap3A_508 = arith.constant 7 : i32
      %swap3A_509 = arith.index_cast %swap3A_508 : i32 to index
      %swap3A_510 = arith.index_cast %mul3A_507 : i32 to index
      %swap3A_511 = tpu.vector_load %arg6[%swap3A_509, %swap3A_510] {strides = array<i32>} : memref<16x512xi32, #tpu.memory_space<vmem>>, vector<16xi32>,
      tpu.vector_store %arg6[%swap3A_509, %swap3A_510], %add3A_505 {strides = array<i32>} : memref<16x512xi32, #tpu.memory_space<vmem>>, vector<16xi32>,
    }
    %scan3A_118 = arith.constant 32 : i32
    %dma_start3A_119 = arith.constant 7 : i32
    %dma_start3A_120 = arith.constant 7 : i32
    %dma_start3A_121 = arith.constant 0 : i32
    %dma_start3A_122 = tpu.memref_slice %arg7[%dma_start3A_120, %dma_start3A_121] : memref<16x512xf32, #tpu.memory_space<vmem>> -> memref<1x512xf32, #tpu.memory_space<vmem>>
    %dma_start3A_123 = tpu.memref_squeeze %dma_start3A_122 : memref<1x512xf32, #tpu.memory_space<vmem>> -> memref<512xf32, #tpu.memory_space<vmem>>
    %dma_start3A_124 = arith.constant 0 : i32
    %dma_start3A_125 = tpu.memref_slice %arg6[%dma_start3A_119, %dma_start3A_124] : memref<16x512xi32, #tpu.memory_space<vmem>> -> memref<1x512xi32, #tpu.memory_space<vmem>>
    %dma_start3A_126 = tpu.memref_squeeze %dma_start3A_125 : memref<1x512xi32, #tpu.memory_space<vmem>> -> memref<512xi32, #tpu.memory_space<vmem>>
    %dma_start3A_127 = arith.constant 0 : i32
    %dma_start3A_128 = tpu.memref_slice %arg2[%dma_start3A_127] : memref<1600032xf32, #tpu.memory_space<hbm>> -> memref<1600032xf32, #tpu.memory_space<hbm>>
    tpu.enqueue_indirect_dma source(%dma_start3A_128 : memref<1600032xf32, #tpu.memory_space<hbm>>) target(%dma_start3A_123 : memref<512xf32, #tpu.memory_space<vmem>>) offsets(%dma_start3A_126 : memref<512xi32, #tpu.memory_space<vmem>>) semaphore(%arg8 : memref<!tpu.dma_semaphore, #tpu.memory_space<semaphore_mem>>)
    %scan3A_129 = arith.constant 0 : i32
    %scan3A_130 = arith.constant 0 : i32
    %scan3A_131 = arith.constant 32 : i32
    %scan3A_132 = arith.addi %scan3A_130, %scan3A_131 : i32
    %scan3A_133 = arith.constant 4 : i32
    scf.for %scan3A_455 = %scan3A_130 to %scan3A_132 step %scan3A_133  : i32 {
      %mul3A_456 = arith.constant 16 : i32
      %mul3A_457 = arith.muli %scan3A_455, %mul3A_456 : i32
      %get3A = arith.index_cast %mul3A_457 : i32 to index
      %get3A_458 = tpu.vector_load %arg5[%get3A] {strides = array<i32>} : memref<512xi32, #tpu.memory_space<vmem>>, vector<16xi32>,
      %add3A_459 = arith.constant 800016 : i32
      %add3A_460 = vector.broadcast %add3A_459 : i32 to vector<16xi32>
      %add3A_461 = arith.addi %get3A_458, %add3A_460 : vector<16xi32>
      %mul3A_462 = arith.constant 16 : i32
      %mul3A_463 = arith.muli %scan3A_455, %mul3A_462 : i32
      %swap3A = arith.constant 8 : i32
      %swap3A_464 = arith.index_cast %swap3A : i32 to index
      %swap3A_465 = arith.index_cast %mul3A_463 : i32 to index
      %swap3A_466 = tpu.vector_load %arg6[%swap3A_464, %swap3A_465] {strides = array<i32>} : memref<16x512xi32, #tpu.memory_space<vmem>>, vector<16xi32>,
      tpu.vector_store %arg6[%swap3A_464, %swap3A_465], %add3A_461 {strides = array<i32>} : memref<16x512xi32, #tpu.memory_space<vmem>>, vector<16xi32>,
      %scan3A_467 = arith.constant 1 : i32
      %scan3A_468 = arith.addi %scan3A_455, %scan3A_467 : i32
      %mul3A_469 = arith.constant 16 : i32
      %mul3A_470 = arith.muli %scan3A_468, %mul3A_469 : i32
      %get3A_471 = arith.index_cast %mul3A_470 : i32 to index
      %get3A_472 = tpu.vector_load %arg5[%get3A_471] {strides = array<i32>} : memref<512xi32, #tpu.memory_space<vmem>>, vector<16xi32>,
      %add3A_473 = arith.constant 800016 : i32
      %add3A_474 = vector.broadcast %add3A_473 : i32 to vector<16xi32>
      %add3A_475 = arith.addi %get3A_472, %add3A_474 : vector<16xi32>
      %mul3A_476 = arith.constant 16 : i32
      %mul3A_477 = arith.muli %scan3A_468, %mul3A_476 : i32
      %swap3A_478 = arith.constant 8 : i32
      %swap3A_479 = arith.index_cast %swap3A_478 : i32 to index
      %swap3A_480 = arith.index_cast %mul3A_477 : i32 to index
      %swap3A_481 = tpu.vector_load %arg6[%swap3A_479, %swap3A_480] {strides = array<i32>} : memref<16x512xi32, #tpu.memory_space<vmem>>, vector<16xi32>,
      tpu.vector_store %arg6[%swap3A_479, %swap3A_480], %add3A_475 {strides = array<i32>} : memref<16x512xi32, #tpu.memory_space<vmem>>, vector<16xi32>,
      %scan3A_482 = arith.constant 2 : i32
      %scan3A_483 = arith.addi %scan3A_455, %scan3A_482 : i32
      %mul3A_484 = arith.constant 16 : i32
      %mul3A_485 = arith.muli %scan3A_483, %mul3A_484 : i32
      %get3A_486 = arith.index_cast %mul3A_485 : i32 to index
      %get3A_487 = tpu.vector_load %arg5[%get3A_486] {strides = array<i32>} : memref<512xi32, #tpu.memory_space<vmem>>, vector<16xi32>,
      %add3A_488 = arith.constant 800016 : i32
      %add3A_489 = vector.broadcast %add3A_488 : i32 to vector<16xi32>
      %add3A_490 = arith.addi %get3A_487, %add3A_489 : vector<16xi32>
      %mul3A_491 = arith.constant 16 : i32
      %mul3A_492 = arith.muli %scan3A_483, %mul3A_491 : i32
      %swap3A_493 = arith.constant 8 : i32
      %swap3A_494 = arith.index_cast %swap3A_493 : i32 to index
      %swap3A_495 = arith.index_cast %mul3A_492 : i32 to index
      %swap3A_496 = tpu.vector_load %arg6[%swap3A_494, %swap3A_495] {strides = array<i32>} : memref<16x512xi32, #tpu.memory_space<vmem>>, vector<16xi32>,
      tpu.vector_store %arg6[%swap3A_494, %swap3A_495], %add3A_490 {strides = array<i32>} : memref<16x512xi32, #tpu.memory_space<vmem>>, vector<16xi32>,
      %scan3A_497 = arith.constant 3 : i32
      %scan3A_498 = arith.addi %scan3A_455, %scan3A_497 : i32
      %mul3A_499 = arith.constant 16 : i32
      %mul3A_500 = arith.muli %scan3A_498, %mul3A_499 : i32
      %get3A_501 = arith.index_cast %mul3A_500 : i32 to index
      %get3A_502 = tpu.vector_load %arg5[%get3A_501] {strides = array<i32>} : memref<512xi32, #tpu.memory_space<vmem>>, vector<16xi32>,
      %add3A_503 = arith.constant 800016 : i32
      %add3A_504 = vector.broadcast %add3A_503 : i32 to vector<16xi32>
      %add3A_505 = arith.addi %get3A_502, %add3A_504 : vector<16xi32>
      %mul3A_506 = arith.constant 16 : i32
      %mul3A_507 = arith.muli %scan3A_498, %mul3A_506 : i32
      %swap3A_508 = arith.constant 8 : i32
      %swap3A_509 = arith.index_cast %swap3A_508 : i32 to index
      %swap3A_510 = arith.index_cast %mul3A_507 : i32 to index
      %swap3A_511 = tpu.vector_load %arg6[%swap3A_509, %swap3A_510] {strides = array<i32>} : memref<16x512xi32, #tpu.memory_space<vmem>>, vector<16xi32>,
      tpu.vector_store %arg6[%swap3A_509, %swap3A_510], %add3A_505 {strides = array<i32>} : memref<16x512xi32, #tpu.memory_space<vmem>>, vector<16xi32>,
    }
    %scan3A_134 = arith.constant 32 : i32
    %dma_start3A_135 = arith.constant 8 : i32
    %dma_start3A_136 = arith.constant 8 : i32
    %dma_start3A_137 = arith.constant 0 : i32
    %dma_start3A_138 = tpu.memref_slice %arg7[%dma_start3A_136, %dma_start3A_137] : memref<16x512xf32, #tpu.memory_space<vmem>> -> memref<1x512xf32, #tpu.memory_space<vmem>>
    %dma_start3A_139 = tpu.memref_squeeze %dma_start3A_138 : memref<1x512xf32, #tpu.memory_space<vmem>> -> memref<512xf32, #tpu.memory_space<vmem>>
    %dma_start3A_140 = arith.constant 0 : i32
    %dma_start3A_141 = tpu.memref_slice %arg6[%dma_start3A_135, %dma_start3A_140] : memref<16x512xi32, #tpu.memory_space<vmem>> -> memref<1x512xi32, #tpu.memory_space<vmem>>
    %dma_start3A_142 = tpu.memref_squeeze %dma_start3A_141 : memref<1x512xi32, #tpu.memory_space<vmem>> -> memref<512xi32, #tpu.memory_space<vmem>>
    %dma_start3A_143 = arith.constant 0 : i32
    %dma_start3A_144 = tpu.memref_slice %arg2[%dma_start3A_143] : memref<1600032xf32, #tpu.memory_space<hbm>> -> memref<1600032xf32, #tpu.memory_space<hbm>>
    tpu.enqueue_indirect_dma source(%dma_start3A_144 : memref<1600032xf32, #tpu.memory_space<hbm>>) target(%dma_start3A_139 : memref<512xf32, #tpu.memory_space<vmem>>) offsets(%dma_start3A_142 : memref<512xi32, #tpu.memory_space<vmem>>) semaphore(%arg9 : memref<!tpu.dma_semaphore, #tpu.memory_space<semaphore_mem>>)
    %scan3A_145 = arith.constant 0 : i32
    %scan3A_146 = arith.constant 0 : i32
    %scan3A_147 = arith.constant 32 : i32
    %scan3A_148 = arith.addi %scan3A_146, %scan3A_147 : i32
    %scan3A_149 = arith.constant 4 : i32
    scf.for %scan3A_455 = %scan3A_146 to %scan3A_148 step %scan3A_149  : i32 {
      %mul3A_456 = arith.constant 16 : i32
      %mul3A_457 = arith.muli %scan3A_455, %mul3A_456 : i32
      %get3A = arith.index_cast %mul3A_457 : i32 to index
      %get3A_458 = tpu.vector_load %arg5[%get3A] {strides = array<i32>} : memref<512xi32, #tpu.memory_space<vmem>>, vector<16xi32>,
      %add3A_459 = arith.constant 900018 : i32
      %add3A_460 = vector.broadcast %add3A_459 : i32 to vector<16xi32>
      %add3A_461 = arith.addi %get3A_458, %add3A_460 : vector<16xi32>
      %mul3A_462 = arith.constant 16 : i32
      %mul3A_463 = arith.muli %scan3A_455, %mul3A_462 : i32
      %swap3A = arith.constant 9 : i32
      %swap3A_464 = arith.index_cast %swap3A : i32 to index
      %swap3A_465 = arith.index_cast %mul3A_463 : i32 to index
      %swap3A_466 = tpu.vector_load %arg6[%swap3A_464, %swap3A_465] {strides = array<i32>} : memref<16x512xi32, #tpu.memory_space<vmem>>, vector<16xi32>,
      tpu.vector_store %arg6[%swap3A_464, %swap3A_465], %add3A_461 {strides = array<i32>} : memref<16x512xi32, #tpu.memory_space<vmem>>, vector<16xi32>,
      %scan3A_467 = arith.constant 1 : i32
      %scan3A_468 = arith.addi %scan3A_455, %scan3A_467 : i32
      %mul3A_469 = arith.constant 16 : i32
      %mul3A_470 = arith.muli %scan3A_468, %mul3A_469 : i32
      %get3A_471 = arith.index_cast %mul3A_470 : i32 to index
      %get3A_472 = tpu.vector_load %arg5[%get3A_471] {strides = array<i32>} : memref<512xi32, #tpu.memory_space<vmem>>, vector<16xi32>,
      %add3A_473 = arith.constant 900018 : i32
      %add3A_474 = vector.broadcast %add3A_473 : i32 to vector<16xi32>
      %add3A_475 = arith.addi %get3A_472, %add3A_474 : vector<16xi32>
      %mul3A_476 = arith.constant 16 : i32
      %mul3A_477 = arith.muli %scan3A_468, %mul3A_476 : i32
      %swap3A_478 = arith.constant 9 : i32
      %swap3A_479 = arith.index_cast %swap3A_478 : i32 to index
      %swap3A_480 = arith.index_cast %mul3A_477 : i32 to index
      %swap3A_481 = tpu.vector_load %arg6[%swap3A_479, %swap3A_480] {strides = array<i32>} : memref<16x512xi32, #tpu.memory_space<vmem>>, vector<16xi32>,
      tpu.vector_store %arg6[%swap3A_479, %swap3A_480], %add3A_475 {strides = array<i32>} : memref<16x512xi32, #tpu.memory_space<vmem>>, vector<16xi32>,
      %scan3A_482 = arith.constant 2 : i32
      %scan3A_483 = arith.addi %scan3A_455, %scan3A_482 : i32
      %mul3A_484 = arith.constant 16 : i32
      %mul3A_485 = arith.muli %scan3A_483, %mul3A_484 : i32
      %get3A_486 = arith.index_cast %mul3A_485 : i32 to index
      %get3A_487 = tpu.vector_load %arg5[%get3A_486] {strides = array<i32>} : memref<512xi32, #tpu.memory_space<vmem>>, vector<16xi32>,
      %add3A_488 = arith.constant 900018 : i32
      %add3A_489 = vector.broadcast %add3A_488 : i32 to vector<16xi32>
      %add3A_490 = arith.addi %get3A_487, %add3A_489 : vector<16xi32>
      %mul3A_491 = arith.constant 16 : i32
      %mul3A_492 = arith.muli %scan3A_483, %mul3A_491 : i32
      %swap3A_493 = arith.constant 9 : i32
      %swap3A_494 = arith.index_cast %swap3A_493 : i32 to index
      %swap3A_495 = arith.index_cast %mul3A_492 : i32 to index
      %swap3A_496 = tpu.vector_load %arg6[%swap3A_494, %swap3A_495] {strides = array<i32>} : memref<16x512xi32, #tpu.memory_space<vmem>>, vector<16xi32>,
      tpu.vector_store %arg6[%swap3A_494, %swap3A_495], %add3A_490 {strides = array<i32>} : memref<16x512xi32, #tpu.memory_space<vmem>>, vector<16xi32>,
      %scan3A_497 = arith.constant 3 : i32
      %scan3A_498 = arith.addi %scan3A_455, %scan3A_497 : i32
      %mul3A_499 = arith.constant 16 : i32
      %mul3A_500 = arith.muli %scan3A_498, %mul3A_499 : i32
      %get3A_501 = arith.index_cast %mul3A_500 : i32 to index
      %get3A_502 = tpu.vector_load %arg5[%get3A_501] {strides = array<i32>} : memref<512xi32, #tpu.memory_space<vmem>>, vector<16xi32>,
      %add3A_503 = arith.constant 900018 : i32
      %add3A_504 = vector.broadcast %add3A_503 : i32 to vector<16xi32>
      %add3A_505 = arith.addi %get3A_502, %add3A_504 : vector<16xi32>
      %mul3A_506 = arith.constant 16 : i32
      %mul3A_507 = arith.muli %scan3A_498, %mul3A_506 : i32
      %swap3A_508 = arith.constant 9 : i32
      %swap3A_509 = arith.index_cast %swap3A_508 : i32 to index
      %swap3A_510 = arith.index_cast %mul3A_507 : i32 to index
      %swap3A_511 = tpu.vector_load %arg6[%swap3A_509, %swap3A_510] {strides = array<i32>} : memref<16x512xi32, #tpu.memory_space<vmem>>, vector<16xi32>,
      tpu.vector_store %arg6[%swap3A_509, %swap3A_510], %add3A_505 {strides = array<i32>} : memref<16x512xi32, #tpu.memory_space<vmem>>, vector<16xi32>,
    }
    %scan3A_150 = arith.constant 32 : i32
    %dma_start3A_151 = arith.constant 9 : i32
    %dma_start3A_152 = arith.constant 9 : i32
    %dma_start3A_153 = arith.constant 0 : i32
    %dma_start3A_154 = tpu.memref_slice %arg7[%dma_start3A_152, %dma_start3A_153] : memref<16x512xf32, #tpu.memory_space<vmem>> -> memref<1x512xf32, #tpu.memory_space<vmem>>
    %dma_start3A_155 = tpu.memref_squeeze %dma_start3A_154 : memref<1x512xf32, #tpu.memory_space<vmem>> -> memref<512xf32, #tpu.memory_space<vmem>>
    %dma_start3A_156 = arith.constant 0 : i32
    %dma_start3A_157 = tpu.memref_slice %arg6[%dma_start3A_151, %dma_start3A_156] : memref<16x512xi32, #tpu.memory_space<vmem>> -> memref<1x512xi32, #tpu.memory_space<vmem>>
    %dma_start3A_158 = tpu.memref_squeeze %dma_start3A_157 : memref<1x512xi32, #tpu.memory_space<vmem>> -> memref<512xi32, #tpu.memory_space<vmem>>
    %dma_start3A_159 = arith.constant 0 : i32
    %dma_start3A_160 = tpu.memref_slice %arg2[%dma_start3A_159] : memref<1600032xf32, #tpu.memory_space<hbm>> -> memref<1600032xf32, #tpu.memory_space<hbm>>
    tpu.enqueue_indirect_dma source(%dma_start3A_160 : memref<1600032xf32, #tpu.memory_space<hbm>>) target(%dma_start3A_155 : memref<512xf32, #tpu.memory_space<vmem>>) offsets(%dma_start3A_158 : memref<512xi32, #tpu.memory_space<vmem>>) semaphore(%arg9 : memref<!tpu.dma_semaphore, #tpu.memory_space<semaphore_mem>>)
    %scan3A_161 = arith.constant 0 : i32
    %scan3A_162 = arith.constant 0 : i32
    %scan3A_163 = arith.constant 32 : i32
    %scan3A_164 = arith.addi %scan3A_162, %scan3A_163 : i32
    %scan3A_165 = arith.constant 4 : i32
    scf.for %scan3A_455 = %scan3A_162 to %scan3A_164 step %scan3A_165  : i32 {
      %mul3A_456 = arith.constant 16 : i32
      %mul3A_457 = arith.muli %scan3A_455, %mul3A_456 : i32
      %get3A = arith.index_cast %mul3A_457 : i32 to index
      %get3A_458 = tpu.vector_load %arg5[%get3A] {strides = array<i32>} : memref<512xi32, #tpu.memory_space<vmem>>, vector<16xi32>,
      %add3A_459 = arith.constant 1000020 : i32
      %add3A_460 = vector.broadcast %add3A_459 : i32 to vector<16xi32>
      %add3A_461 = arith.addi %get3A_458, %add3A_460 : vector<16xi32>
      %mul3A_462 = arith.constant 16 : i32
      %mul3A_463 = arith.muli %scan3A_455, %mul3A_462 : i32
      %swap3A = arith.constant 10 : i32
      %swap3A_464 = arith.index_cast %swap3A : i32 to index
      %swap3A_465 = arith.index_cast %mul3A_463 : i32 to index
      %swap3A_466 = tpu.vector_load %arg6[%swap3A_464, %swap3A_465] {strides = array<i32>} : memref<16x512xi32, #tpu.memory_space<vmem>>, vector<16xi32>,
      tpu.vector_store %arg6[%swap3A_464, %swap3A_465], %add3A_461 {strides = array<i32>} : memref<16x512xi32, #tpu.memory_space<vmem>>, vector<16xi32>,
      %scan3A_467 = arith.constant 1 : i32
      %scan3A_468 = arith.addi %scan3A_455, %scan3A_467 : i32
      %mul3A_469 = arith.constant 16 : i32
      %mul3A_470 = arith.muli %scan3A_468, %mul3A_469 : i32
      %get3A_471 = arith.index_cast %mul3A_470 : i32 to index
      %get3A_472 = tpu.vector_load %arg5[%get3A_471] {strides = array<i32>} : memref<512xi32, #tpu.memory_space<vmem>>, vector<16xi32>,
      %add3A_473 = arith.constant 1000020 : i32
      %add3A_474 = vector.broadcast %add3A_473 : i32 to vector<16xi32>
      %add3A_475 = arith.addi %get3A_472, %add3A_474 : vector<16xi32>
      %mul3A_476 = arith.constant 16 : i32
      %mul3A_477 = arith.muli %scan3A_468, %mul3A_476 : i32
      %swap3A_478 = arith.constant 10 : i32
      %swap3A_479 = arith.index_cast %swap3A_478 : i32 to index
      %swap3A_480 = arith.index_cast %mul3A_477 : i32 to index
      %swap3A_481 = tpu.vector_load %arg6[%swap3A_479, %swap3A_480] {strides = array<i32>} : memref<16x512xi32, #tpu.memory_space<vmem>>, vector<16xi32>,
      tpu.vector_store %arg6[%swap3A_479, %swap3A_480], %add3A_475 {strides = array<i32>} : memref<16x512xi32, #tpu.memory_space<vmem>>, vector<16xi32>,
      %scan3A_482 = arith.constant 2 : i32
      %scan3A_483 = arith.addi %scan3A_455, %scan3A_482 : i32
      %mul3A_484 = arith.constant 16 : i32
      %mul3A_485 = arith.muli %scan3A_483, %mul3A_484 : i32
      %get3A_486 = arith.index_cast %mul3A_485 : i32 to index
      %get3A_487 = tpu.vector_load %arg5[%get3A_486] {strides = array<i32>} : memref<512xi32, #tpu.memory_space<vmem>>, vector<16xi32>,
      %add3A_488 = arith.constant 1000020 : i32
      %add3A_489 = vector.broadcast %add3A_488 : i32 to vector<16xi32>
      %add3A_490 = arith.addi %get3A_487, %add3A_489 : vector<16xi32>
      %mul3A_491 = arith.constant 16 : i32
      %mul3A_492 = arith.muli %scan3A_483, %mul3A_491 : i32
      %swap3A_493 = arith.constant 10 : i32
      %swap3A_494 = arith.index_cast %swap3A_493 : i32 to index
      %swap3A_495 = arith.index_cast %mul3A_492 : i32 to index
      %swap3A_496 = tpu.vector_load %arg6[%swap3A_494, %swap3A_495] {strides = array<i32>} : memref<16x512xi32, #tpu.memory_space<vmem>>, vector<16xi32>,
      tpu.vector_store %arg6[%swap3A_494, %swap3A_495], %add3A_490 {strides = array<i32>} : memref<16x512xi32, #tpu.memory_space<vmem>>, vector<16xi32>,
      %scan3A_497 = arith.constant 3 : i32
      %scan3A_498 = arith.addi %scan3A_455, %scan3A_497 : i32
      %mul3A_499 = arith.constant 16 : i32
      %mul3A_500 = arith.muli %scan3A_498, %mul3A_499 : i32
      %get3A_501 = arith.index_cast %mul3A_500 : i32 to index
      %get3A_502 = tpu.vector_load %arg5[%get3A_501] {strides = array<i32>} : memref<512xi32, #tpu.memory_space<vmem>>, vector<16xi32>,
      %add3A_503 = arith.constant 1000020 : i32
      %add3A_504 = vector.broadcast %add3A_503 : i32 to vector<16xi32>
      %add3A_505 = arith.addi %get3A_502, %add3A_504 : vector<16xi32>
      %mul3A_506 = arith.constant 16 : i32
      %mul3A_507 = arith.muli %scan3A_498, %mul3A_506 : i32
      %swap3A_508 = arith.constant 10 : i32
      %swap3A_509 = arith.index_cast %swap3A_508 : i32 to index
      %swap3A_510 = arith.index_cast %mul3A_507 : i32 to index
      %swap3A_511 = tpu.vector_load %arg6[%swap3A_509, %swap3A_510] {strides = array<i32>} : memref<16x512xi32, #tpu.memory_space<vmem>>, vector<16xi32>,
      tpu.vector_store %arg6[%swap3A_509, %swap3A_510], %add3A_505 {strides = array<i32>} : memref<16x512xi32, #tpu.memory_space<vmem>>, vector<16xi32>,
    }
    %scan3A_166 = arith.constant 32 : i32
    %dma_start3A_167 = arith.constant 10 : i32
    %dma_start3A_168 = arith.constant 10 : i32
    %dma_start3A_169 = arith.constant 0 : i32
    %dma_start3A_170 = tpu.memref_slice %arg7[%dma_start3A_168, %dma_start3A_169] : memref<16x512xf32, #tpu.memory_space<vmem>> -> memref<1x512xf32, #tpu.memory_space<vmem>>
    %dma_start3A_171 = tpu.memref_squeeze %dma_start3A_170 : memref<1x512xf32, #tpu.memory_space<vmem>> -> memref<512xf32, #tpu.memory_space<vmem>>
    %dma_start3A_172 = arith.constant 0 : i32
    %dma_start3A_173 = tpu.memref_slice %arg6[%dma_start3A_167, %dma_start3A_172] : memref<16x512xi32, #tpu.memory_space<vmem>> -> memref<1x512xi32, #tpu.memory_space<vmem>>
    %dma_start3A_174 = tpu.memref_squeeze %dma_start3A_173 : memref<1x512xi32, #tpu.memory_space<vmem>> -> memref<512xi32, #tpu.memory_space<vmem>>
    %dma_start3A_175 = arith.constant 0 : i32
    %dma_start3A_176 = tpu.memref_slice %arg2[%dma_start3A_175] : memref<1600032xf32, #tpu.memory_space<hbm>> -> memref<1600032xf32, #tpu.memory_space<hbm>>
    tpu.enqueue_indirect_dma source(%dma_start3A_176 : memref<1600032xf32, #tpu.memory_space<hbm>>) target(%dma_start3A_171 : memref<512xf32, #tpu.memory_space<vmem>>) offsets(%dma_start3A_174 : memref<512xi32, #tpu.memory_space<vmem>>) semaphore(%arg9 : memref<!tpu.dma_semaphore, #tpu.memory_space<semaphore_mem>>)
    %scan3A_177 = arith.constant 0 : i32
    %scan3A_178 = arith.constant 0 : i32
    %scan3A_179 = arith.constant 32 : i32
    %scan3A_180 = arith.addi %scan3A_178, %scan3A_179 : i32
    %scan3A_181 = arith.constant 4 : i32
    scf.for %scan3A_455 = %scan3A_178 to %scan3A_180 step %scan3A_181  : i32 {
      %mul3A_456 = arith.constant 16 : i32
      %mul3A_457 = arith.muli %scan3A_455, %mul3A_456 : i32
      %get3A = arith.index_cast %mul3A_457 : i32 to index
      %get3A_458 = tpu.vector_load %arg5[%get3A] {strides = array<i32>} : memref<512xi32, #tpu.memory_space<vmem>>, vector<16xi32>,
      %add3A_459 = arith.constant 1100022 : i32
      %add3A_460 = vector.broadcast %add3A_459 : i32 to vector<16xi32>
      %add3A_461 = arith.addi %get3A_458, %add3A_460 : vector<16xi32>
      %mul3A_462 = arith.constant 16 : i32
      %mul3A_463 = arith.muli %scan3A_455, %mul3A_462 : i32
      %swap3A = arith.constant 11 : i32
      %swap3A_464 = arith.index_cast %swap3A : i32 to index
      %swap3A_465 = arith.index_cast %mul3A_463 : i32 to index
      %swap3A_466 = tpu.vector_load %arg6[%swap3A_464, %swap3A_465] {strides = array<i32>} : memref<16x512xi32, #tpu.memory_space<vmem>>, vector<16xi32>,
      tpu.vector_store %arg6[%swap3A_464, %swap3A_465], %add3A_461 {strides = array<i32>} : memref<16x512xi32, #tpu.memory_space<vmem>>, vector<16xi32>,
      %scan3A_467 = arith.constant 1 : i32
      %scan3A_468 = arith.addi %scan3A_455, %scan3A_467 : i32
      %mul3A_469 = arith.constant 16 : i32
      %mul3A_470 = arith.muli %scan3A_468, %mul3A_469 : i32
      %get3A_471 = arith.index_cast %mul3A_470 : i32 to index
      %get3A_472 = tpu.vector_load %arg5[%get3A_471] {strides = array<i32>} : memref<512xi32, #tpu.memory_space<vmem>>, vector<16xi32>,
      %add3A_473 = arith.constant 1100022 : i32
      %add3A_474 = vector.broadcast %add3A_473 : i32 to vector<16xi32>
      %add3A_475 = arith.addi %get3A_472, %add3A_474 : vector<16xi32>
      %mul3A_476 = arith.constant 16 : i32
      %mul3A_477 = arith.muli %scan3A_468, %mul3A_476 : i32
      %swap3A_478 = arith.constant 11 : i32
      %swap3A_479 = arith.index_cast %swap3A_478 : i32 to index
      %swap3A_480 = arith.index_cast %mul3A_477 : i32 to index
      %swap3A_481 = tpu.vector_load %arg6[%swap3A_479, %swap3A_480] {strides = array<i32>} : memref<16x512xi32, #tpu.memory_space<vmem>>, vector<16xi32>,
      tpu.vector_store %arg6[%swap3A_479, %swap3A_480], %add3A_475 {strides = array<i32>} : memref<16x512xi32, #tpu.memory_space<vmem>>, vector<16xi32>,
      %scan3A_482 = arith.constant 2 : i32
      %scan3A_483 = arith.addi %scan3A_455, %scan3A_482 : i32
      %mul3A_484 = arith.constant 16 : i32
      %mul3A_485 = arith.muli %scan3A_483, %mul3A_484 : i32
      %get3A_486 = arith.index_cast %mul3A_485 : i32 to index
      %get3A_487 = tpu.vector_load %arg5[%get3A_486] {strides = array<i32>} : memref<512xi32, #tpu.memory_space<vmem>>, vector<16xi32>,
      %add3A_488 = arith.constant 1100022 : i32
      %add3A_489 = vector.broadcast %add3A_488 : i32 to vector<16xi32>
      %add3A_490 = arith.addi %get3A_487, %add3A_489 : vector<16xi32>
      %mul3A_491 = arith.constant 16 : i32
      %mul3A_492 = arith.muli %scan3A_483, %mul3A_491 : i32
      %swap3A_493 = arith.constant 11 : i32
      %swap3A_494 = arith.index_cast %swap3A_493 : i32 to index
      %swap3A_495 = arith.index_cast %mul3A_492 : i32 to index
      %swap3A_496 = tpu.vector_load %arg6[%swap3A_494, %swap3A_495] {strides = array<i32>} : memref<16x512xi32, #tpu.memory_space<vmem>>, vector<16xi32>,
      tpu.vector_store %arg6[%swap3A_494, %swap3A_495], %add3A_490 {strides = array<i32>} : memref<16x512xi32, #tpu.memory_space<vmem>>, vector<16xi32>,
      %scan3A_497 = arith.constant 3 : i32
      %scan3A_498 = arith.addi %scan3A_455, %scan3A_497 : i32
      %mul3A_499 = arith.constant 16 : i32
      %mul3A_500 = arith.muli %scan3A_498, %mul3A_499 : i32
      %get3A_501 = arith.index_cast %mul3A_500 : i32 to index
      %get3A_502 = tpu.vector_load %arg5[%get3A_501] {strides = array<i32>} : memref<512xi32, #tpu.memory_space<vmem>>, vector<16xi32>,
      %add3A_503 = arith.constant 1100022 : i32
      %add3A_504 = vector.broadcast %add3A_503 : i32 to vector<16xi32>
      %add3A_505 = arith.addi %get3A_502, %add3A_504 : vector<16xi32>
      %mul3A_506 = arith.constant 16 : i32
      %mul3A_507 = arith.muli %scan3A_498, %mul3A_506 : i32
      %swap3A_508 = arith.constant 11 : i32
      %swap3A_509 = arith.index_cast %swap3A_508 : i32 to index
      %swap3A_510 = arith.index_cast %mul3A_507 : i32 to index
      %swap3A_511 = tpu.vector_load %arg6[%swap3A_509, %swap3A_510] {strides = array<i32>} : memref<16x512xi32, #tpu.memory_space<vmem>>, vector<16xi32>,
      tpu.vector_store %arg6[%swap3A_509, %swap3A_510], %add3A_505 {strides = array<i32>} : memref<16x512xi32, #tpu.memory_space<vmem>>, vector<16xi32>,
    }
    %scan3A_182 = arith.constant 32 : i32
    %dma_start3A_183 = arith.constant 11 : i32
    %dma_start3A_184 = arith.constant 11 : i32
    %dma_start3A_185 = arith.constant 0 : i32
    %dma_start3A_186 = tpu.memref_slice %arg7[%dma_start3A_184, %dma_start3A_185] : memref<16x512xf32, #tpu.memory_space<vmem>> -> memref<1x512xf32, #tpu.memory_space<vmem>>
    %dma_start3A_187 = tpu.memref_squeeze %dma_start3A_186 : memref<1x512xf32, #tpu.memory_space<vmem>> -> memref<512xf32, #tpu.memory_space<vmem>>
    %dma_start3A_188 = arith.constant 0 : i32
    %dma_start3A_189 = tpu.memref_slice %arg6[%dma_start3A_183, %dma_start3A_188] : memref<16x512xi32, #tpu.memory_space<vmem>> -> memref<1x512xi32, #tpu.memory_space<vmem>>
    %dma_start3A_190 = tpu.memref_squeeze %dma_start3A_189 : memref<1x512xi32, #tpu.memory_space<vmem>> -> memref<512xi32, #tpu.memory_space<vmem>>
    %dma_start3A_191 = arith.constant 0 : i32
    %dma_start3A_192 = tpu.memref_slice %arg2[%dma_start3A_191] : memref<1600032xf32, #tpu.memory_space<hbm>> -> memref<1600032xf32, #tpu.memory_space<hbm>>
    tpu.enqueue_indirect_dma source(%dma_start3A_192 : memref<1600032xf32, #tpu.memory_space<hbm>>) target(%dma_start3A_187 : memref<512xf32, #tpu.memory_space<vmem>>) offsets(%dma_start3A_190 : memref<512xi32, #tpu.memory_space<vmem>>) semaphore(%arg9 : memref<!tpu.dma_semaphore, #tpu.memory_space<semaphore_mem>>)
    %scan3A_193 = arith.constant 0 : i32
    %scan3A_194 = arith.constant 0 : i32
    %scan3A_195 = arith.constant 32 : i32
    %scan3A_196 = arith.addi %scan3A_194, %scan3A_195 : i32
    %scan3A_197 = arith.constant 4 : i32
    scf.for %scan3A_455 = %scan3A_194 to %scan3A_196 step %scan3A_197  : i32 {
      %mul3A_456 = arith.constant 16 : i32
      %mul3A_457 = arith.muli %scan3A_455, %mul3A_456 : i32
      %get3A = arith.index_cast %mul3A_457 : i32 to index
      %get3A_458 = tpu.vector_load %arg5[%get3A] {strides = array<i32>} : memref<512xi32, #tpu.memory_space<vmem>>, vector<16xi32>,
      %add3A_459 = arith.constant 1200024 : i32
      %add3A_460 = vector.broadcast %add3A_459 : i32 to vector<16xi32>
      %add3A_461 = arith.addi %get3A_458, %add3A_460 : vector<16xi32>
      %mul3A_462 = arith.constant 16 : i32
      %mul3A_463 = arith.muli %scan3A_455, %mul3A_462 : i32
      %swap3A = arith.constant 12 : i32
      %swap3A_464 = arith.index_cast %swap3A : i32 to index
      %swap3A_465 = arith.index_cast %mul3A_463 : i32 to index
      %swap3A_466 = tpu.vector_load %arg6[%swap3A_464, %swap3A_465] {strides = array<i32>} : memref<16x512xi32, #tpu.memory_space<vmem>>, vector<16xi32>,
      tpu.vector_store %arg6[%swap3A_464, %swap3A_465], %add3A_461 {strides = array<i32>} : memref<16x512xi32, #tpu.memory_space<vmem>>, vector<16xi32>,
      %scan3A_467 = arith.constant 1 : i32
      %scan3A_468 = arith.addi %scan3A_455, %scan3A_467 : i32
      %mul3A_469 = arith.constant 16 : i32
      %mul3A_470 = arith.muli %scan3A_468, %mul3A_469 : i32
      %get3A_471 = arith.index_cast %mul3A_470 : i32 to index
      %get3A_472 = tpu.vector_load %arg5[%get3A_471] {strides = array<i32>} : memref<512xi32, #tpu.memory_space<vmem>>, vector<16xi32>,
      %add3A_473 = arith.constant 1200024 : i32
      %add3A_474 = vector.broadcast %add3A_473 : i32 to vector<16xi32>
      %add3A_475 = arith.addi %get3A_472, %add3A_474 : vector<16xi32>
      %mul3A_476 = arith.constant 16 : i32
      %mul3A_477 = arith.muli %scan3A_468, %mul3A_476 : i32
      %swap3A_478 = arith.constant 12 : i32
      %swap3A_479 = arith.index_cast %swap3A_478 : i32 to index
      %swap3A_480 = arith.index_cast %mul3A_477 : i32 to index
      %swap3A_481 = tpu.vector_load %arg6[%swap3A_479, %swap3A_480] {strides = array<i32>} : memref<16x512xi32, #tpu.memory_space<vmem>>, vector<16xi32>,
      tpu.vector_store %arg6[%swap3A_479, %swap3A_480], %add3A_475 {strides = array<i32>} : memref<16x512xi32, #tpu.memory_space<vmem>>, vector<16xi32>,
      %scan3A_482 = arith.constant 2 : i32
      %scan3A_483 = arith.addi %scan3A_455, %scan3A_482 : i32
      %mul3A_484 = arith.constant 16 : i32
      %mul3A_485 = arith.muli %scan3A_483, %mul3A_484 : i32
      %get3A_486 = arith.index_cast %mul3A_485 : i32 to index
      %get3A_487 = tpu.vector_load %arg5[%get3A_486] {strides = array<i32>} : memref<512xi32, #tpu.memory_space<vmem>>, vector<16xi32>,
      %add3A_488 = arith.constant 1200024 : i32
      %add3A_489 = vector.broadcast %add3A_488 : i32 to vector<16xi32>
      %add3A_490 = arith.addi %get3A_487, %add3A_489 : vector<16xi32>
      %mul3A_491 = arith.constant 16 : i32
      %mul3A_492 = arith.muli %scan3A_483, %mul3A_491 : i32
      %swap3A_493 = arith.constant 12 : i32
      %swap3A_494 = arith.index_cast %swap3A_493 : i32 to index
      %swap3A_495 = arith.index_cast %mul3A_492 : i32 to index
      %swap3A_496 = tpu.vector_load %arg6[%swap3A_494, %swap3A_495] {strides = array<i32>} : memref<16x512xi32, #tpu.memory_space<vmem>>, vector<16xi32>,
      tpu.vector_store %arg6[%swap3A_494, %swap3A_495], %add3A_490 {strides = array<i32>} : memref<16x512xi32, #tpu.memory_space<vmem>>, vector<16xi32>,
      %scan3A_497 = arith.constant 3 : i32
      %scan3A_498 = arith.addi %scan3A_455, %scan3A_497 : i32
      %mul3A_499 = arith.constant 16 : i32
      %mul3A_500 = arith.muli %scan3A_498, %mul3A_499 : i32
      %get3A_501 = arith.index_cast %mul3A_500 : i32 to index
      %get3A_502 = tpu.vector_load %arg5[%get3A_501] {strides = array<i32>} : memref<512xi32, #tpu.memory_space<vmem>>, vector<16xi32>,
      %add3A_503 = arith.constant 1200024 : i32
      %add3A_504 = vector.broadcast %add3A_503 : i32 to vector<16xi32>
      %add3A_505 = arith.addi %get3A_502, %add3A_504 : vector<16xi32>
      %mul3A_506 = arith.constant 16 : i32
      %mul3A_507 = arith.muli %scan3A_498, %mul3A_506 : i32
      %swap3A_508 = arith.constant 12 : i32
      %swap3A_509 = arith.index_cast %swap3A_508 : i32 to index
      %swap3A_510 = arith.index_cast %mul3A_507 : i32 to index
      %swap3A_511 = tpu.vector_load %arg6[%swap3A_509, %swap3A_510] {strides = array<i32>} : memref<16x512xi32, #tpu.memory_space<vmem>>, vector<16xi32>,
      tpu.vector_store %arg6[%swap3A_509, %swap3A_510], %add3A_505 {strides = array<i32>} : memref<16x512xi32, #tpu.memory_space<vmem>>, vector<16xi32>,
    }
    %scan3A_198 = arith.constant 32 : i32
    %dma_start3A_199 = arith.constant 12 : i32
    %dma_start3A_200 = arith.constant 12 : i32
    %dma_start3A_201 = arith.constant 0 : i32
    %dma_start3A_202 = tpu.memref_slice %arg7[%dma_start3A_200, %dma_start3A_201] : memref<16x512xf32, #tpu.memory_space<vmem>> -> memref<1x512xf32, #tpu.memory_space<vmem>>
    %dma_start3A_203 = tpu.memref_squeeze %dma_start3A_202 : memref<1x512xf32, #tpu.memory_space<vmem>> -> memref<512xf32, #tpu.memory_space<vmem>>
    %dma_start3A_204 = arith.constant 0 : i32
    %dma_start3A_205 = tpu.memref_slice %arg6[%dma_start3A_199, %dma_start3A_204] : memref<16x512xi32, #tpu.memory_space<vmem>> -> memref<1x512xi32, #tpu.memory_space<vmem>>
    %dma_start3A_206 = tpu.memref_squeeze %dma_start3A_205 : memref<1x512xi32, #tpu.memory_space<vmem>> -> memref<512xi32, #tpu.memory_space<vmem>>
    %dma_start3A_207 = arith.constant 0 : i32
    %dma_start3A_208 = tpu.memref_slice %arg2[%dma_start3A_207] : memref<1600032xf32, #tpu.memory_space<hbm>> -> memref<1600032xf32, #tpu.memory_space<hbm>>
    tpu.enqueue_indirect_dma source(%dma_start3A_208 : memref<1600032xf32, #tpu.memory_space<hbm>>) target(%dma_start3A_203 : memref<512xf32, #tpu.memory_space<vmem>>) offsets(%dma_start3A_206 : memref<512xi32, #tpu.memory_space<vmem>>) semaphore(%arg9 : memref<!tpu.dma_semaphore, #tpu.memory_space<semaphore_mem>>)
    %scan3A_209 = arith.constant 0 : i32
    %scan3A_210 = arith.constant 0 : i32
    %scan3A_211 = arith.constant 32 : i32
    %scan3A_212 = arith.addi %scan3A_210, %scan3A_211 : i32
    %scan3A_213 = arith.constant 4 : i32
    scf.for %scan3A_455 = %scan3A_210 to %scan3A_212 step %scan3A_213  : i32 {
      %mul3A_456 = arith.constant 16 : i32
      %mul3A_457 = arith.muli %scan3A_455, %mul3A_456 : i32
      %get3A = arith.index_cast %mul3A_457 : i32 to index
      %get3A_458 = tpu.vector_load %arg5[%get3A] {strides = array<i32>} : memref<512xi32, #tpu.memory_space<vmem>>, vector<16xi32>,
      %add3A_459 = arith.constant 1300026 : i32
      %add3A_460 = vector.broadcast %add3A_459 : i32 to vector<16xi32>
      %add3A_461 = arith.addi %get3A_458, %add3A_460 : vector<16xi32>
      %mul3A_462 = arith.constant 16 : i32
      %mul3A_463 = arith.muli %scan3A_455, %mul3A_462 : i32
      %swap3A = arith.constant 13 : i32
      %swap3A_464 = arith.index_cast %swap3A : i32 to index
      %swap3A_465 = arith.index_cast %mul3A_463 : i32 to index
      %swap3A_466 = tpu.vector_load %arg6[%swap3A_464, %swap3A_465] {strides = array<i32>} : memref<16x512xi32, #tpu.memory_space<vmem>>, vector<16xi32>,
      tpu.vector_store %arg6[%swap3A_464, %swap3A_465], %add3A_461 {strides = array<i32>} : memref<16x512xi32, #tpu.memory_space<vmem>>, vector<16xi32>,
      %scan3A_467 = arith.constant 1 : i32
      %scan3A_468 = arith.addi %scan3A_455, %scan3A_467 : i32
      %mul3A_469 = arith.constant 16 : i32
      %mul3A_470 = arith.muli %scan3A_468, %mul3A_469 : i32
      %get3A_471 = arith.index_cast %mul3A_470 : i32 to index
      %get3A_472 = tpu.vector_load %arg5[%get3A_471] {strides = array<i32>} : memref<512xi32, #tpu.memory_space<vmem>>, vector<16xi32>,
      %add3A_473 = arith.constant 1300026 : i32
      %add3A_474 = vector.broadcast %add3A_473 : i32 to vector<16xi32>
      %add3A_475 = arith.addi %get3A_472, %add3A_474 : vector<16xi32>
      %mul3A_476 = arith.constant 16 : i32
      %mul3A_477 = arith.muli %scan3A_468, %mul3A_476 : i32
      %swap3A_478 = arith.constant 13 : i32
      %swap3A_479 = arith.index_cast %swap3A_478 : i32 to index
      %swap3A_480 = arith.index_cast %mul3A_477 : i32 to index
      %swap3A_481 = tpu.vector_load %arg6[%swap3A_479, %swap3A_480] {strides = array<i32>} : memref<16x512xi32, #tpu.memory_space<vmem>>, vector<16xi32>,
      tpu.vector_store %arg6[%swap3A_479, %swap3A_480], %add3A_475 {strides = array<i32>} : memref<16x512xi32, #tpu.memory_space<vmem>>, vector<16xi32>,
      %scan3A_482 = arith.constant 2 : i32
      %scan3A_483 = arith.addi %scan3A_455, %scan3A_482 : i32
      %mul3A_484 = arith.constant 16 : i32
      %mul3A_485 = arith.muli %scan3A_483, %mul3A_484 : i32
      %get3A_486 = arith.index_cast %mul3A_485 : i32 to index
      %get3A_487 = tpu.vector_load %arg5[%get3A_486] {strides = array<i32>} : memref<512xi32, #tpu.memory_space<vmem>>, vector<16xi32>,
      %add3A_488 = arith.constant 1300026 : i32
      %add3A_489 = vector.broadcast %add3A_488 : i32 to vector<16xi32>
      %add3A_490 = arith.addi %get3A_487, %add3A_489 : vector<16xi32>
      %mul3A_491 = arith.constant 16 : i32
      %mul3A_492 = arith.muli %scan3A_483, %mul3A_491 : i32
      %swap3A_493 = arith.constant 13 : i32
      %swap3A_494 = arith.index_cast %swap3A_493 : i32 to index
      %swap3A_495 = arith.index_cast %mul3A_492 : i32 to index
      %swap3A_496 = tpu.vector_load %arg6[%swap3A_494, %swap3A_495] {strides = array<i32>} : memref<16x512xi32, #tpu.memory_space<vmem>>, vector<16xi32>,
      tpu.vector_store %arg6[%swap3A_494, %swap3A_495], %add3A_490 {strides = array<i32>} : memref<16x512xi32, #tpu.memory_space<vmem>>, vector<16xi32>,
      %scan3A_497 = arith.constant 3 : i32
      %scan3A_498 = arith.addi %scan3A_455, %scan3A_497 : i32
      %mul3A_499 = arith.constant 16 : i32
      %mul3A_500 = arith.muli %scan3A_498, %mul3A_499 : i32
      %get3A_501 = arith.index_cast %mul3A_500 : i32 to index
      %get3A_502 = tpu.vector_load %arg5[%get3A_501] {strides = array<i32>} : memref<512xi32, #tpu.memory_space<vmem>>, vector<16xi32>,
      %add3A_503 = arith.constant 1300026 : i32
      %add3A_504 = vector.broadcast %add3A_503 : i32 to vector<16xi32>
      %add3A_505 = arith.addi %get3A_502, %add3A_504 : vector<16xi32>
      %mul3A_506 = arith.constant 16 : i32
      %mul3A_507 = arith.muli %scan3A_498, %mul3A_506 : i32
      %swap3A_508 = arith.constant 13 : i32
      %swap3A_509 = arith.index_cast %swap3A_508 : i32 to index
      %swap3A_510 = arith.index_cast %mul3A_507 : i32 to index
      %swap3A_511 = tpu.vector_load %arg6[%swap3A_509, %swap3A_510] {strides = array<i32>} : memref<16x512xi32, #tpu.memory_space<vmem>>, vector<16xi32>,
      tpu.vector_store %arg6[%swap3A_509, %swap3A_510], %add3A_505 {strides = array<i32>} : memref<16x512xi32, #tpu.memory_space<vmem>>, vector<16xi32>,
    }
    %scan3A_214 = arith.constant 32 : i32
    %dma_start3A_215 = arith.constant 13 : i32
    %dma_start3A_216 = arith.constant 13 : i32
    %dma_start3A_217 = arith.constant 0 : i32
    %dma_start3A_218 = tpu.memref_slice %arg7[%dma_start3A_216, %dma_start3A_217] : memref<16x512xf32, #tpu.memory_space<vmem>> -> memref<1x512xf32, #tpu.memory_space<vmem>>
    %dma_start3A_219 = tpu.memref_squeeze %dma_start3A_218 : memref<1x512xf32, #tpu.memory_space<vmem>> -> memref<512xf32, #tpu.memory_space<vmem>>
    %dma_start3A_220 = arith.constant 0 : i32
    %dma_start3A_221 = tpu.memref_slice %arg6[%dma_start3A_215, %dma_start3A_220] : memref<16x512xi32, #tpu.memory_space<vmem>> -> memref<1x512xi32, #tpu.memory_space<vmem>>
    %dma_start3A_222 = tpu.memref_squeeze %dma_start3A_221 : memref<1x512xi32, #tpu.memory_space<vmem>> -> memref<512xi32, #tpu.memory_space<vmem>>
    %dma_start3A_223 = arith.constant 0 : i32
    %dma_start3A_224 = tpu.memref_slice %arg2[%dma_start3A_223] : memref<1600032xf32, #tpu.memory_space<hbm>> -> memref<1600032xf32, #tpu.memory_space<hbm>>
    tpu.enqueue_indirect_dma source(%dma_start3A_224 : memref<1600032xf32, #tpu.memory_space<hbm>>) target(%dma_start3A_219 : memref<512xf32, #tpu.memory_space<vmem>>) offsets(%dma_start3A_222 : memref<512xi32, #tpu.memory_space<vmem>>) semaphore(%arg9 : memref<!tpu.dma_semaphore, #tpu.memory_space<semaphore_mem>>)
    %scan3A_225 = arith.constant 0 : i32
    %scan3A_226 = arith.constant 0 : i32
    %scan3A_227 = arith.constant 32 : i32
    %scan3A_228 = arith.addi %scan3A_226, %scan3A_227 : i32
    %scan3A_229 = arith.constant 4 : i32
    scf.for %scan3A_455 = %scan3A_226 to %scan3A_228 step %scan3A_229  : i32 {
      %mul3A_456 = arith.constant 16 : i32
      %mul3A_457 = arith.muli %scan3A_455, %mul3A_456 : i32
      %get3A = arith.index_cast %mul3A_457 : i32 to index
      %get3A_458 = tpu.vector_load %arg5[%get3A] {strides = array<i32>} : memref<512xi32, #tpu.memory_space<vmem>>, vector<16xi32>,
      %add3A_459 = arith.constant 1400028 : i32
      %add3A_460 = vector.broadcast %add3A_459 : i32 to vector<16xi32>
      %add3A_461 = arith.addi %get3A_458, %add3A_460 : vector<16xi32>
      %mul3A_462 = arith.constant 16 : i32
      %mul3A_463 = arith.muli %scan3A_455, %mul3A_462 : i32
      %swap3A = arith.constant 14 : i32
      %swap3A_464 = arith.index_cast %swap3A : i32 to index
      %swap3A_465 = arith.index_cast %mul3A_463 : i32 to index
      %swap3A_466 = tpu.vector_load %arg6[%swap3A_464, %swap3A_465] {strides = array<i32>} : memref<16x512xi32, #tpu.memory_space<vmem>>, vector<16xi32>,
      tpu.vector_store %arg6[%swap3A_464, %swap3A_465], %add3A_461 {strides = array<i32>} : memref<16x512xi32, #tpu.memory_space<vmem>>, vector<16xi32>,
      %scan3A_467 = arith.constant 1 : i32
      %scan3A_468 = arith.addi %scan3A_455, %scan3A_467 : i32
      %mul3A_469 = arith.constant 16 : i32
      %mul3A_470 = arith.muli %scan3A_468, %mul3A_469 : i32
      %get3A_471 = arith.index_cast %mul3A_470 : i32 to index
      %get3A_472 = tpu.vector_load %arg5[%get3A_471] {strides = array<i32>} : memref<512xi32, #tpu.memory_space<vmem>>, vector<16xi32>,
      %add3A_473 = arith.constant 1400028 : i32
      %add3A_474 = vector.broadcast %add3A_473 : i32 to vector<16xi32>
      %add3A_475 = arith.addi %get3A_472, %add3A_474 : vector<16xi32>
      %mul3A_476 = arith.constant 16 : i32
      %mul3A_477 = arith.muli %scan3A_468, %mul3A_476 : i32
      %swap3A_478 = arith.constant 14 : i32
      %swap3A_479 = arith.index_cast %swap3A_478 : i32 to index
      %swap3A_480 = arith.index_cast %mul3A_477 : i32 to index
      %swap3A_481 = tpu.vector_load %arg6[%swap3A_479, %swap3A_480] {strides = array<i32>} : memref<16x512xi32, #tpu.memory_space<vmem>>, vector<16xi32>,
      tpu.vector_store %arg6[%swap3A_479, %swap3A_480], %add3A_475 {strides = array<i32>} : memref<16x512xi32, #tpu.memory_space<vmem>>, vector<16xi32>,
      %scan3A_482 = arith.constant 2 : i32
      %scan3A_483 = arith.addi %scan3A_455, %scan3A_482 : i32
      %mul3A_484 = arith.constant 16 : i32
      %mul3A_485 = arith.muli %scan3A_483, %mul3A_484 : i32
      %get3A_486 = arith.index_cast %mul3A_485 : i32 to index
      %get3A_487 = tpu.vector_load %arg5[%get3A_486] {strides = array<i32>} : memref<512xi32, #tpu.memory_space<vmem>>, vector<16xi32>,
      %add3A_488 = arith.constant 1400028 : i32
      %add3A_489 = vector.broadcast %add3A_488 : i32 to vector<16xi32>
      %add3A_490 = arith.addi %get3A_487, %add3A_489 : vector<16xi32>
      %mul3A_491 = arith.constant 16 : i32
      %mul3A_492 = arith.muli %scan3A_483, %mul3A_491 : i32
      %swap3A_493 = arith.constant 14 : i32
      %swap3A_494 = arith.index_cast %swap3A_493 : i32 to index
      %swap3A_495 = arith.index_cast %mul3A_492 : i32 to index
      %swap3A_496 = tpu.vector_load %arg6[%swap3A_494, %swap3A_495] {strides = array<i32>} : memref<16x512xi32, #tpu.memory_space<vmem>>, vector<16xi32>,
      tpu.vector_store %arg6[%swap3A_494, %swap3A_495], %add3A_490 {strides = array<i32>} : memref<16x512xi32, #tpu.memory_space<vmem>>, vector<16xi32>,
      %scan3A_497 = arith.constant 3 : i32
      %scan3A_498 = arith.addi %scan3A_455, %scan3A_497 : i32
      %mul3A_499 = arith.constant 16 : i32
      %mul3A_500 = arith.muli %scan3A_498, %mul3A_499 : i32
      %get3A_501 = arith.index_cast %mul3A_500 : i32 to index
      %get3A_502 = tpu.vector_load %arg5[%get3A_501] {strides = array<i32>} : memref<512xi32, #tpu.memory_space<vmem>>, vector<16xi32>,
      %add3A_503 = arith.constant 1400028 : i32
      %add3A_504 = vector.broadcast %add3A_503 : i32 to vector<16xi32>
      %add3A_505 = arith.addi %get3A_502, %add3A_504 : vector<16xi32>
      %mul3A_506 = arith.constant 16 : i32
      %mul3A_507 = arith.muli %scan3A_498, %mul3A_506 : i32
      %swap3A_508 = arith.constant 14 : i32
      %swap3A_509 = arith.index_cast %swap3A_508 : i32 to index
      %swap3A_510 = arith.index_cast %mul3A_507 : i32 to index
      %swap3A_511 = tpu.vector_load %arg6[%swap3A_509, %swap3A_510] {strides = array<i32>} : memref<16x512xi32, #tpu.memory_space<vmem>>, vector<16xi32>,
      tpu.vector_store %arg6[%swap3A_509, %swap3A_510], %add3A_505 {strides = array<i32>} : memref<16x512xi32, #tpu.memory_space<vmem>>, vector<16xi32>,
    }
    %scan3A_230 = arith.constant 32 : i32
    %dma_start3A_231 = arith.constant 14 : i32
    %dma_start3A_232 = arith.constant 14 : i32
    %dma_start3A_233 = arith.constant 0 : i32
    %dma_start3A_234 = tpu.memref_slice %arg7[%dma_start3A_232, %dma_start3A_233] : memref<16x512xf32, #tpu.memory_space<vmem>> -> memref<1x512xf32, #tpu.memory_space<vmem>>
    %dma_start3A_235 = tpu.memref_squeeze %dma_start3A_234 : memref<1x512xf32, #tpu.memory_space<vmem>> -> memref<512xf32, #tpu.memory_space<vmem>>
    %dma_start3A_236 = arith.constant 0 : i32
    %dma_start3A_237 = tpu.memref_slice %arg6[%dma_start3A_231, %dma_start3A_236] : memref<16x512xi32, #tpu.memory_space<vmem>> -> memref<1x512xi32, #tpu.memory_space<vmem>>
    %dma_start3A_238 = tpu.memref_squeeze %dma_start3A_237 : memref<1x512xi32, #tpu.memory_space<vmem>> -> memref<512xi32, #tpu.memory_space<vmem>>
    %dma_start3A_239 = arith.constant 0 : i32
    %dma_start3A_240 = tpu.memref_slice %arg2[%dma_start3A_239] : memref<1600032xf32, #tpu.memory_space<hbm>> -> memref<1600032xf32, #tpu.memory_space<hbm>>
    tpu.enqueue_indirect_dma source(%dma_start3A_240 : memref<1600032xf32, #tpu.memory_space<hbm>>) target(%dma_start3A_235 : memref<512xf32, #tpu.memory_space<vmem>>) offsets(%dma_start3A_238 : memref<512xi32, #tpu.memory_space<vmem>>) semaphore(%arg9 : memref<!tpu.dma_semaphore, #tpu.memory_space<semaphore_mem>>)
    %scan3A_241 = arith.constant 0 : i32
    %scan3A_242 = arith.constant 0 : i32
    %scan3A_243 = arith.constant 32 : i32
    %scan3A_244 = arith.addi %scan3A_242, %scan3A_243 : i32
    %scan3A_245 = arith.constant 4 : i32
    scf.for %scan3A_455 = %scan3A_242 to %scan3A_244 step %scan3A_245  : i32 {
      %mul3A_456 = arith.constant 16 : i32
      %mul3A_457 = arith.muli %scan3A_455, %mul3A_456 : i32
      %get3A = arith.index_cast %mul3A_457 : i32 to index
      %get3A_458 = tpu.vector_load %arg5[%get3A] {strides = array<i32>} : memref<512xi32, #tpu.memory_space<vmem>>, vector<16xi32>,
      %add3A_459 = arith.constant 1500030 : i32
      %add3A_460 = vector.broadcast %add3A_459 : i32 to vector<16xi32>
      %add3A_461 = arith.addi %get3A_458, %add3A_460 : vector<16xi32>
      %mul3A_462 = arith.constant 16 : i32
      %mul3A_463 = arith.muli %scan3A_455, %mul3A_462 : i32
      %swap3A = arith.constant 15 : i32
      %swap3A_464 = arith.index_cast %swap3A : i32 to index
      %swap3A_465 = arith.index_cast %mul3A_463 : i32 to index
      %swap3A_466 = tpu.vector_load %arg6[%swap3A_464, %swap3A_465] {strides = array<i32>} : memref<16x512xi32, #tpu.memory_space<vmem>>, vector<16xi32>,
      tpu.vector_store %arg6[%swap3A_464, %swap3A_465], %add3A_461 {strides = array<i32>} : memref<16x512xi32, #tpu.memory_space<vmem>>, vector<16xi32>,
      %scan3A_467 = arith.constant 1 : i32
      %scan3A_468 = arith.addi %scan3A_455, %scan3A_467 : i32
      %mul3A_469 = arith.constant 16 : i32
      %mul3A_470 = arith.muli %scan3A_468, %mul3A_469 : i32
      %get3A_471 = arith.index_cast %mul3A_470 : i32 to index
      %get3A_472 = tpu.vector_load %arg5[%get3A_471] {strides = array<i32>} : memref<512xi32, #tpu.memory_space<vmem>>, vector<16xi32>,
      %add3A_473 = arith.constant 1500030 : i32
      %add3A_474 = vector.broadcast %add3A_473 : i32 to vector<16xi32>
      %add3A_475 = arith.addi %get3A_472, %add3A_474 : vector<16xi32>
      %mul3A_476 = arith.constant 16 : i32
      %mul3A_477 = arith.muli %scan3A_468, %mul3A_476 : i32
      %swap3A_478 = arith.constant 15 : i32
      %swap3A_479 = arith.index_cast %swap3A_478 : i32 to index
      %swap3A_480 = arith.index_cast %mul3A_477 : i32 to index
      %swap3A_481 = tpu.vector_load %arg6[%swap3A_479, %swap3A_480] {strides = array<i32>} : memref<16x512xi32, #tpu.memory_space<vmem>>, vector<16xi32>,
      tpu.vector_store %arg6[%swap3A_479, %swap3A_480], %add3A_475 {strides = array<i32>} : memref<16x512xi32, #tpu.memory_space<vmem>>, vector<16xi32>,
      %scan3A_482 = arith.constant 2 : i32
      %scan3A_483 = arith.addi %scan3A_455, %scan3A_482 : i32
      %mul3A_484 = arith.constant 16 : i32
      %mul3A_485 = arith.muli %scan3A_483, %mul3A_484 : i32
      %get3A_486 = arith.index_cast %mul3A_485 : i32 to index
      %get3A_487 = tpu.vector_load %arg5[%get3A_486] {strides = array<i32>} : memref<512xi32, #tpu.memory_space<vmem>>, vector<16xi32>,
      %add3A_488 = arith.constant 1500030 : i32
      %add3A_489 = vector.broadcast %add3A_488 : i32 to vector<16xi32>
      %add3A_490 = arith.addi %get3A_487, %add3A_489 : vector<16xi32>
      %mul3A_491 = arith.constant 16 : i32
      %mul3A_492 = arith.muli %scan3A_483, %mul3A_491 : i32
      %swap3A_493 = arith.constant 15 : i32
      %swap3A_494 = arith.index_cast %swap3A_493 : i32 to index
      %swap3A_495 = arith.index_cast %mul3A_492 : i32 to index
      %swap3A_496 = tpu.vector_load %arg6[%swap3A_494, %swap3A_495] {strides = array<i32>} : memref<16x512xi32, #tpu.memory_space<vmem>>, vector<16xi32>,
      tpu.vector_store %arg6[%swap3A_494, %swap3A_495], %add3A_490 {strides = array<i32>} : memref<16x512xi32, #tpu.memory_space<vmem>>, vector<16xi32>,
      %scan3A_497 = arith.constant 3 : i32
      %scan3A_498 = arith.addi %scan3A_455, %scan3A_497 : i32
      %mul3A_499 = arith.constant 16 : i32
      %mul3A_500 = arith.muli %scan3A_498, %mul3A_499 : i32
      %get3A_501 = arith.index_cast %mul3A_500 : i32 to index
      %get3A_502 = tpu.vector_load %arg5[%get3A_501] {strides = array<i32>} : memref<512xi32, #tpu.memory_space<vmem>>, vector<16xi32>,
      %add3A_503 = arith.constant 1500030 : i32
      %add3A_504 = vector.broadcast %add3A_503 : i32 to vector<16xi32>
      %add3A_505 = arith.addi %get3A_502, %add3A_504 : vector<16xi32>
      %mul3A_506 = arith.constant 16 : i32
      %mul3A_507 = arith.muli %scan3A_498, %mul3A_506 : i32
      %swap3A_508 = arith.constant 15 : i32
      %swap3A_509 = arith.index_cast %swap3A_508 : i32 to index
      %swap3A_510 = arith.index_cast %mul3A_507 : i32 to index
      %swap3A_511 = tpu.vector_load %arg6[%swap3A_509, %swap3A_510] {strides = array<i32>} : memref<16x512xi32, #tpu.memory_space<vmem>>, vector<16xi32>,
      tpu.vector_store %arg6[%swap3A_509, %swap3A_510], %add3A_505 {strides = array<i32>} : memref<16x512xi32, #tpu.memory_space<vmem>>, vector<16xi32>,
    }
    %scan3A_246 = arith.constant 32 : i32
    %dma_start3A_247 = arith.constant 15 : i32
    %dma_start3A_248 = arith.constant 15 : i32
    %dma_start3A_249 = arith.constant 0 : i32
    %dma_start3A_250 = tpu.memref_slice %arg7[%dma_start3A_248, %dma_start3A_249] : memref<16x512xf32, #tpu.memory_space<vmem>> -> memref<1x512xf32, #tpu.memory_space<vmem>>
    %dma_start3A_251 = tpu.memref_squeeze %dma_start3A_250 : memref<1x512xf32, #tpu.memory_space<vmem>> -> memref<512xf32, #tpu.memory_space<vmem>>
    %dma_start3A_252 = arith.constant 0 : i32
    %dma_start3A_253 = tpu.memref_slice %arg6[%dma_start3A_247, %dma_start3A_252] : memref<16x512xi32, #tpu.memory_space<vmem>> -> memref<1x512xi32, #tpu.memory_space<vmem>>
    %dma_start3A_254 = tpu.memref_squeeze %dma_start3A_253 : memref<1x512xi32, #tpu.memory_space<vmem>> -> memref<512xi32, #tpu.memory_space<vmem>>
    %dma_start3A_255 = arith.constant 0 : i32
    %dma_start3A_256 = tpu.memref_slice %arg2[%dma_start3A_255] : memref<1600032xf32, #tpu.memory_space<hbm>> -> memref<1600032xf32, #tpu.memory_space<hbm>>
    tpu.enqueue_indirect_dma source(%dma_start3A_256 : memref<1600032xf32, #tpu.memory_space<hbm>>) target(%dma_start3A_251 : memref<512xf32, #tpu.memory_space<vmem>>) offsets(%dma_start3A_254 : memref<512xi32, #tpu.memory_space<vmem>>) semaphore(%arg9 : memref<!tpu.dma_semaphore, #tpu.memory_space<semaphore_mem>>)
    %dma_wait3A = arith.constant 0 : i32
    %dma_wait3A_257 = arith.constant 0 : i32
    %dma_wait3A_258 = arith.constant 0 : i32
    %dma_wait3A_259 = tpu.memref_slice %arg7[%dma_wait3A_257, %dma_wait3A_258] : memref<16x512xf32, #tpu.memory_space<vmem>> -> memref<1x512xf32, #tpu.memory_space<vmem>>
    %dma_wait3A_260 = tpu.memref_squeeze %dma_wait3A_259 : memref<1x512xf32, #tpu.memory_space<vmem>> -> memref<512xf32, #tpu.memory_space<vmem>>
    %dma_wait3A_261 = arith.constant 0 : i32
    %dma_wait3A_262 = tpu.memref_slice %arg6[%dma_wait3A, %dma_wait3A_261] : memref<16x512xi32, #tpu.memory_space<vmem>> -> memref<1x512xi32, #tpu.memory_space<vmem>>
    %dma_wait3A_263 = tpu.memref_squeeze %dma_wait3A_262 : memref<1x512xi32, #tpu.memory_space<vmem>> -> memref<512xi32, #tpu.memory_space<vmem>>
    %dma_wait3A_264 = arith.constant 0 : i32
    %dma_wait3A_265 = tpu.memref_slice %arg2[%dma_wait3A_264] : memref<1600032xf32, #tpu.memory_space<hbm>> -> memref<1600032xf32, #tpu.memory_space<hbm>>
    tpu.wait_indirect_dma semaphore(%arg8 : memref<!tpu.dma_semaphore, #tpu.memory_space<semaphore_mem>>) src(%dma_wait3A_265 : memref<1600032xf32, #tpu.memory_space<hbm>>) dst(%dma_wait3A_260 : memref<512xf32, #tpu.memory_space<vmem>>)
    %dma_wait3A_266 = arith.constant 1 : i32
    %dma_wait3A_267 = arith.constant 1 : i32
    %dma_wait3A_268 = arith.constant 0 : i32
    %dma_wait3A_269 = tpu.memref_slice %arg7[%dma_wait3A_267, %dma_wait3A_268] : memref<16x512xf32, #tpu.memory_space<vmem>> -> memref<1x512xf32, #tpu.memory_space<vmem>>
    %dma_wait3A_270 = tpu.memref_squeeze %dma_wait3A_269 : memref<1x512xf32, #tpu.memory_space<vmem>> -> memref<512xf32, #tpu.memory_space<vmem>>
    %dma_wait3A_271 = arith.constant 0 : i32
    %dma_wait3A_272 = tpu.memref_slice %arg6[%dma_wait3A_266, %dma_wait3A_271] : memref<16x512xi32, #tpu.memory_space<vmem>> -> memref<1x512xi32, #tpu.memory_space<vmem>>
    %dma_wait3A_273 = tpu.memref_squeeze %dma_wait3A_272 : memref<1x512xi32, #tpu.memory_space<vmem>> -> memref<512xi32, #tpu.memory_space<vmem>>
    %dma_wait3A_274 = arith.constant 0 : i32
    %dma_wait3A_275 = tpu.memref_slice %arg2[%dma_wait3A_274] : memref<1600032xf32, #tpu.memory_space<hbm>> -> memref<1600032xf32, #tpu.memory_space<hbm>>
    tpu.wait_indirect_dma semaphore(%arg8 : memref<!tpu.dma_semaphore, #tpu.memory_space<semaphore_mem>>) src(%dma_wait3A_275 : memref<1600032xf32, #tpu.memory_space<hbm>>) dst(%dma_wait3A_270 : memref<512xf32, #tpu.memory_space<vmem>>)
    %dma_wait3A_276 = arith.constant 2 : i32
    %dma_wait3A_277 = arith.constant 2 : i32
    %dma_wait3A_278 = arith.constant 0 : i32
    %dma_wait3A_279 = tpu.memref_slice %arg7[%dma_wait3A_277, %dma_wait3A_278] : memref<16x512xf32, #tpu.memory_space<vmem>> -> memref<1x512xf32, #tpu.memory_space<vmem>>
    %dma_wait3A_280 = tpu.memref_squeeze %dma_wait3A_279 : memref<1x512xf32, #tpu.memory_space<vmem>> -> memref<512xf32, #tpu.memory_space<vmem>>
    %dma_wait3A_281 = arith.constant 0 : i32
    %dma_wait3A_282 = tpu.memref_slice %arg6[%dma_wait3A_276, %dma_wait3A_281] : memref<16x512xi32, #tpu.memory_space<vmem>> -> memref<1x512xi32, #tpu.memory_space<vmem>>
    %dma_wait3A_283 = tpu.memref_squeeze %dma_wait3A_282 : memref<1x512xi32, #tpu.memory_space<vmem>> -> memref<512xi32, #tpu.memory_space<vmem>>
    %dma_wait3A_284 = arith.constant 0 : i32
    %dma_wait3A_285 = tpu.memref_slice %arg2[%dma_wait3A_284] : memref<1600032xf32, #tpu.memory_space<hbm>> -> memref<1600032xf32, #tpu.memory_space<hbm>>
    tpu.wait_indirect_dma semaphore(%arg8 : memref<!tpu.dma_semaphore, #tpu.memory_space<semaphore_mem>>) src(%dma_wait3A_285 : memref<1600032xf32, #tpu.memory_space<hbm>>) dst(%dma_wait3A_280 : memref<512xf32, #tpu.memory_space<vmem>>)
    %dma_wait3A_286 = arith.constant 3 : i32
    %dma_wait3A_287 = arith.constant 3 : i32
    %dma_wait3A_288 = arith.constant 0 : i32
    %dma_wait3A_289 = tpu.memref_slice %arg7[%dma_wait3A_287, %dma_wait3A_288] : memref<16x512xf32, #tpu.memory_space<vmem>> -> memref<1x512xf32, #tpu.memory_space<vmem>>
    %dma_wait3A_290 = tpu.memref_squeeze %dma_wait3A_289 : memref<1x512xf32, #tpu.memory_space<vmem>> -> memref<512xf32, #tpu.memory_space<vmem>>
    %dma_wait3A_291 = arith.constant 0 : i32
    %dma_wait3A_292 = tpu.memref_slice %arg6[%dma_wait3A_286, %dma_wait3A_291] : memref<16x512xi32, #tpu.memory_space<vmem>> -> memref<1x512xi32, #tpu.memory_space<vmem>>
    %dma_wait3A_293 = tpu.memref_squeeze %dma_wait3A_292 : memref<1x512xi32, #tpu.memory_space<vmem>> -> memref<512xi32, #tpu.memory_space<vmem>>
    %dma_wait3A_294 = arith.constant 0 : i32
    %dma_wait3A_295 = tpu.memref_slice %arg2[%dma_wait3A_294] : memref<1600032xf32, #tpu.memory_space<hbm>> -> memref<1600032xf32, #tpu.memory_space<hbm>>
    tpu.wait_indirect_dma semaphore(%arg8 : memref<!tpu.dma_semaphore, #tpu.memory_space<semaphore_mem>>) src(%dma_wait3A_295 : memref<1600032xf32, #tpu.memory_space<hbm>>) dst(%dma_wait3A_290 : memref<512xf32, #tpu.memory_space<vmem>>)
    %dma_wait3A_296 = arith.constant 4 : i32
    %dma_wait3A_297 = arith.constant 4 : i32
    %dma_wait3A_298 = arith.constant 0 : i32
    %dma_wait3A_299 = tpu.memref_slice %arg7[%dma_wait3A_297, %dma_wait3A_298] : memref<16x512xf32, #tpu.memory_space<vmem>> -> memref<1x512xf32, #tpu.memory_space<vmem>>
    %dma_wait3A_300 = tpu.memref_squeeze %dma_wait3A_299 : memref<1x512xf32, #tpu.memory_space<vmem>> -> memref<512xf32, #tpu.memory_space<vmem>>
    %dma_wait3A_301 = arith.constant 0 : i32
    %dma_wait3A_302 = tpu.memref_slice %arg6[%dma_wait3A_296, %dma_wait3A_301] : memref<16x512xi32, #tpu.memory_space<vmem>> -> memref<1x512xi32, #tpu.memory_space<vmem>>
    %dma_wait3A_303 = tpu.memref_squeeze %dma_wait3A_302 : memref<1x512xi32, #tpu.memory_space<vmem>> -> memref<512xi32, #tpu.memory_space<vmem>>
    %dma_wait3A_304 = arith.constant 0 : i32
    %dma_wait3A_305 = tpu.memref_slice %arg2[%dma_wait3A_304] : memref<1600032xf32, #tpu.memory_space<hbm>> -> memref<1600032xf32, #tpu.memory_space<hbm>>
    tpu.wait_indirect_dma semaphore(%arg8 : memref<!tpu.dma_semaphore, #tpu.memory_space<semaphore_mem>>) src(%dma_wait3A_305 : memref<1600032xf32, #tpu.memory_space<hbm>>) dst(%dma_wait3A_300 : memref<512xf32, #tpu.memory_space<vmem>>)
    %dma_wait3A_306 = arith.constant 5 : i32
    %dma_wait3A_307 = arith.constant 5 : i32
    %dma_wait3A_308 = arith.constant 0 : i32
    %dma_wait3A_309 = tpu.memref_slice %arg7[%dma_wait3A_307, %dma_wait3A_308] : memref<16x512xf32, #tpu.memory_space<vmem>> -> memref<1x512xf32, #tpu.memory_space<vmem>>
    %dma_wait3A_310 = tpu.memref_squeeze %dma_wait3A_309 : memref<1x512xf32, #tpu.memory_space<vmem>> -> memref<512xf32, #tpu.memory_space<vmem>>
    %dma_wait3A_311 = arith.constant 0 : i32
    %dma_wait3A_312 = tpu.memref_slice %arg6[%dma_wait3A_306, %dma_wait3A_311] : memref<16x512xi32, #tpu.memory_space<vmem>> -> memref<1x512xi32, #tpu.memory_space<vmem>>
    %dma_wait3A_313 = tpu.memref_squeeze %dma_wait3A_312 : memref<1x512xi32, #tpu.memory_space<vmem>> -> memref<512xi32, #tpu.memory_space<vmem>>
    %dma_wait3A_314 = arith.constant 0 : i32
    %dma_wait3A_315 = tpu.memref_slice %arg2[%dma_wait3A_314] : memref<1600032xf32, #tpu.memory_space<hbm>> -> memref<1600032xf32, #tpu.memory_space<hbm>>
    tpu.wait_indirect_dma semaphore(%arg8 : memref<!tpu.dma_semaphore, #tpu.memory_space<semaphore_mem>>) src(%dma_wait3A_315 : memref<1600032xf32, #tpu.memory_space<hbm>>) dst(%dma_wait3A_310 : memref<512xf32, #tpu.memory_space<vmem>>)
    %dma_wait3A_316 = arith.constant 6 : i32
    %dma_wait3A_317 = arith.constant 6 : i32
    %dma_wait3A_318 = arith.constant 0 : i32
    %dma_wait3A_319 = tpu.memref_slice %arg7[%dma_wait3A_317, %dma_wait3A_318] : memref<16x512xf32, #tpu.memory_space<vmem>> -> memref<1x512xf32, #tpu.memory_space<vmem>>
    %dma_wait3A_320 = tpu.memref_squeeze %dma_wait3A_319 : memref<1x512xf32, #tpu.memory_space<vmem>> -> memref<512xf32, #tpu.memory_space<vmem>>
    %dma_wait3A_321 = arith.constant 0 : i32
    %dma_wait3A_322 = tpu.memref_slice %arg6[%dma_wait3A_316, %dma_wait3A_321] : memref<16x512xi32, #tpu.memory_space<vmem>> -> memref<1x512xi32, #tpu.memory_space<vmem>>
    %dma_wait3A_323 = tpu.memref_squeeze %dma_wait3A_322 : memref<1x512xi32, #tpu.memory_space<vmem>> -> memref<512xi32, #tpu.memory_space<vmem>>
    %dma_wait3A_324 = arith.constant 0 : i32
    %dma_wait3A_325 = tpu.memref_slice %arg2[%dma_wait3A_324] : memref<1600032xf32, #tpu.memory_space<hbm>> -> memref<1600032xf32, #tpu.memory_space<hbm>>
    tpu.wait_indirect_dma semaphore(%arg8 : memref<!tpu.dma_semaphore, #tpu.memory_space<semaphore_mem>>) src(%dma_wait3A_325 : memref<1600032xf32, #tpu.memory_space<hbm>>) dst(%dma_wait3A_320 : memref<512xf32, #tpu.memory_space<vmem>>)
    %dma_wait3A_326 = arith.constant 7 : i32
    %dma_wait3A_327 = arith.constant 7 : i32
    %dma_wait3A_328 = arith.constant 0 : i32
    %dma_wait3A_329 = tpu.memref_slice %arg7[%dma_wait3A_327, %dma_wait3A_328] : memref<16x512xf32, #tpu.memory_space<vmem>> -> memref<1x512xf32, #tpu.memory_space<vmem>>
    %dma_wait3A_330 = tpu.memref_squeeze %dma_wait3A_329 : memref<1x512xf32, #tpu.memory_space<vmem>> -> memref<512xf32, #tpu.memory_space<vmem>>
    %dma_wait3A_331 = arith.constant 0 : i32
    %dma_wait3A_332 = tpu.memref_slice %arg6[%dma_wait3A_326, %dma_wait3A_331] : memref<16x512xi32, #tpu.memory_space<vmem>> -> memref<1x512xi32, #tpu.memory_space<vmem>>
    %dma_wait3A_333 = tpu.memref_squeeze %dma_wait3A_332 : memref<1x512xi32, #tpu.memory_space<vmem>> -> memref<512xi32, #tpu.memory_space<vmem>>
    %dma_wait3A_334 = arith.constant 0 : i32
    %dma_wait3A_335 = tpu.memref_slice %arg2[%dma_wait3A_334] : memref<1600032xf32, #tpu.memory_space<hbm>> -> memref<1600032xf32, #tpu.memory_space<hbm>>
    tpu.wait_indirect_dma semaphore(%arg8 : memref<!tpu.dma_semaphore, #tpu.memory_space<semaphore_mem>>) src(%dma_wait3A_335 : memref<1600032xf32, #tpu.memory_space<hbm>>) dst(%dma_wait3A_330 : memref<512xf32, #tpu.memory_space<vmem>>)
    %mul3A_336 = arith.constant 4 : i32
    %mul3A_337 = arith.muli %add3A, %mul3A_336 : i32
    %add3A_338 = arith.constant 0 : i32
    %add3A_339 = arith.addi %mul3A_337, %add3A_338 : i32
    %run_scoped3A = arith.constant 0 : i32
    "tpu.region"() ({
      %run_scoped3A_455 = tpu.sem_alloc : memref<!tpu.dma_semaphore, #tpu.memory_space<semaphore_mem>>
      %dma_start3A_456 = arith.constant 0 : i32
      %dma_start3A_457 = arith.constant 0 : i32
      %dma_start3A_458 = tpu.memref_slice %arg7[%dma_start3A_456, %dma_start3A_457] : memref<16x512xf32, #tpu.memory_space<vmem>> -> memref<8x128xf32, #tpu.memory_space<vmem>>
      %dma_start3A_459 = arith.constant 0 : i32
      %dma_start3A_460 = arith.constant 0 : i32
      %dma_start3A_461 = tpu.memref_slice %arg4[%run_scoped3A, %add3A_339, %dma_start3A_459, %dma_start3A_460] : memref<2x128x8x128xf32, #tpu.memory_space<hbm>> -> memref<1x1x8x128xf32, #tpu.memory_space<hbm>>
      %dma_start3A_462 = tpu.memref_squeeze %dma_start3A_461 : memref<1x1x8x128xf32, #tpu.memory_space<hbm>> -> memref<8x128xf32, #tpu.memory_space<hbm>>
      %dma_start3A_463 = arith.constant 0 : i32
      %dma_start3A_464 = arith.constant 0 : i32
      %dma_start3A_465 = tpu.memref_slice %arg4[%run_scoped3A, %add3A_339, %dma_start3A_463, %dma_start3A_464] : memref<2x128x8x128xf32, #tpu.memory_space<hbm>> -> memref<1x1x8x128xf32, #tpu.memory_space<hbm>>
      %dma_start3A_466 = tpu.memref_squeeze %dma_start3A_465 : memref<1x1x8x128xf32, #tpu.memory_space<hbm>> -> memref<8x128xf32, #tpu.memory_space<hbm>>
      %dma_start3A_467 = arith.constant 0 : i32
      %dma_start3A_468 = arith.constant 0 : i32
      %dma_start3A_469 = tpu.memref_slice %arg7[%dma_start3A_467, %dma_start3A_468] : memref<16x512xf32, #tpu.memory_space<vmem>> -> memref<8x128xf32, #tpu.memory_space<vmem>>
      tpu.enqueue_dma source(%dma_start3A_469 : memref<8x128xf32, #tpu.memory_space<vmem>>) target(%dma_start3A_466 : memref<8x128xf32, #tpu.memory_space<hbm>>) target_semaphore(%run_scoped3A_455 : memref<!tpu.dma_semaphore, #tpu.memory_space<semaphore_mem>>)
      %dma_wait3A_470 = arith.constant 0 : i32
      %dma_wait3A_471 = arith.constant 0 : i32
      %dma_wait3A_472 = tpu.memref_slice %arg7[%dma_wait3A_470, %dma_wait3A_471] : memref<16x512xf32, #tpu.memory_space<vmem>> -> memref<8x128xf32, #tpu.memory_space<vmem>>
      %dma_wait3A_473 = arith.constant 0 : i32
      %dma_wait3A_474 = arith.constant 0 : i32
      %dma_wait3A_475 = tpu.memref_slice %arg4[%run_scoped3A, %add3A_339, %dma_wait3A_473, %dma_wait3A_474] : memref<2x128x8x128xf32, #tpu.memory_space<hbm>> -> memref<1x1x8x128xf32, #tpu.memory_space<hbm>>
      %dma_wait3A_476 = tpu.memref_squeeze %dma_wait3A_475 : memref<1x1x8x128xf32, #tpu.memory_space<hbm>> -> memref<8x128xf32, #tpu.memory_space<hbm>>
      %dma_wait3A_477 = arith.constant 0 : i32
      %dma_wait3A_478 = arith.constant 0 : i32
      %dma_wait3A_479 = tpu.memref_slice %arg4[%run_scoped3A, %add3A_339, %dma_wait3A_477, %dma_wait3A_478] : memref<2x128x8x128xf32, #tpu.memory_space<hbm>> -> memref<1x1x8x128xf32, #tpu.memory_space<hbm>>
      %dma_wait3A_480 = tpu.memref_squeeze %dma_wait3A_479 : memref<1x1x8x128xf32, #tpu.memory_space<hbm>> -> memref<8x128xf32, #tpu.memory_space<hbm>>
      %dma_wait3A_481 = arith.constant 0 : i32
      %dma_wait3A_482 = arith.constant 0 : i32
      %dma_wait3A_483 = tpu.memref_slice %arg7[%dma_wait3A_481, %dma_wait3A_482] : memref<16x512xf32, #tpu.memory_space<vmem>> -> memref<8x128xf32, #tpu.memory_space<vmem>>
      tpu.wait_dma2 semaphore(%run_scoped3A_455 : memref<!tpu.dma_semaphore, #tpu.memory_space<semaphore_mem>>) src(%dma_wait3A_483 : memref<8x128xf32, #tpu.memory_space<vmem>>) dst(%dma_wait3A_480 : memref<8x128xf32, #tpu.memory_space<hbm>>)
      tpu.yield
    }) : () -> ()
    %mul3A_340 = arith.constant 4 : i32
    %mul3A_341 = arith.muli %add3A, %mul3A_340 : i32
    %add3A_342 = arith.constant 1 : i32
    %add3A_343 = arith.addi %mul3A_341, %add3A_342 : i32
    %run_scoped3A_344 = arith.constant 0 : i32
    "tpu.region"() ({
      %run_scoped3A_455 = tpu.sem_alloc : memref<!tpu.dma_semaphore, #tpu.memory_space<semaphore_mem>>
      %dma_start3A_456 = arith.constant 0 : i32
      %dma_start3A_457 = arith.constant 128 : i32
      %dma_start3A_458 = tpu.memref_slice %arg7[%dma_start3A_456, %dma_start3A_457] : memref<16x512xf32, #tpu.memory_space<vmem>> -> memref<8x128xf32, #tpu.memory_space<vmem>>
      %dma_start3A_459 = arith.constant 0 : i32
      %dma_start3A_460 = arith.constant 0 : i32
      %dma_start3A_461 = tpu.memref_slice %arg4[%run_scoped3A_344, %add3A_343, %dma_start3A_459, %dma_start3A_460] : memref<2x128x8x128xf32, #tpu.memory_space<hbm>> -> memref<1x1x8x128xf32, #tpu.memory_space<hbm>>
      %dma_start3A_462 = tpu.memref_squeeze %dma_start3A_461 : memref<1x1x8x128xf32, #tpu.memory_space<hbm>> -> memref<8x128xf32, #tpu.memory_space<hbm>>
      %dma_start3A_463 = arith.constant 0 : i32
      %dma_start3A_464 = arith.constant 0 : i32
      %dma_start3A_465 = tpu.memref_slice %arg4[%run_scoped3A_344, %add3A_343, %dma_start3A_463, %dma_start3A_464] : memref<2x128x8x128xf32, #tpu.memory_space<hbm>> -> memref<1x1x8x128xf32, #tpu.memory_space<hbm>>
      %dma_start3A_466 = tpu.memref_squeeze %dma_start3A_465 : memref<1x1x8x128xf32, #tpu.memory_space<hbm>> -> memref<8x128xf32, #tpu.memory_space<hbm>>
      %dma_start3A_467 = arith.constant 0 : i32
      %dma_start3A_468 = arith.constant 128 : i32
      %dma_start3A_469 = tpu.memref_slice %arg7[%dma_start3A_467, %dma_start3A_468] : memref<16x512xf32, #tpu.memory_space<vmem>> -> memref<8x128xf32, #tpu.memory_space<vmem>>
      tpu.enqueue_dma source(%dma_start3A_469 : memref<8x128xf32, #tpu.memory_space<vmem>>) target(%dma_start3A_466 : memref<8x128xf32, #tpu.memory_space<hbm>>) target_semaphore(%run_scoped3A_455 : memref<!tpu.dma_semaphore, #tpu.memory_space<semaphore_mem>>)
      %dma_wait3A_470 = arith.constant 0 : i32
      %dma_wait3A_471 = arith.constant 128 : i32
      %dma_wait3A_472 = tpu.memref_slice %arg7[%dma_wait3A_470, %dma_wait3A_471] : memref<16x512xf32, #tpu.memory_space<vmem>> -> memref<8x128xf32, #tpu.memory_space<vmem>>
      %dma_wait3A_473 = arith.constant 0 : i32
      %dma_wait3A_474 = arith.constant 0 : i32
      %dma_wait3A_475 = tpu.memref_slice %arg4[%run_scoped3A_344, %add3A_343, %dma_wait3A_473, %dma_wait3A_474] : memref<2x128x8x128xf32, #tpu.memory_space<hbm>> -> memref<1x1x8x128xf32, #tpu.memory_space<hbm>>
      %dma_wait3A_476 = tpu.memref_squeeze %dma_wait3A_475 : memref<1x1x8x128xf32, #tpu.memory_space<hbm>> -> memref<8x128xf32, #tpu.memory_space<hbm>>
      %dma_wait3A_477 = arith.constant 0 : i32
      %dma_wait3A_478 = arith.constant 0 : i32
      %dma_wait3A_479 = tpu.memref_slice %arg4[%run_scoped3A_344, %add3A_343, %dma_wait3A_477, %dma_wait3A_478] : memref<2x128x8x128xf32, #tpu.memory_space<hbm>> -> memref<1x1x8x128xf32, #tpu.memory_space<hbm>>
      %dma_wait3A_480 = tpu.memref_squeeze %dma_wait3A_479 : memref<1x1x8x128xf32, #tpu.memory_space<hbm>> -> memref<8x128xf32, #tpu.memory_space<hbm>>
      %dma_wait3A_481 = arith.constant 0 : i32
      %dma_wait3A_482 = arith.constant 128 : i32
      %dma_wait3A_483 = tpu.memref_slice %arg7[%dma_wait3A_481, %dma_wait3A_482] : memref<16x512xf32, #tpu.memory_space<vmem>> -> memref<8x128xf32, #tpu.memory_space<vmem>>
      tpu.wait_dma2 semaphore(%run_scoped3A_455 : memref<!tpu.dma_semaphore, #tpu.memory_space<semaphore_mem>>) src(%dma_wait3A_483 : memref<8x128xf32, #tpu.memory_space<vmem>>) dst(%dma_wait3A_480 : memref<8x128xf32, #tpu.memory_space<hbm>>)
      tpu.yield
    }) : () -> ()
    %mul3A_345 = arith.constant 4 : i32
    %mul3A_346 = arith.muli %add3A, %mul3A_345 : i32
    %add3A_347 = arith.constant 2 : i32
    %add3A_348 = arith.addi %mul3A_346, %add3A_347 : i32
    %run_scoped3A_349 = arith.constant 0 : i32
    "tpu.region"() ({
      %run_scoped3A_455 = tpu.sem_alloc : memref<!tpu.dma_semaphore, #tpu.memory_space<semaphore_mem>>
      %dma_start3A_456 = arith.constant 0 : i32
      %dma_start3A_457 = arith.constant 256 : i32
      %dma_start3A_458 = tpu.memref_slice %arg7[%dma_start3A_456, %dma_start3A_457] : memref<16x512xf32, #tpu.memory_space<vmem>> -> memref<8x128xf32, #tpu.memory_space<vmem>>
      %dma_start3A_459 = arith.constant 0 : i32
      %dma_start3A_460 = arith.constant 0 : i32
      %dma_start3A_461 = tpu.memref_slice %arg4[%run_scoped3A_349, %add3A_348, %dma_start3A_459, %dma_start3A_460] : memref<2x128x8x128xf32, #tpu.memory_space<hbm>> -> memref<1x1x8x128xf32, #tpu.memory_space<hbm>>
      %dma_start3A_462 = tpu.memref_squeeze %dma_start3A_461 : memref<1x1x8x128xf32, #tpu.memory_space<hbm>> -> memref<8x128xf32, #tpu.memory_space<hbm>>
      %dma_start3A_463 = arith.constant 0 : i32
      %dma_start3A_464 = arith.constant 0 : i32
      %dma_start3A_465 = tpu.memref_slice %arg4[%run_scoped3A_349, %add3A_348, %dma_start3A_463, %dma_start3A_464] : memref<2x128x8x128xf32, #tpu.memory_space<hbm>> -> memref<1x1x8x128xf32, #tpu.memory_space<hbm>>
      %dma_start3A_466 = tpu.memref_squeeze %dma_start3A_465 : memref<1x1x8x128xf32, #tpu.memory_space<hbm>> -> memref<8x128xf32, #tpu.memory_space<hbm>>
      %dma_start3A_467 = arith.constant 0 : i32
      %dma_start3A_468 = arith.constant 256 : i32
      %dma_start3A_469 = tpu.memref_slice %arg7[%dma_start3A_467, %dma_start3A_468] : memref<16x512xf32, #tpu.memory_space<vmem>> -> memref<8x128xf32, #tpu.memory_space<vmem>>
      tpu.enqueue_dma source(%dma_start3A_469 : memref<8x128xf32, #tpu.memory_space<vmem>>) target(%dma_start3A_466 : memref<8x128xf32, #tpu.memory_space<hbm>>) target_semaphore(%run_scoped3A_455 : memref<!tpu.dma_semaphore, #tpu.memory_space<semaphore_mem>>)
      %dma_wait3A_470 = arith.constant 0 : i32
      %dma_wait3A_471 = arith.constant 256 : i32
      %dma_wait3A_472 = tpu.memref_slice %arg7[%dma_wait3A_470, %dma_wait3A_471] : memref<16x512xf32, #tpu.memory_space<vmem>> -> memref<8x128xf32, #tpu.memory_space<vmem>>
      %dma_wait3A_473 = arith.constant 0 : i32
      %dma_wait3A_474 = arith.constant 0 : i32
      %dma_wait3A_475 = tpu.memref_slice %arg4[%run_scoped3A_349, %add3A_348, %dma_wait3A_473, %dma_wait3A_474] : memref<2x128x8x128xf32, #tpu.memory_space<hbm>> -> memref<1x1x8x128xf32, #tpu.memory_space<hbm>>
      %dma_wait3A_476 = tpu.memref_squeeze %dma_wait3A_475 : memref<1x1x8x128xf32, #tpu.memory_space<hbm>> -> memref<8x128xf32, #tpu.memory_space<hbm>>
      %dma_wait3A_477 = arith.constant 0 : i32
      %dma_wait3A_478 = arith.constant 0 : i32
      %dma_wait3A_479 = tpu.memref_slice %arg4[%run_scoped3A_349, %add3A_348, %dma_wait3A_477, %dma_wait3A_478] : memref<2x128x8x128xf32, #tpu.memory_space<hbm>> -> memref<1x1x8x128xf32, #tpu.memory_space<hbm>>
      %dma_wait3A_480 = tpu.memref_squeeze %dma_wait3A_479 : memref<1x1x8x128xf32, #tpu.memory_space<hbm>> -> memref<8x128xf32, #tpu.memory_space<hbm>>
      %dma_wait3A_481 = arith.constant 0 : i32
      %dma_wait3A_482 = arith.constant 256 : i32
      %dma_wait3A_483 = tpu.memref_slice %arg7[%dma_wait3A_481, %dma_wait3A_482] : memref<16x512xf32, #tpu.memory_space<vmem>> -> memref<8x128xf32, #tpu.memory_space<vmem>>
      tpu.wait_dma2 semaphore(%run_scoped3A_455 : memref<!tpu.dma_semaphore, #tpu.memory_space<semaphore_mem>>) src(%dma_wait3A_483 : memref<8x128xf32, #tpu.memory_space<vmem>>) dst(%dma_wait3A_480 : memref<8x128xf32, #tpu.memory_space<hbm>>)
      tpu.yield
    }) : () -> ()
    %mul3A_350 = arith.constant 4 : i32
    %mul3A_351 = arith.muli %add3A, %mul3A_350 : i32
    %add3A_352 = arith.constant 3 : i32
    %add3A_353 = arith.addi %mul3A_351, %add3A_352 : i32
    %run_scoped3A_354 = arith.constant 0 : i32
    "tpu.region"() ({
      %run_scoped3A_455 = tpu.sem_alloc : memref<!tpu.dma_semaphore, #tpu.memory_space<semaphore_mem>>
      %dma_start3A_456 = arith.constant 0 : i32
      %dma_start3A_457 = arith.constant 384 : i32
      %dma_start3A_458 = tpu.memref_slice %arg7[%dma_start3A_456, %dma_start3A_457] : memref<16x512xf32, #tpu.memory_space<vmem>> -> memref<8x128xf32, #tpu.memory_space<vmem>>
      %dma_start3A_459 = arith.constant 0 : i32
      %dma_start3A_460 = arith.constant 0 : i32
      %dma_start3A_461 = tpu.memref_slice %arg4[%run_scoped3A_354, %add3A_353, %dma_start3A_459, %dma_start3A_460] : memref<2x128x8x128xf32, #tpu.memory_space<hbm>> -> memref<1x1x8x128xf32, #tpu.memory_space<hbm>>
      %dma_start3A_462 = tpu.memref_squeeze %dma_start3A_461 : memref<1x1x8x128xf32, #tpu.memory_space<hbm>> -> memref<8x128xf32, #tpu.memory_space<hbm>>
      %dma_start3A_463 = arith.constant 0 : i32
      %dma_start3A_464 = arith.constant 0 : i32
      %dma_start3A_465 = tpu.memref_slice %arg4[%run_scoped3A_354, %add3A_353, %dma_start3A_463, %dma_start3A_464] : memref<2x128x8x128xf32, #tpu.memory_space<hbm>> -> memref<1x1x8x128xf32, #tpu.memory_space<hbm>>
      %dma_start3A_466 = tpu.memref_squeeze %dma_start3A_465 : memref<1x1x8x128xf32, #tpu.memory_space<hbm>> -> memref<8x128xf32, #tpu.memory_space<hbm>>
      %dma_start3A_467 = arith.constant 0 : i32
      %dma_start3A_468 = arith.constant 384 : i32
      %dma_start3A_469 = tpu.memref_slice %arg7[%dma_start3A_467, %dma_start3A_468] : memref<16x512xf32, #tpu.memory_space<vmem>> -> memref<8x128xf32, #tpu.memory_space<vmem>>
      tpu.enqueue_dma source(%dma_start3A_469 : memref<8x128xf32, #tpu.memory_space<vmem>>) target(%dma_start3A_466 : memref<8x128xf32, #tpu.memory_space<hbm>>) target_semaphore(%run_scoped3A_455 : memref<!tpu.dma_semaphore, #tpu.memory_space<semaphore_mem>>)
      %dma_wait3A_470 = arith.constant 0 : i32
      %dma_wait3A_471 = arith.constant 384 : i32
      %dma_wait3A_472 = tpu.memref_slice %arg7[%dma_wait3A_470, %dma_wait3A_471] : memref<16x512xf32, #tpu.memory_space<vmem>> -> memref<8x128xf32, #tpu.memory_space<vmem>>
      %dma_wait3A_473 = arith.constant 0 : i32
      %dma_wait3A_474 = arith.constant 0 : i32
      %dma_wait3A_475 = tpu.memref_slice %arg4[%run_scoped3A_354, %add3A_353, %dma_wait3A_473, %dma_wait3A_474] : memref<2x128x8x128xf32, #tpu.memory_space<hbm>> -> memref<1x1x8x128xf32, #tpu.memory_space<hbm>>
      %dma_wait3A_476 = tpu.memref_squeeze %dma_wait3A_475 : memref<1x1x8x128xf32, #tpu.memory_space<hbm>> -> memref<8x128xf32, #tpu.memory_space<hbm>>
      %dma_wait3A_477 = arith.constant 0 : i32
      %dma_wait3A_478 = arith.constant 0 : i32
      %dma_wait3A_479 = tpu.memref_slice %arg4[%run_scoped3A_354, %add3A_353, %dma_wait3A_477, %dma_wait3A_478] : memref<2x128x8x128xf32, #tpu.memory_space<hbm>> -> memref<1x1x8x128xf32, #tpu.memory_space<hbm>>
      %dma_wait3A_480 = tpu.memref_squeeze %dma_wait3A_479 : memref<1x1x8x128xf32, #tpu.memory_space<hbm>> -> memref<8x128xf32, #tpu.memory_space<hbm>>
      %dma_wait3A_481 = arith.constant 0 : i32
      %dma_wait3A_482 = arith.constant 384 : i32
      %dma_wait3A_483 = tpu.memref_slice %arg7[%dma_wait3A_481, %dma_wait3A_482] : memref<16x512xf32, #tpu.memory_space<vmem>> -> memref<8x128xf32, #tpu.memory_space<vmem>>
      tpu.wait_dma2 semaphore(%run_scoped3A_455 : memref<!tpu.dma_semaphore, #tpu.memory_space<semaphore_mem>>) src(%dma_wait3A_483 : memref<8x128xf32, #tpu.memory_space<vmem>>) dst(%dma_wait3A_480 : memref<8x128xf32, #tpu.memory_space<hbm>>)
      tpu.yield
    }) : () -> ()
    %dma_wait3A_355 = arith.constant 8 : i32
    %dma_wait3A_356 = arith.constant 8 : i32
    %dma_wait3A_357 = arith.constant 0 : i32
    %dma_wait3A_358 = tpu.memref_slice %arg7[%dma_wait3A_356, %dma_wait3A_357] : memref<16x512xf32, #tpu.memory_space<vmem>> -> memref<1x512xf32, #tpu.memory_space<vmem>>
    %dma_wait3A_359 = tpu.memref_squeeze %dma_wait3A_358 : memref<1x512xf32, #tpu.memory_space<vmem>> -> memref<512xf32, #tpu.memory_space<vmem>>
    %dma_wait3A_360 = arith.constant 0 : i32
    %dma_wait3A_361 = tpu.memref_slice %arg6[%dma_wait3A_355, %dma_wait3A_360] : memref<16x512xi32, #tpu.memory_space<vmem>> -> memref<1x512xi32, #tpu.memory_space<vmem>>
    %dma_wait3A_362 = tpu.memref_squeeze %dma_wait3A_361 : memref<1x512xi32, #tpu.memory_space<vmem>> -> memref<512xi32, #tpu.memory_space<vmem>>
    %dma_wait3A_363 = arith.constant 0 : i32
    %dma_wait3A_364 = tpu.memref_slice %arg2[%dma_wait3A_363] : memref<1600032xf32, #tpu.memory_space<hbm>> -> memref<1600032xf32, #tpu.memory_space<hbm>>
    tpu.wait_indirect_dma semaphore(%arg9 : memref<!tpu.dma_semaphore, #tpu.memory_space<semaphore_mem>>) src(%dma_wait3A_364 : memref<1600032xf32, #tpu.memory_space<hbm>>) dst(%dma_wait3A_359 : memref<512xf32, #tpu.memory_space<vmem>>)
    %dma_wait3A_365 = arith.constant 9 : i32
    %dma_wait3A_366 = arith.constant 9 : i32
    %dma_wait3A_367 = arith.constant 0 : i32
    %dma_wait3A_368 = tpu.memref_slice %arg7[%dma_wait3A_366, %dma_wait3A_367] : memref<16x512xf32, #tpu.memory_space<vmem>> -> memref<1x512xf32, #tpu.memory_space<vmem>>
    %dma_wait3A_369 = tpu.memref_squeeze %dma_wait3A_368 : memref<1x512xf32, #tpu.memory_space<vmem>> -> memref<512xf32, #tpu.memory_space<vmem>>
    %dma_wait3A_370 = arith.constant 0 : i32
    %dma_wait3A_371 = tpu.memref_slice %arg6[%dma_wait3A_365, %dma_wait3A_370] : memref<16x512xi32, #tpu.memory_space<vmem>> -> memref<1x512xi32, #tpu.memory_space<vmem>>
    %dma_wait3A_372 = tpu.memref_squeeze %dma_wait3A_371 : memref<1x512xi32, #tpu.memory_space<vmem>> -> memref<512xi32, #tpu.memory_space<vmem>>
    %dma_wait3A_373 = arith.constant 0 : i32
    %dma_wait3A_374 = tpu.memref_slice %arg2[%dma_wait3A_373] : memref<1600032xf32, #tpu.memory_space<hbm>> -> memref<1600032xf32, #tpu.memory_space<hbm>>
    tpu.wait_indirect_dma semaphore(%arg9 : memref<!tpu.dma_semaphore, #tpu.memory_space<semaphore_mem>>) src(%dma_wait3A_374 : memref<1600032xf32, #tpu.memory_space<hbm>>) dst(%dma_wait3A_369 : memref<512xf32, #tpu.memory_space<vmem>>)
    %dma_wait3A_375 = arith.constant 10 : i32
    %dma_wait3A_376 = arith.constant 10 : i32
    %dma_wait3A_377 = arith.constant 0 : i32
    %dma_wait3A_378 = tpu.memref_slice %arg7[%dma_wait3A_376, %dma_wait3A_377] : memref<16x512xf32, #tpu.memory_space<vmem>> -> memref<1x512xf32, #tpu.memory_space<vmem>>
    %dma_wait3A_379 = tpu.memref_squeeze %dma_wait3A_378 : memref<1x512xf32, #tpu.memory_space<vmem>> -> memref<512xf32, #tpu.memory_space<vmem>>
    %dma_wait3A_380 = arith.constant 0 : i32
    %dma_wait3A_381 = tpu.memref_slice %arg6[%dma_wait3A_375, %dma_wait3A_380] : memref<16x512xi32, #tpu.memory_space<vmem>> -> memref<1x512xi32, #tpu.memory_space<vmem>>
    %dma_wait3A_382 = tpu.memref_squeeze %dma_wait3A_381 : memref<1x512xi32, #tpu.memory_space<vmem>> -> memref<512xi32, #tpu.memory_space<vmem>>
    %dma_wait3A_383 = arith.constant 0 : i32
    %dma_wait3A_384 = tpu.memref_slice %arg2[%dma_wait3A_383] : memref<1600032xf32, #tpu.memory_space<hbm>> -> memref<1600032xf32, #tpu.memory_space<hbm>>
    tpu.wait_indirect_dma semaphore(%arg9 : memref<!tpu.dma_semaphore, #tpu.memory_space<semaphore_mem>>) src(%dma_wait3A_384 : memref<1600032xf32, #tpu.memory_space<hbm>>) dst(%dma_wait3A_379 : memref<512xf32, #tpu.memory_space<vmem>>)
    %dma_wait3A_385 = arith.constant 11 : i32
    %dma_wait3A_386 = arith.constant 11 : i32
    %dma_wait3A_387 = arith.constant 0 : i32
    %dma_wait3A_388 = tpu.memref_slice %arg7[%dma_wait3A_386, %dma_wait3A_387] : memref<16x512xf32, #tpu.memory_space<vmem>> -> memref<1x512xf32, #tpu.memory_space<vmem>>
    %dma_wait3A_389 = tpu.memref_squeeze %dma_wait3A_388 : memref<1x512xf32, #tpu.memory_space<vmem>> -> memref<512xf32, #tpu.memory_space<vmem>>
    %dma_wait3A_390 = arith.constant 0 : i32
    %dma_wait3A_391 = tpu.memref_slice %arg6[%dma_wait3A_385, %dma_wait3A_390] : memref<16x512xi32, #tpu.memory_space<vmem>> -> memref<1x512xi32, #tpu.memory_space<vmem>>
    %dma_wait3A_392 = tpu.memref_squeeze %dma_wait3A_391 : memref<1x512xi32, #tpu.memory_space<vmem>> -> memref<512xi32, #tpu.memory_space<vmem>>
    %dma_wait3A_393 = arith.constant 0 : i32
    %dma_wait3A_394 = tpu.memref_slice %arg2[%dma_wait3A_393] : memref<1600032xf32, #tpu.memory_space<hbm>> -> memref<1600032xf32, #tpu.memory_space<hbm>>
    tpu.wait_indirect_dma semaphore(%arg9 : memref<!tpu.dma_semaphore, #tpu.memory_space<semaphore_mem>>) src(%dma_wait3A_394 : memref<1600032xf32, #tpu.memory_space<hbm>>) dst(%dma_wait3A_389 : memref<512xf32, #tpu.memory_space<vmem>>)
    %dma_wait3A_395 = arith.constant 12 : i32
    %dma_wait3A_396 = arith.constant 12 : i32
    %dma_wait3A_397 = arith.constant 0 : i32
    %dma_wait3A_398 = tpu.memref_slice %arg7[%dma_wait3A_396, %dma_wait3A_397] : memref<16x512xf32, #tpu.memory_space<vmem>> -> memref<1x512xf32, #tpu.memory_space<vmem>>
    %dma_wait3A_399 = tpu.memref_squeeze %dma_wait3A_398 : memref<1x512xf32, #tpu.memory_space<vmem>> -> memref<512xf32, #tpu.memory_space<vmem>>
    %dma_wait3A_400 = arith.constant 0 : i32
    %dma_wait3A_401 = tpu.memref_slice %arg6[%dma_wait3A_395, %dma_wait3A_400] : memref<16x512xi32, #tpu.memory_space<vmem>> -> memref<1x512xi32, #tpu.memory_space<vmem>>
    %dma_wait3A_402 = tpu.memref_squeeze %dma_wait3A_401 : memref<1x512xi32, #tpu.memory_space<vmem>> -> memref<512xi32, #tpu.memory_space<vmem>>
    %dma_wait3A_403 = arith.constant 0 : i32
    %dma_wait3A_404 = tpu.memref_slice %arg2[%dma_wait3A_403] : memref<1600032xf32, #tpu.memory_space<hbm>> -> memref<1600032xf32, #tpu.memory_space<hbm>>
    tpu.wait_indirect_dma semaphore(%arg9 : memref<!tpu.dma_semaphore, #tpu.memory_space<semaphore_mem>>) src(%dma_wait3A_404 : memref<1600032xf32, #tpu.memory_space<hbm>>) dst(%dma_wait3A_399 : memref<512xf32, #tpu.memory_space<vmem>>)
    %dma_wait3A_405 = arith.constant 13 : i32
    %dma_wait3A_406 = arith.constant 13 : i32
    %dma_wait3A_407 = arith.constant 0 : i32
    %dma_wait3A_408 = tpu.memref_slice %arg7[%dma_wait3A_406, %dma_wait3A_407] : memref<16x512xf32, #tpu.memory_space<vmem>> -> memref<1x512xf32, #tpu.memory_space<vmem>>
    %dma_wait3A_409 = tpu.memref_squeeze %dma_wait3A_408 : memref<1x512xf32, #tpu.memory_space<vmem>> -> memref<512xf32, #tpu.memory_space<vmem>>
    %dma_wait3A_410 = arith.constant 0 : i32
    %dma_wait3A_411 = tpu.memref_slice %arg6[%dma_wait3A_405, %dma_wait3A_410] : memref<16x512xi32, #tpu.memory_space<vmem>> -> memref<1x512xi32, #tpu.memory_space<vmem>>
    %dma_wait3A_412 = tpu.memref_squeeze %dma_wait3A_411 : memref<1x512xi32, #tpu.memory_space<vmem>> -> memref<512xi32, #tpu.memory_space<vmem>>
    %dma_wait3A_413 = arith.constant 0 : i32
    %dma_wait3A_414 = tpu.memref_slice %arg2[%dma_wait3A_413] : memref<1600032xf32, #tpu.memory_space<hbm>> -> memref<1600032xf32, #tpu.memory_space<hbm>>
    tpu.wait_indirect_dma semaphore(%arg9 : memref<!tpu.dma_semaphore, #tpu.memory_space<semaphore_mem>>) src(%dma_wait3A_414 : memref<1600032xf32, #tpu.memory_space<hbm>>) dst(%dma_wait3A_409 : memref<512xf32, #tpu.memory_space<vmem>>)
    %dma_wait3A_415 = arith.constant 14 : i32
    %dma_wait3A_416 = arith.constant 14 : i32
    %dma_wait3A_417 = arith.constant 0 : i32
    %dma_wait3A_418 = tpu.memref_slice %arg7[%dma_wait3A_416, %dma_wait3A_417] : memref<16x512xf32, #tpu.memory_space<vmem>> -> memref<1x512xf32, #tpu.memory_space<vmem>>
    %dma_wait3A_419 = tpu.memref_squeeze %dma_wait3A_418 : memref<1x512xf32, #tpu.memory_space<vmem>> -> memref<512xf32, #tpu.memory_space<vmem>>
    %dma_wait3A_420 = arith.constant 0 : i32
    %dma_wait3A_421 = tpu.memref_slice %arg6[%dma_wait3A_415, %dma_wait3A_420] : memref<16x512xi32, #tpu.memory_space<vmem>> -> memref<1x512xi32, #tpu.memory_space<vmem>>
    %dma_wait3A_422 = tpu.memref_squeeze %dma_wait3A_421 : memref<1x512xi32, #tpu.memory_space<vmem>> -> memref<512xi32, #tpu.memory_space<vmem>>
    %dma_wait3A_423 = arith.constant 0 : i32
    %dma_wait3A_424 = tpu.memref_slice %arg2[%dma_wait3A_423] : memref<1600032xf32, #tpu.memory_space<hbm>> -> memref<1600032xf32, #tpu.memory_space<hbm>>
    tpu.wait_indirect_dma semaphore(%arg9 : memref<!tpu.dma_semaphore, #tpu.memory_space<semaphore_mem>>) src(%dma_wait3A_424 : memref<1600032xf32, #tpu.memory_space<hbm>>) dst(%dma_wait3A_419 : memref<512xf32, #tpu.memory_space<vmem>>)
    %dma_wait3A_425 = arith.constant 15 : i32
    %dma_wait3A_426 = arith.constant 15 : i32
    %dma_wait3A_427 = arith.constant 0 : i32
    %dma_wait3A_428 = tpu.memref_slice %arg7[%dma_wait3A_426, %dma_wait3A_427] : memref<16x512xf32, #tpu.memory_space<vmem>> -> memref<1x512xf32, #tpu.memory_space<vmem>>
    %dma_wait3A_429 = tpu.memref_squeeze %dma_wait3A_428 : memref<1x512xf32, #tpu.memory_space<vmem>> -> memref<512xf32, #tpu.memory_space<vmem>>
    %dma_wait3A_430 = arith.constant 0 : i32
    %dma_wait3A_431 = tpu.memref_slice %arg6[%dma_wait3A_425, %dma_wait3A_430] : memref<16x512xi32, #tpu.memory_space<vmem>> -> memref<1x512xi32, #tpu.memory_space<vmem>>
    %dma_wait3A_432 = tpu.memref_squeeze %dma_wait3A_431 : memref<1x512xi32, #tpu.memory_space<vmem>> -> memref<512xi32, #tpu.memory_space<vmem>>
    %dma_wait3A_433 = arith.constant 0 : i32
    %dma_wait3A_434 = tpu.memref_slice %arg2[%dma_wait3A_433] : memref<1600032xf32, #tpu.memory_space<hbm>> -> memref<1600032xf32, #tpu.memory_space<hbm>>
    tpu.wait_indirect_dma semaphore(%arg9 : memref<!tpu.dma_semaphore, #tpu.memory_space<semaphore_mem>>) src(%dma_wait3A_434 : memref<1600032xf32, #tpu.memory_space<hbm>>) dst(%dma_wait3A_429 : memref<512xf32, #tpu.memory_space<vmem>>)
    %mul3A_435 = arith.constant 4 : i32
    %mul3A_436 = arith.muli %add3A, %mul3A_435 : i32
    %add3A_437 = arith.constant 0 : i32
    %add3A_438 = arith.addi %mul3A_436, %add3A_437 : i32
    %run_scoped3A_439 = arith.constant 1 : i32
    "tpu.region"() ({
      %run_scoped3A_455 = tpu.sem_alloc : memref<!tpu.dma_semaphore, #tpu.memory_space<semaphore_mem>>
      %dma_start3A_456 = arith.constant 8 : i32
      %dma_start3A_457 = arith.constant 0 : i32
      %dma_start3A_458 = tpu.memref_slice %arg7[%dma_start3A_456, %dma_start3A_457] : memref<16x512xf32, #tpu.memory_space<vmem>> -> memref<8x128xf32, #tpu.memory_space<vmem>>
      %dma_start3A_459 = arith.constant 0 : i32
      %dma_start3A_460 = arith.constant 0 : i32
      %dma_start3A_461 = tpu.memref_slice %arg4[%run_scoped3A_439, %add3A_438, %dma_start3A_459, %dma_start3A_460] : memref<2x128x8x128xf32, #tpu.memory_space<hbm>> -> memref<1x1x8x128xf32, #tpu.memory_space<hbm>>
      %dma_start3A_462 = tpu.memref_squeeze %dma_start3A_461 : memref<1x1x8x128xf32, #tpu.memory_space<hbm>> -> memref<8x128xf32, #tpu.memory_space<hbm>>
      %dma_start3A_463 = arith.constant 0 : i32
      %dma_start3A_464 = arith.constant 0 : i32
      %dma_start3A_465 = tpu.memref_slice %arg4[%run_scoped3A_439, %add3A_438, %dma_start3A_463, %dma_start3A_464] : memref<2x128x8x128xf32, #tpu.memory_space<hbm>> -> memref<1x1x8x128xf32, #tpu.memory_space<hbm>>
      %dma_start3A_466 = tpu.memref_squeeze %dma_start3A_465 : memref<1x1x8x128xf32, #tpu.memory_space<hbm>> -> memref<8x128xf32, #tpu.memory_space<hbm>>
      %dma_start3A_467 = arith.constant 8 : i32
      %dma_start3A_468 = arith.constant 0 : i32
      %dma_start3A_469 = tpu.memref_slice %arg7[%dma_start3A_467, %dma_start3A_468] : memref<16x512xf32, #tpu.memory_space<vmem>> -> memref<8x128xf32, #tpu.memory_space<vmem>>
      tpu.enqueue_dma source(%dma_start3A_469 : memref<8x128xf32, #tpu.memory_space<vmem>>) target(%dma_start3A_466 : memref<8x128xf32, #tpu.memory_space<hbm>>) target_semaphore(%run_scoped3A_455 : memref<!tpu.dma_semaphore, #tpu.memory_space<semaphore_mem>>)
      %dma_wait3A_470 = arith.constant 8 : i32
      %dma_wait3A_471 = arith.constant 0 : i32
      %dma_wait3A_472 = tpu.memref_slice %arg7[%dma_wait3A_470, %dma_wait3A_471] : memref<16x512xf32, #tpu.memory_space<vmem>> -> memref<8x128xf32, #tpu.memory_space<vmem>>
      %dma_wait3A_473 = arith.constant 0 : i32
      %dma_wait3A_474 = arith.constant 0 : i32
      %dma_wait3A_475 = tpu.memref_slice %arg4[%run_scoped3A_439, %add3A_438, %dma_wait3A_473, %dma_wait3A_474] : memref<2x128x8x128xf32, #tpu.memory_space<hbm>> -> memref<1x1x8x128xf32, #tpu.memory_space<hbm>>
      %dma_wait3A_476 = tpu.memref_squeeze %dma_wait3A_475 : memref<1x1x8x128xf32, #tpu.memory_space<hbm>> -> memref<8x128xf32, #tpu.memory_space<hbm>>
      %dma_wait3A_477 = arith.constant 0 : i32
      %dma_wait3A_478 = arith.constant 0 : i32
      %dma_wait3A_479 = tpu.memref_slice %arg4[%run_scoped3A_439, %add3A_438, %dma_wait3A_477, %dma_wait3A_478] : memref<2x128x8x128xf32, #tpu.memory_space<hbm>> -> memref<1x1x8x128xf32, #tpu.memory_space<hbm>>
      %dma_wait3A_480 = tpu.memref_squeeze %dma_wait3A_479 : memref<1x1x8x128xf32, #tpu.memory_space<hbm>> -> memref<8x128xf32, #tpu.memory_space<hbm>>
      %dma_wait3A_481 = arith.constant 8 : i32
      %dma_wait3A_482 = arith.constant 0 : i32
      %dma_wait3A_483 = tpu.memref_slice %arg7[%dma_wait3A_481, %dma_wait3A_482] : memref<16x512xf32, #tpu.memory_space<vmem>> -> memref<8x128xf32, #tpu.memory_space<vmem>>
      tpu.wait_dma2 semaphore(%run_scoped3A_455 : memref<!tpu.dma_semaphore, #tpu.memory_space<semaphore_mem>>) src(%dma_wait3A_483 : memref<8x128xf32, #tpu.memory_space<vmem>>) dst(%dma_wait3A_480 : memref<8x128xf32, #tpu.memory_space<hbm>>)
      tpu.yield
    }) : () -> ()
    %mul3A_440 = arith.constant 4 : i32
    %mul3A_441 = arith.muli %add3A, %mul3A_440 : i32
    %add3A_442 = arith.constant 1 : i32
    %add3A_443 = arith.addi %mul3A_441, %add3A_442 : i32
    %run_scoped3A_444 = arith.constant 1 : i32
    "tpu.region"() ({
      %run_scoped3A_455 = tpu.sem_alloc : memref<!tpu.dma_semaphore, #tpu.memory_space<semaphore_mem>>
      %dma_start3A_456 = arith.constant 8 : i32
      %dma_start3A_457 = arith.constant 128 : i32
      %dma_start3A_458 = tpu.memref_slice %arg7[%dma_start3A_456, %dma_start3A_457] : memref<16x512xf32, #tpu.memory_space<vmem>> -> memref<8x128xf32, #tpu.memory_space<vmem>>
      %dma_start3A_459 = arith.constant 0 : i32
      %dma_start3A_460 = arith.constant 0 : i32
      %dma_start3A_461 = tpu.memref_slice %arg4[%run_scoped3A_444, %add3A_443, %dma_start3A_459, %dma_start3A_460] : memref<2x128x8x128xf32, #tpu.memory_space<hbm>> -> memref<1x1x8x128xf32, #tpu.memory_space<hbm>>
      %dma_start3A_462 = tpu.memref_squeeze %dma_start3A_461 : memref<1x1x8x128xf32, #tpu.memory_space<hbm>> -> memref<8x128xf32, #tpu.memory_space<hbm>>
      %dma_start3A_463 = arith.constant 0 : i32
      %dma_start3A_464 = arith.constant 0 : i32
      %dma_start3A_465 = tpu.memref_slice %arg4[%run_scoped3A_444, %add3A_443, %dma_start3A_463, %dma_start3A_464] : memref<2x128x8x128xf32, #tpu.memory_space<hbm>> -> memref<1x1x8x128xf32, #tpu.memory_space<hbm>>
      %dma_start3A_466 = tpu.memref_squeeze %dma_start3A_465 : memref<1x1x8x128xf32, #tpu.memory_space<hbm>> -> memref<8x128xf32, #tpu.memory_space<hbm>>
      %dma_start3A_467 = arith.constant 8 : i32
      %dma_start3A_468 = arith.constant 128 : i32
      %dma_start3A_469 = tpu.memref_slice %arg7[%dma_start3A_467, %dma_start3A_468] : memref<16x512xf32, #tpu.memory_space<vmem>> -> memref<8x128xf32, #tpu.memory_space<vmem>>
      tpu.enqueue_dma source(%dma_start3A_469 : memref<8x128xf32, #tpu.memory_space<vmem>>) target(%dma_start3A_466 : memref<8x128xf32, #tpu.memory_space<hbm>>) target_semaphore(%run_scoped3A_455 : memref<!tpu.dma_semaphore, #tpu.memory_space<semaphore_mem>>)
      %dma_wait3A_470 = arith.constant 8 : i32
      %dma_wait3A_471 = arith.constant 128 : i32
      %dma_wait3A_472 = tpu.memref_slice %arg7[%dma_wait3A_470, %dma_wait3A_471] : memref<16x512xf32, #tpu.memory_space<vmem>> -> memref<8x128xf32, #tpu.memory_space<vmem>>
      %dma_wait3A_473 = arith.constant 0 : i32
      %dma_wait3A_474 = arith.constant 0 : i32
      %dma_wait3A_475 = tpu.memref_slice %arg4[%run_scoped3A_444, %add3A_443, %dma_wait3A_473, %dma_wait3A_474] : memref<2x128x8x128xf32, #tpu.memory_space<hbm>> -> memref<1x1x8x128xf32, #tpu.memory_space<hbm>>
      %dma_wait3A_476 = tpu.memref_squeeze %dma_wait3A_475 : memref<1x1x8x128xf32, #tpu.memory_space<hbm>> -> memref<8x128xf32, #tpu.memory_space<hbm>>
      %dma_wait3A_477 = arith.constant 0 : i32
      %dma_wait3A_478 = arith.constant 0 : i32
      %dma_wait3A_479 = tpu.memref_slice %arg4[%run_scoped3A_444, %add3A_443, %dma_wait3A_477, %dma_wait3A_478] : memref<2x128x8x128xf32, #tpu.memory_space<hbm>> -> memref<1x1x8x128xf32, #tpu.memory_space<hbm>>
      %dma_wait3A_480 = tpu.memref_squeeze %dma_wait3A_479 : memref<1x1x8x128xf32, #tpu.memory_space<hbm>> -> memref<8x128xf32, #tpu.memory_space<hbm>>
      %dma_wait3A_481 = arith.constant 8 : i32
      %dma_wait3A_482 = arith.constant 128 : i32
      %dma_wait3A_483 = tpu.memref_slice %arg7[%dma_wait3A_481, %dma_wait3A_482] : memref<16x512xf32, #tpu.memory_space<vmem>> -> memref<8x128xf32, #tpu.memory_space<vmem>>
      tpu.wait_dma2 semaphore(%run_scoped3A_455 : memref<!tpu.dma_semaphore, #tpu.memory_space<semaphore_mem>>) src(%dma_wait3A_483 : memref<8x128xf32, #tpu.memory_space<vmem>>) dst(%dma_wait3A_480 : memref<8x128xf32, #tpu.memory_space<hbm>>)
      tpu.yield
    }) : () -> ()
    %mul3A_445 = arith.constant 4 : i32
    %mul3A_446 = arith.muli %add3A, %mul3A_445 : i32
    %add3A_447 = arith.constant 2 : i32
    %add3A_448 = arith.addi %mul3A_446, %add3A_447 : i32
    %run_scoped3A_449 = arith.constant 1 : i32
    "tpu.region"() ({
      %run_scoped3A_455 = tpu.sem_alloc : memref<!tpu.dma_semaphore, #tpu.memory_space<semaphore_mem>>
      %dma_start3A_456 = arith.constant 8 : i32
      %dma_start3A_457 = arith.constant 256 : i32
      %dma_start3A_458 = tpu.memref_slice %arg7[%dma_start3A_456, %dma_start3A_457] : memref<16x512xf32, #tpu.memory_space<vmem>> -> memref<8x128xf32, #tpu.memory_space<vmem>>
      %dma_start3A_459 = arith.constant 0 : i32
      %dma_start3A_460 = arith.constant 0 : i32
      %dma_start3A_461 = tpu.memref_slice %arg4[%run_scoped3A_449, %add3A_448, %dma_start3A_459, %dma_start3A_460] : memref<2x128x8x128xf32, #tpu.memory_space<hbm>> -> memref<1x1x8x128xf32, #tpu.memory_space<hbm>>
      %dma_start3A_462 = tpu.memref_squeeze %dma_start3A_461 : memref<1x1x8x128xf32, #tpu.memory_space<hbm>> -> memref<8x128xf32, #tpu.memory_space<hbm>>
      %dma_start3A_463 = arith.constant 0 : i32
      %dma_start3A_464 = arith.constant 0 : i32
      %dma_start3A_465 = tpu.memref_slice %arg4[%run_scoped3A_449, %add3A_448, %dma_start3A_463, %dma_start3A_464] : memref<2x128x8x128xf32, #tpu.memory_space<hbm>> -> memref<1x1x8x128xf32, #tpu.memory_space<hbm>>
      %dma_start3A_466 = tpu.memref_squeeze %dma_start3A_465 : memref<1x1x8x128xf32, #tpu.memory_space<hbm>> -> memref<8x128xf32, #tpu.memory_space<hbm>>
      %dma_start3A_467 = arith.constant 8 : i32
      %dma_start3A_468 = arith.constant 256 : i32
      %dma_start3A_469 = tpu.memref_slice %arg7[%dma_start3A_467, %dma_start3A_468] : memref<16x512xf32, #tpu.memory_space<vmem>> -> memref<8x128xf32, #tpu.memory_space<vmem>>
      tpu.enqueue_dma source(%dma_start3A_469 : memref<8x128xf32, #tpu.memory_space<vmem>>) target(%dma_start3A_466 : memref<8x128xf32, #tpu.memory_space<hbm>>) target_semaphore(%run_scoped3A_455 : memref<!tpu.dma_semaphore, #tpu.memory_space<semaphore_mem>>)
      %dma_wait3A_470 = arith.constant 8 : i32
      %dma_wait3A_471 = arith.constant 256 : i32
      %dma_wait3A_472 = tpu.memref_slice %arg7[%dma_wait3A_470, %dma_wait3A_471] : memref<16x512xf32, #tpu.memory_space<vmem>> -> memref<8x128xf32, #tpu.memory_space<vmem>>
      %dma_wait3A_473 = arith.constant 0 : i32
      %dma_wait3A_474 = arith.constant 0 : i32
      %dma_wait3A_475 = tpu.memref_slice %arg4[%run_scoped3A_449, %add3A_448, %dma_wait3A_473, %dma_wait3A_474] : memref<2x128x8x128xf32, #tpu.memory_space<hbm>> -> memref<1x1x8x128xf32, #tpu.memory_space<hbm>>
      %dma_wait3A_476 = tpu.memref_squeeze %dma_wait3A_475 : memref<1x1x8x128xf32, #tpu.memory_space<hbm>> -> memref<8x128xf32, #tpu.memory_space<hbm>>
      %dma_wait3A_477 = arith.constant 0 : i32
      %dma_wait3A_478 = arith.constant 0 : i32
      %dma_wait3A_479 = tpu.memref_slice %arg4[%run_scoped3A_449, %add3A_448, %dma_wait3A_477, %dma_wait3A_478] : memref<2x128x8x128xf32, #tpu.memory_space<hbm>> -> memref<1x1x8x128xf32, #tpu.memory_space<hbm>>
      %dma_wait3A_480 = tpu.memref_squeeze %dma_wait3A_479 : memref<1x1x8x128xf32, #tpu.memory_space<hbm>> -> memref<8x128xf32, #tpu.memory_space<hbm>>
      %dma_wait3A_481 = arith.constant 8 : i32
      %dma_wait3A_482 = arith.constant 256 : i32
      %dma_wait3A_483 = tpu.memref_slice %arg7[%dma_wait3A_481, %dma_wait3A_482] : memref<16x512xf32, #tpu.memory_space<vmem>> -> memref<8x128xf32, #tpu.memory_space<vmem>>
      tpu.wait_dma2 semaphore(%run_scoped3A_455 : memref<!tpu.dma_semaphore, #tpu.memory_space<semaphore_mem>>) src(%dma_wait3A_483 : memref<8x128xf32, #tpu.memory_space<vmem>>) dst(%dma_wait3A_480 : memref<8x128xf32, #tpu.memory_space<hbm>>)
      tpu.yield
    }) : () -> ()
    %mul3A_450 = arith.constant 4 : i32
    %mul3A_451 = arith.muli %add3A, %mul3A_450 : i32
    %add3A_452 = arith.constant 3 : i32
    %add3A_453 = arith.addi %mul3A_451, %add3A_452 : i32
    %run_scoped3A_454 = arith.constant 1 : i32
    "tpu.region"() ({
      %run_scoped3A_455 = tpu.sem_alloc : memref<!tpu.dma_semaphore, #tpu.memory_space<semaphore_mem>>
      %dma_start3A_456 = arith.constant 8 : i32
      %dma_start3A_457 = arith.constant 384 : i32
      %dma_start3A_458 = tpu.memref_slice %arg7[%dma_start3A_456, %dma_start3A_457] : memref<16x512xf32, #tpu.memory_space<vmem>> -> memref<8x128xf32, #tpu.memory_space<vmem>>
      %dma_start3A_459 = arith.constant 0 : i32
      %dma_start3A_460 = arith.constant 0 : i32
      %dma_start3A_461 = tpu.memref_slice %arg4[%run_scoped3A_454, %add3A_453, %dma_start3A_459, %dma_start3A_460] : memref<2x128x8x128xf32, #tpu.memory_space<hbm>> -> memref<1x1x8x128xf32, #tpu.memory_space<hbm>>
      %dma_start3A_462 = tpu.memref_squeeze %dma_start3A_461 : memref<1x1x8x128xf32, #tpu.memory_space<hbm>> -> memref<8x128xf32, #tpu.memory_space<hbm>>
      %dma_start3A_463 = arith.constant 0 : i32
      %dma_start3A_464 = arith.constant 0 : i32
      %dma_start3A_465 = tpu.memref_slice %arg4[%run_scoped3A_454, %add3A_453, %dma_start3A_463, %dma_start3A_464] : memref<2x128x8x128xf32, #tpu.memory_space<hbm>> -> memref<1x1x8x128xf32, #tpu.memory_space<hbm>>
      %dma_start3A_466 = tpu.memref_squeeze %dma_start3A_465 : memref<1x1x8x128xf32, #tpu.memory_space<hbm>> -> memref<8x128xf32, #tpu.memory_space<hbm>>
      %dma_start3A_467 = arith.constant 8 : i32
      %dma_start3A_468 = arith.constant 384 : i32
      %dma_start3A_469 = tpu.memref_slice %arg7[%dma_start3A_467, %dma_start3A_468] : memref<16x512xf32, #tpu.memory_space<vmem>> -> memref<8x128xf32, #tpu.memory_space<vmem>>
      tpu.enqueue_dma source(%dma_start3A_469 : memref<8x128xf32, #tpu.memory_space<vmem>>) target(%dma_start3A_466 : memref<8x128xf32, #tpu.memory_space<hbm>>) target_semaphore(%run_scoped3A_455 : memref<!tpu.dma_semaphore, #tpu.memory_space<semaphore_mem>>)
      %dma_wait3A_470 = arith.constant 8 : i32
      %dma_wait3A_471 = arith.constant 384 : i32
      %dma_wait3A_472 = tpu.memref_slice %arg7[%dma_wait3A_470, %dma_wait3A_471] : memref<16x512xf32, #tpu.memory_space<vmem>> -> memref<8x128xf32, #tpu.memory_space<vmem>>
      %dma_wait3A_473 = arith.constant 0 : i32
      %dma_wait3A_474 = arith.constant 0 : i32
      %dma_wait3A_475 = tpu.memref_slice %arg4[%run_scoped3A_454, %add3A_453, %dma_wait3A_473, %dma_wait3A_474] : memref<2x128x8x128xf32, #tpu.memory_space<hbm>> -> memref<1x1x8x128xf32, #tpu.memory_space<hbm>>
      %dma_wait3A_476 = tpu.memref_squeeze %dma_wait3A_475 : memref<1x1x8x128xf32, #tpu.memory_space<hbm>> -> memref<8x128xf32, #tpu.memory_space<hbm>>
      %dma_wait3A_477 = arith.constant 0 : i32
      %dma_wait3A_478 = arith.constant 0 : i32
      %dma_wait3A_479 = tpu.memref_slice %arg4[%run_scoped3A_454, %add3A_453, %dma_wait3A_477, %dma_wait3A_478] : memref<2x128x8x128xf32, #tpu.memory_space<hbm>> -> memref<1x1x8x128xf32, #tpu.memory_space<hbm>>
      %dma_wait3A_480 = tpu.memref_squeeze %dma_wait3A_479 : memref<1x1x8x128xf32, #tpu.memory_space<hbm>> -> memref<8x128xf32, #tpu.memory_space<hbm>>
      %dma_wait3A_481 = arith.constant 8 : i32
      %dma_wait3A_482 = arith.constant 384 : i32
      %dma_wait3A_483 = tpu.memref_slice %arg7[%dma_wait3A_481, %dma_wait3A_482] : memref<16x512xf32, #tpu.memory_space<vmem>> -> memref<8x128xf32, #tpu.memory_space<vmem>>
      tpu.wait_dma2 semaphore(%run_scoped3A_455 : memref<!tpu.dma_semaphore, #tpu.memory_space<semaphore_mem>>) src(%dma_wait3A_483 : memref<8x128xf32, #tpu.memory_space<vmem>>) dst(%dma_wait3A_480 : memref<8x128xf32, #tpu.memory_space<hbm>>)
      tpu.yield
    }) : () -> ()
    return
  }
}

</mosaic_0001>

<sc_bundles>
// kernel: kernel.3.cloned.1.call-start
scs
__scs_entry_jumppad:
0x0: {  	(pc) =	sbr.rel $0x88, $3  }
0x1: {  	(tag) =	ssettag $0x0;
	lr =	simm.s32 $0x1  }
0x2: {  	[smem:$0x3F9F] =	sst lr;
	_ =	strace $0xD0000000  }
0x3: {  	_ = 	snop  }
0x4: {  	_ = 	snop  }
0x5: {  	_ = 	snop  }
0x6: {  	_ = 	snop  }
0x7: {  	_ = 	snop  }
__scs_overlays_trampoline_lowered:
0x8: {  	[smem:$0x3FAE] =	sst s0  }
0x9: {  	[smem:$0x3FAF] =	sst s1  }
0xa: {  	[smem:$0x3FB0] =	sst s2  }
0xb: {  	[smem:$0x3FB1] =	sst s3  }
0xc: {  	[smem:$0x3FB2] =	sst s4  }
0xd: {  	[smem:$0x3FB3] =	sst s5  }
0xe: {  	[smem:$0x3FB4] =	sst s6  }
0xf: {  	[smem:$0x3FB5] =	sst s7  }
0x10: {  	[smem:$0x3FB6] =	sst s8  }
0x11: {  	[smem:$0x3FB7] =	sst s9;
	s0 =	simm.s32 @!p0 $0x0  }
0x12: {  	s1 =	sld [smem:$0x3F9D];
	s0 =	simm.s32 @p0 $0x1  }
0x13: {  	[smem:$0x3FB8] =	sst s0;
	s0 =	simm.s32 @!p1 $0x0  }
0x14: {  	s2 =	sld [smem:$0x3F9C];
	s0 =	simm.s32 @p1 $0x1  }
0x15: {  	[smem:$0x3FB9] =	sst s0;
	s0 =	simm.s32 @!p2 $0x0  }
0x16: {  	s3 =	sld [smem:$0x3FDB];
	s0 =	simm.s32 @p2 $0x1  }
0x17: {  	s4 =	simm.s32 $0x1BF5;
	[smem:$0x3FBB] =	sst s0  }
0x18: {  	s0 =	sld [smem:$0x3F9E];
	_ =	swait.ge [sflag:s4], $0x0  }
0x19: {  	s7 =	sld [smem:$0x3F9F]  }
0x1a: {  	s8 =	sadd.s32 $0xFFFFE003, lr  }
0x1b: {  	s9 =	sadd.s32 $0xFFFFFEF7, lr;
	s5 =	simm.s32 $0xFFFFFFFF;
	p2 =	slt.u32 s8, $0xFFFFF086  }
0x1c: {  	p1 =	slt.u32 s9, $0xF7A;
	s5 =	simm.s32 @!p2 $0x0  }
0x1d: {  	s5 =	simm.s32 @p1 $0x1;
	p0 =	seq.s32 s7, s2  }
0x1e: {  	s7 =	smul.u32 @!p0 $0xF7A, s2;
	p2 =	seq.s32 @!p0 s5, $0x0  }
0x1f: {  	s9 =	smul.u32 $0xF7A, s1;
	s8 =	simm.s32 @!p0 $0x1BF5;
	p2 =	por !p2, p0  }
0x20: {  	[sflag:s8] =	ssyncset.s32 @!p0 $0xFFFFF086;
	s6 =	sadd.s32 @!p0 s3, s7;
	s7 =	simm.s32 @!p0 $0x108  }
0x21: {  	s3 =	sadd.s32 s3, s9;
	s6 =	sadd.s32 @!p0 $0x88, s6;
	s7 =	simm.s32 @p2 $0x1082  }
0x22: {  	[simem:s7], [sflag:s8] =	dma.local @!p0 [hbm:s6], $0xF7A  }
0x23: {  	s9 =	sor.u32 $0xD0000000, s2;
	s6 =	simm.s32 $0x108;
	_ =	swait.ge @!p0 [sflag:s8], $0x0  }
0x24: {  	s3 =	sadd.s32 $0x88, s3;
	s6 =	simm.s32 @!p1 $0x1082;
	[sflag:s4] =	ssyncset.s32 $0xFFFFF086  }
0x25: {  	[simem:s6], [sflag:s4] =	dma.local [hbm:s3], $0xF7A  }
0x26: {  	[smem:$0x3F9F] =	sst s1;
	(tag) =	ssettag s2;
	_ =	strace s9  }
0x27: {  	s1 =	sld [smem:$0x3FAF]  }
0x28: {  	s2 =	sld [smem:$0x3FB0]  }
0x29: {  	s4 =	sld [smem:$0x3FB2]  }
0x2a: {  	p0 =	seq.s32 s5, $0x0;
	s5 =	sld [smem:$0x3FB3]  }
0x2b: {  	s6 =	sld [smem:$0x3FB4]  }
0x2c: {  	s7 =	sld [smem:$0x3FB5]  }
0x2d: {  	s3 =	simm.s32 $0x108;
	s8 =	sld [smem:$0x3FB6]  }
0x2e: {  	s3 =	simm.s32 @!p0 $0x1082;
	s9 =	sld [smem:$0x3FB7]  }
0x2f: {  	lr =	sadd.s32 s0, s3;
	s0 =	sld [smem:$0x3FAE]  }
0x30: {  	s3 =	sld [smem:$0x3FB1]  }
0x31: {  	[smem:$0x3FBA] =	sst s10  }
0x32: {  	s10 =	sld [smem:$0x3FB8];
	_ =	sdelay $0x3  }
0x33: {  	p0 =	seq.s32 s10, $0x1;
	s10 =	sld [smem:$0x3FBA];
	_ =	sdelay $0x3  }
0x34: {  	[smem:$0x3FBA] =	sst s10  }
0x35: {  	s10 =	sld [smem:$0x3FB9];
	_ =	sdelay $0x3  }
0x36: {  	p1 =	seq.s32 s10, $0x1;
	s10 =	sld [smem:$0x3FBA];
	_ =	sdelay $0x3  }
0x37: {  	[smem:$0x3FBA] =	sst s10  }
0x38: {  	s10 =	sld [smem:$0x3FBB]  }
0x39: {  	_ = 	snop;
	(pc) =	sbr.ind lr, $3  }
0x3a: {  	_ = 	snop  }
0x3b: {  	_ = 	snop  }
0x3c: {  	p2 =	seq.s32 s10, $0x1;
	s10 =	sld [smem:$0x3FBA]  }
0x3d: {  	_ =	shalt  }
0x3e: {  	_ =	shalt  }
0x3f: {  	_ =	shalt  }
0x40: {  	_ =	shalt  }
0x41: {  	_ =	shalt  }
0x42: {  	_ =	shalt  }
0x43: {  	_ =	shalt  }
0x44: {  	_ =	shalt  }
0x45: {  	_ =	shalt  }
0x46: {  	_ =	shalt  }
0x47: {  	_ =	shalt  }
0x48: {  	_ =	shalt  }
0x49: {  	_ =	shalt  }
0x4a: {  	_ =	shalt  }
0x4b: {  	_ =	shalt  }
0x4c: {  	_ =	shalt  }
0x4d: {  	_ =	shalt  }
0x4e: {  	_ =	shalt  }
0x4f: {  	_ =	shalt  }
0x50: {  	_ =	shalt  }
0x51: {  	_ =	shalt  }
0x52: {  	_ =	shalt  }
0x53: {  	_ =	shalt  }
0x54: {  	_ =	shalt  }
0x55: {  	_ =	shalt  }
0x56: {  	_ =	shalt  }
0x57: {  	_ =	shalt  }
0x58: {  	_ =	shalt  }
0x59: {  	_ =	shalt  }
0x5a: {  	_ =	shalt  }
0x5b: {  	_ =	shalt  }
0x5c: {  	_ =	shalt  }
0x5d: {  	_ =	shalt  }
0x5e: {  	_ =	shalt  }
0x5f: {  	_ =	shalt  }
0x60: {  	_ =	shalt  }
0x61: {  	_ =	shalt  }
0x62: {  	_ =	shalt  }
0x63: {  	_ =	shalt  }
0x64: {  	_ =	shalt  }
0x65: {  	_ =	shalt  }
0x66: {  	_ =	shalt  }
0x67: {  	_ =	shalt  }
0x68: {  	_ =	shalt  }
0x69: {  	_ =	shalt  }
0x6a: {  	_ =	shalt  }
0x6b: {  	_ =	shalt  }
0x6c: {  	_ =	shalt  }
0x6d: {  	_ =	shalt  }
0x6e: {  	_ =	shalt  }
0x6f: {  	_ =	shalt  }
0x70: {  	_ =	shalt  }
0x71: {  	_ =	shalt  }
0x72: {  	_ =	shalt  }
0x73: {  	_ =	shalt  }
0x74: {  	_ =	shalt  }
0x75: {  	_ =	shalt  }
0x76: {  	_ =	shalt  }
0x77: {  	_ =	shalt  }
0x78: {  	_ =	shalt  }
0x79: {  	_ =	shalt  }
0x7a: {  	_ =	shalt  }
0x7b: {  	_ =	shalt  }
0x7c: {  	_ =	shalt  }
0x7d: {  	_ =	shalt  }
0x7e: {  	_ =	shalt  }
0x7f: {  	_ =	shalt  }
0x80: {  	_ =	shalt  }
0x81: {  	_ =	shalt  }
0x82: {  	_ =	shalt  }
0x83: {  	_ =	shalt  }
0x84: {  	_ =	shalt  }
0x85: {  	_ =	shalt  }
0x86: {  	_ =	shalt  }
0x87: {  	_ =	shalt  }
.Lfunc_end0:
.L_simem_size_0:
called_computation_lowered:
.L_overlay_start_0:
0x88: {  	s2 =	sld [smem:$0x3FD9]  }
0x89: {  	s3 =	sld [smem:$0x3FFE];
	_ =	sdelay $0x1  }
0x8a: {  	s1 =	srdreg.scid  }
0x8b: {  	s0 =	sand.u32 $0x1, s1  }
0x8c: {  	s17 =	sshll.u32 s0, $0xA;
	s2 =	sadd.s32 s3, s2  }
0x8d: {  	s2 =	sadd.s32 s2, s17  }
0x8e: {  	[smem:$0x3FC6] =	sst s2  }
0x8f: {  	_ = 	snop  }
0x90: {  	s2 =	sld [smem:$0x3FC9]  }
0x91: {  	s18 =	sld [smem:$0x3FD0];
	(tm) =	ssettm $0x1  }
0x92: {  	s4 =	sld [smem:$0x3FFB];
	_ =	sdelay $0x3  }
0x93: {  	_ =	strace s4  }
0x94: {  	s4 =	sld [smem:$0x3FFC];
	_ =	sdelay $0x3  }
0x95: {  	_ =	strace s4  }
0x96: {  	s4 =	sld [smem:$0x3FFD];
	_ =	sdelay $0x3  }
0x97: {  	_ =	strace s4  }
0x98: {  	_ =	strace $0x8FFFFFFF  }
0x99: {  	s19 =	sld [smem:$0x3FDB];
	_ =	sdelay $0x1  }
0x9a: {  	s5 =	simm.s32 $_scs_section_size  }
0x9b: {  	s6 =	simm.s32 $_size__tile_overlayer_lowered;
	s7 =	simm.s32 $_tile_overlayer_lowered  }
0x9c: {  	s22 =	simm.s32 $0x1BFF;
	s21 =	sshll.u32 s7, $0x1;
	s4 =	sadd.s32 s5, s19  }
0x9d: {  	s8 =	simm.s32 $0x0;
	s20 =	sshll.u32 s6, $0x1;
	s6 =	sadd.s32 s21, s4  }
0x9e: {  	[timem:s8], [sflag:s22] =	dma.local [hbm:s6], s20  }
0x9f: {  	_ =	swait.ge [sflag:s22], s20  }
0xa0: {  	s5 =	ssub.s32 $0x0, s20;
	[sflag:s22] =	ssyncset.done $0x0  }
0xa1: {  	[sflag:s22] =	ssyncadd.s32 s5;
	_ =	sdelay $0x1  }
0xa2: {  	s23 =	simm.s32 $0x1B8B  }
0xa3: {  	_ =	swait.ge [sflag:s23], $0x1  }
0xa4: {  	[sflag:s23] =	ssyncset.done $0x0  }
0xa5: {  	s25 =	simm.s32 $0x1B8E;
	s24 =	sld [smem:$0x3FFE];
	[sflag:s23] =	ssyncadd.s32 $0xFFFFFFFF  }
0xa6: {  	s26 =	simm.s32 $execute0_lowered;
	[smem:$0x3FD2] =	sst s25  }
0xa7: {  	s6 =	sshll.u32 s26, $0x1;
	_ =	strace $0x80000046;
	[dreg:$0x1] =	wrdreg $0xFFFFFFFF  }
0xa8: {  	s28 =	simm.s32 $_size_execute0_lowered;
	s4 =	sadd.s32 s4, s6;
	[dreg:$0x0] =	wrdreg $0x0  }
0xa9: {  	s6 =	sshll.u32 s28, $0x1;
	[dreg:$0x2] =	wrdreg s4  }
0xaa: {  	[dreg:$0x3] =	wrdreg s6  }
0xab: {  	[dreg:$0x4] =	wrdreg $0xC0  }
0xac: {  	_ =	task [dreg:s8], $0x5FFFF  }
0xad: {  	[dreg:$0x1] =	wrdreg $0xFFFFFFFF  }
0xae: {  	[dreg:$0x0] =	wrdreg $0x60  }
0xaf: {  	[dreg:$0x2] =	wrdreg s24  }
0xb0: {  	[dreg:$0x3] =	wrdreg s2  }
0xb1: {  	[dreg:$0x4] =	wrdreg s18  }
0xb2: {  	[dreg:$0x5] =	wrdreg $0x9  }
0xb3: {  	_ =	task.clear_ibuf [dreg:s8], $0x6FFFF;
	_ =	strace $0x90000046  }
0xb4: {  	s29 =	simm.s32 $0x9;
	_ =	strace $0x80000048  }
0xb5: {  	_ =	swait.ge [sflag:s29], $0x1  }
0xb6: {  	[sflag:s29] =	ssyncadd.s32 $0xFFFFFFFF  }
0xb7: {  	_ =	strace $0x90000048  }
0xb8: {  	_ =	sfence  }
0xb9: {  	s30 =	sld [smem:$0x0];
	_ =	sdelay $0x2  }
0xba: {  	s31 =	sshll.u32 s1, $0xD;
	s1 =	sshrl.u32 s1, $0x2  }
0xbb: {  	s3 =	sand.u32 $0x4000, s31;
	s1 =	sadd.s32 s1, s30  }
0xbc: {  	s0 =	sor.u32 s3, s0;
	s1 =	sshll.u32 s1, $0x11  }
0xbd: {  	s0 =	sor.u32 s1, s0  }
0xbe: {  	s0 =	sadd.s32 $0x8F2B, s0  }
0xbf: {  	[sflag:s0] =	ssyncadd.remote.s32 $0x1  }
0xc0: {  	_ =	sfence.sel $0xFFFF  }
0xc1: {  	[dreg:$0x0] =	wrdreg $0xFFFFFFFF;
	(pc) =	sbr.abs _section_cstart, $3  }
0xc2: {  	[dreg:$0x1] =	wrdreg $0xFFFFFFFF  }
0xc3: {  	_ =	task.clear_ibuf [dreg:s8], $0x2FFFF;
	_ =	strace $0x9FFFFFFF  }
0xc4: {  	(tm) =	ssettm $0x7FFFFFFF  }
0xc5: {  	_ =	shalt  }
tec
execute0_lowered:
.L_overlay_start_1:
0x0: {  	(tag) =	ssettag $0x1  }
0x1: {  	s3 =	rddreg [dreg:$0x0]  }
0x2: {  	s5 =	rddreg [dreg:$0x1];
	s2 =	stileid.u32  }
0x3: {  	s0 =	rddreg [dreg:$0x2];
	s17 =	sshll.u32 s2, $0x1;
	s2 =	simm.s32 $0x0  }
0x4: {  	s18 =	simm.s32 $0x400;
	[smem:$0x7FF] =	sst s2  }
0x5: {  	s19 =	simm.s32 $0x600;
	_ =	strace $0x80000047;
	[dreg:$0x5] =	wrdreg s18  }
0x6: {  	s20 =	simm.s32 $0x800;
	[dreg:$0x6] =	wrdreg s19  }
0x7: {  	s21 =	simm.s32 $0xA00;
	[dreg:$0x7] =	wrdreg s20  }
0x8: {  	s22 =	simm.s32 $0xC00;
	[dreg:$0x8] =	wrdreg s21  }
0x9: {  	s23 =	simm.s32 $0xE00;
	[dreg:$0x9] =	wrdreg s22  }
0xa: {  	s24 =	simm.s32 $0x1000;
	[dreg:$0xa] =	wrdreg s23  }
0xb: {  	s25 =	simm.s32 $0x1200;
	[dreg:$0xb] =	wrdreg s24  }
0xc: {  	s26 =	simm.s32 $0x1400;
	[dreg:$0xc] =	wrdreg s25  }
0xd: {  	s7 =	simm.s32 $0x1800;
	[dreg:$0xd] =	wrdreg s26  }
0xe: {  	s8 =	simm.s32 $0x1A00;
	[dreg:$0xf] =	wrdreg s7  }
0xf: {  	s9 =	simm.s32 $0x1C00;
	[dreg:$0x10] =	wrdreg s8  }
0x10: {  	s10 =	simm.s32 $0x1E00;
	[dreg:$0x11] =	wrdreg s9  }
0x11: {  	s11 =	simm.s32 $0x2000;
	[dreg:$0x12] =	wrdreg s10  }
0x12: {  	s12 =	simm.s32 $0x2280;
	[dreg:$0x13] =	wrdreg s11  }
0x13: {  	s13 =	simm.s32 $0x2480;
	[dreg:$0x14] =	wrdreg s12  }
0x14: {  	s14 =	simm.s32 $0x2680;
	[dreg:$0x15] =	wrdreg s13  }
0x15: {  	s1 =	srdreg.scid;
	s15 =	simm.s32 $0x2880;
	[dreg:$0x16] =	wrdreg s14  }
0x16: {  	s16 =	simm.s32 $0x2A80;
	s4 =	sand.u32 $0x1, s1;
	[dreg:$0x17] =	wrdreg s15  }
0x17: {  	s1 =	sor.u32 s4, s17;
	s17 =	simm.s32 $0x2C80;
	[dreg:$0x18] =	wrdreg s16  }
0x18: {  	[dreg:$0x19] =	wrdreg s17;
	s18 =	simm.s32 $0x2E80  }
0x19: {  	s19 =	simm.s32 $0x3080;
	[dreg:$0x1a] =	wrdreg s18  }
0x1a: {  	s20 =	simm.s32 $0x2300;
	[dreg:$0x1b] =	wrdreg s19  }
0x1b: {  	s21 =	simm.s32 $0x2500;
	[dreg:$0x1c] =	wrdreg s20  }
0x1c: {  	s22 =	simm.s32 $0x2700;
	[dreg:$0x1d] =	wrdreg s21  }
0x1d: {  	s23 =	simm.s32 $0x2900;
	[dreg:$0x1e] =	wrdreg s22  }
0x1e: {  	s24 =	simm.s32 $0x2B00;
	[dreg:$0x1f] =	wrdreg s23  }
0x1f: {  	s25 =	simm.s32 $0x2D00;
	[smem:$0x7DA] =	sst s24  }
0x20: {  	s26 =	simm.s32 $0x2F00;
	[smem:$0x7DB] =	sst s25  }
0x21: {  	s7 =	simm.s32 $0x2380;
	[smem:$0x7DC] =	sst s26  }
0x22: {  	s8 =	simm.s32 $0x2580;
	[smem:$0x7DE] =	sst s7  }
0x23: {  	s9 =	simm.s32 $0x2780;
	[smem:$0x7DF] =	sst s8  }
0x24: {  	s10 =	simm.s32 $0x2980;
	[smem:$0x7E0] =	sst s9  }
0x25: {  	s11 =	simm.s32 $0x2B80;
	[smem:$0x7E1] =	sst s10  }
0x26: {  	s12 =	simm.s32 $0x2D80;
	[smem:$0x7E2] =	sst s11  }
0x27: {  	s13 =	simm.s32 $0x2F80;
	[smem:$0x7E3] =	sst s12  }
0x28: {  	s14 =	simm.s32 $0x3180;
	[smem:$0x7E4] =	sst s13  }
0x29: {  	s16 =	simm.s32 $0x3280;
	[smem:$0x7E5] =	sst s14  }
0x2a: {  	s6 =	sshll.u32 s1, $0x6;
	s17 =	simm.s32 $0x3480;
	[smem:$0x7E6] =	sst s16  }
0x2b: {  	s5 =	sadd.s32 s5, s6;
	[smem:$0x7E7] =	sst s17  }
0x2c: {  	s6 =	simm.s32 $0x1600;
	[dreg:$0x4] =	wrdreg s5  }
0x2d: {  	s18 =	simm.s32 $0x3680;
	[dreg:$0xe] =	wrdreg s6  }
0x2e: {  	s28 =	simm.s32 $0x3800;
	s19 =	simm.s32 $0x3880;
	[smem:$0x7E8] =	sst s18  }
0x2f: {  	s29 =	simm.s32 $0x3A00;
	s20 =	simm.s32 $0x3A80;
	[smem:$0x7E9] =	sst s19  }
0x30: {  	s30 =	simm.s32 $0x3C00;
	s21 =	simm.s32 $0x3C80;
	[smem:$0x7EA] =	sst s20  }
0x31: {  	s31 =	simm.s32 $0x3E00;
	s22 =	simm.s32 $0x3E80;
	[smem:$0x7EB] =	sst s21  }
0x32: {  	s4 =	ssub.s32 $0x2, s4;
	s23 =	simm.s32 $0x4080;
	[smem:$0x7EC] =	sst s22  }
0x33: {  	s15 =	sshrl.u32 s4, $0x1;
	s24 =	simm.s32 $0x3300;
	[smem:$0x7ED] =	sst s23  }
0x34: {  	s1 =	sshll.u32 s1, $0x9;
	s25 =	simm.s32 $0x3500;
	[smem:$0x7EE] =	sst s24  }
0x35: {  	s12 =	ssub.s32 s4, s15;
	s26 =	simm.s32 $0x3700;
	[smem:$0x7EF] =	sst s25  }
0x36: {  	s4 =	sadd.s32 s0, s1;
	s1 =	simm.s32 $0x3900;
	[smem:$0x7F0] =	sst s26  }
0x37: {  	s3 =	sadd.s32 $0x400, s3;
	s15 =	simm.s32 $0x3D00;
	[smem:$0x7F1] =	sst s1  }
0x38: {  	s13 =	simm.s32 $0x3;
	s16 =	simm.s32 $0x3F00;
	[smem:$0x7F3] =	sst s15  }
0x39: {  	s14 =	simm.s32 $0x200;
	s17 =	simm.s32 $0x4100;
	[smem:$0x7F4] =	sst s16  }
0x3a: {  	s0 =	simm.s32 $0x2;
	s6 =	simm.s32 $0x3100;
	[smem:$0x7F5] =	sst s17  }
0x3b: {  	s18 =	smax.u32 s12, $0x1;
	s12 =	simm.s32 $0x3B00;
	[smem:$0x7DD] =	sst s6  }
0x3c: {  	s5 =	sadd.s32 $0x80, s4;
	s19 =	simm.s32 $0x3380;
	[smem:$0x7F2] =	sst s12  }
0x3d: {  	s7 =	sadd.s32 $0x180, s4;
	s20 =	simm.s32 $0x3580;
	[smem:$0x7F6] =	sst s19  }
0x3e: {  	s8 =	sadd.s32 $0x4000, s4;
	s21 =	simm.s32 $0x3780;
	[smem:$0x7F7] =	sst s20  }
0x3f: {  	s9 =	sadd.s32 $0x4080, s4;
	s22 =	simm.s32 $0x3980;
	[smem:$0x7F8] =	sst s21  }
0x40: {  	s10 =	sadd.s32 $0x4100, s4;
	s23 =	simm.s32 $0x3B80;
	[smem:$0x7F9] =	sst s22  }
0x41: {  	s11 =	sadd.s32 $0x4180, s4;
	s24 =	simm.s32 $0x3D80;
	[smem:$0x7FA] =	sst s23  }
0x42: {  	s25 =	simm.s32 $0x3F80;
	s26 =	simm.s32 $0x4180;
	[smem:$0x7FB] =	sst s24  }
0x43: {  	s1 =	simm.s32 $0x1;
	s6 =	sadd.s32 $0x100, s4;
	[smem:$0x7FC] =	sst s25  }
0x44: {  	[smem:$0x7FD] =	sst s26;
	s19 =	simm.s32 $0x2800;
	s20 =	simm.s32 $0x2A00  }
0x45: {  	s21 =	simm.s32 $0x2C00;
	s22 =	simm.s32 $0x2E00;
	s23 =	simm.s32 $0x3000  }
0x46: {  	s24 =	simm.s32 $0x3200;
	s25 =	simm.s32 $0x3400;
	s26 =	simm.s32 $0x3600  }
.LBB2_1:
0x47: {  	s15 =	rddreg [dreg:$0x4]  }
0x48: {  	[tilespmem:s2], [sflag:$0x3] =	stream.linear.gather [hbm4b:s15+s2], $0x200, $0x38;
	[tilespmem:$0x4200] =	vst v63  }
0x49: {  	_ =	swait.ge [sflag:s13], $0x200  }
0x4a: {  	[sflag:s13] =	ssyncset.done $0x0  }
0x4b: {  	[sflag:s13] =	ssyncadd.s32 $0xFFFFFE00  }
0x4c: {  	v0 =	vld [tilespmem:$0x0]  }
0x4d: {  	v1 =	vld [tilespmem:$0x10]  }
0x4e: {  	v2 =	vld [tilespmem:$0x20]  }
0x4f: {  	v3 =	vld [tilespmem:$0x30]  }
0x50: {  	v4 =	vld [tilespmem:$0x40]  }
0x51: {  	v54 =	vld [tilespmem:$0x50];
	[tilespmem:$0x200] =	vst v0  }
0x52: {  	v55 =	vld [tilespmem:$0x60];
	[tilespmem:$0x210] =	vst v1  }
0x53: {  	v56 =	vld [tilespmem:$0x70];
	[tilespmem:$0x220] =	vst v2  }
0x54: {  	v57 =	vld [tilespmem:$0x80];
	[tilespmem:$0x230] =	vst v3  }
0x55: {  	v58 =	vld [tilespmem:$0x90];
	[tilespmem:$0x240] =	vst v4  }
0x56: {  	v59 =	vld [tilespmem:$0xA0];
	[tilespmem:$0x250] =	vst v54  }
0x57: {  	v60 =	vld [tilespmem:$0xB0];
	[tilespmem:$0x260] =	vst v55  }
0x58: {  	v61 =	vld [tilespmem:$0xC0];
	[tilespmem:$0x270] =	vst v56  }
0x59: {  	v62 =	vld [tilespmem:$0xD0];
	[tilespmem:$0x280] =	vst v57  }
0x5a: {  	v63 =	vld [tilespmem:$0xE0];
	[tilespmem:$0x290] =	vst v58  }
0x5b: {  	v8 =	vld [tilespmem:$0xF0];
	[tilespmem:$0x2A0] =	vst v59  }
0x5c: {  	v9 =	vld [tilespmem:$0x100];
	[tilespmem:$0x2B0] =	vst v60  }
0x5d: {  	v10 =	vld [tilespmem:$0x110];
	[tilespmem:$0x2C0] =	vst v61  }
0x5e: {  	v11 =	vld [tilespmem:$0x120];
	[tilespmem:$0x2D0] =	vst v62  }
0x5f: {  	v12 =	vld [tilespmem:$0x130];
	[tilespmem:$0x2E0] =	vst v63  }
0x60: {  	v13 =	vld [tilespmem:$0x140];
	[tilespmem:$0x2F0] =	vst v8  }
0x61: {  	v14 =	vld [tilespmem:$0x150];
	[tilespmem:$0x300] =	vst v9  }
0x62: {  	v15 =	vld [tilespmem:$0x160];
	[tilespmem:$0x310] =	vst v10  }
0x63: {  	v16 =	vld [tilespmem:$0x170];
	[tilespmem:$0x320] =	vst v11  }
0x64: {  	v17 =	vld [tilespmem:$0x180];
	[tilespmem:$0x330] =	vst v12  }
0x65: {  	v18 =	vld [tilespmem:$0x190];
	[tilespmem:$0x340] =	vst v13  }
0x66: {  	v19 =	vld [tilespmem:$0x1A0];
	[tilespmem:$0x350] =	vst v14  }
0x67: {  	v20 =	vld [tilespmem:$0x1B0];
	[tilespmem:$0x360] =	vst v15  }
0x68: {  	v21 =	vld [tilespmem:$0x1C0];
	[tilespmem:$0x370] =	vst v16  }
0x69: {  	v22 =	vld [tilespmem:$0x1D0];
	[tilespmem:$0x380] =	vst v17  }
0x6a: {  	v23 =	vld [tilespmem:$0x1E0];
	[tilespmem:$0x390] =	vst v18  }
0x6b: {  	v24 =	vld [tilespmem:$0x1F0];
	[tilespmem:$0x3A0] =	vst v19  }
0x6c: {  	[tilespmem:$0x3B0] =	vst v20  }
0x6d: {  	[tilespmem:$0x3C0] =	vst v21  }
0x6e: {  	[tilespmem:$0x3D0] =	vst v22  }
0x6f: {  	[tilespmem:$0x3E0] =	vst v23  }
0x70: {  	s12 =	simm.s32 $0x2200;
	[tilespmem:$0x3F0] =	vst v24  }
0x71: {  	[tilespmem:s12], [sflag:$0x1] =	stream.indirect.gather [hbm4b:s3+s14], $0x1, s14, s14, $0xb8;
	[tilespmem:$0x4200] =	vst v63  }
0x72: {  	v25 =	vld [tilespmem:$0x0]  }
0x73: {  	v26 =	vld [tilespmem:$0x10]  }
0x74: {  	v27 =	vld [tilespmem:$0x20]  }
0x75: {  	v28 =	vld [tilespmem:$0x30]  }
0x76: {  	v29 =	vld [tilespmem:$0x40]  }
0x77: {  	v5 =	vld [tilespmem:$0x50];
	v0 =	vadd.s32 $0x186A2, v25  }
0x78: {  	v31 =	vld [tilespmem:$0x60];
	v30 =	vadd.s32 $0x186A2, v26;
	[tilespmem:$0x400] =	vst v0  }
0x79: {  	v33 =	vld [tilespmem:$0x70];
	v32 =	vadd.s32 $0x186A2, v27;
	[tilespmem:$0x410] =	vst v30  }
0x7a: {  	v35 =	vld [tilespmem:$0x80];
	v34 =	vadd.s32 $0x186A2, v28;
	[tilespmem:$0x420] =	vst v32  }
0x7b: {  	v37 =	vld [tilespmem:$0x90];
	v36 =	vadd.s32 $0x186A2, v29;
	[tilespmem:$0x430] =	vst v34  }
0x7c: {  	v39 =	vld [tilespmem:$0xA0];
	v38 =	vadd.s32 $0x186A2, v5;
	[tilespmem:$0x440] =	vst v36  }
0x7d: {  	v41 =	vld [tilespmem:$0xB0];
	v40 =	vadd.s32 $0x186A2, v31;
	[tilespmem:$0x450] =	vst v38  }
0x7e: {  	v43 =	vld [tilespmem:$0xC0];
	v42 =	vadd.s32 $0x186A2, v33;
	[tilespmem:$0x460] =	vst v40  }
0x7f: {  	v45 =	vld [tilespmem:$0xD0];
	v44 =	vadd.s32 $0x186A2, v35;
	[tilespmem:$0x470] =	vst v42  }
0x80: {  	v47 =	vld [tilespmem:$0xE0];
	v46 =	vadd.s32 $0x186A2, v37;
	[tilespmem:$0x480] =	vst v44  }
0x81: {  	v49 =	vld [tilespmem:$0xF0];
	v48 =	vadd.s32 $0x186A2, v39;
	[tilespmem:$0x490] =	vst v46  }
0x82: {  	v51 =	vld [tilespmem:$0x100];
	v50 =	vadd.s32 $0x186A2, v41;
	[tilespmem:$0x4A0] =	vst v48  }
0x83: {  	v53 =	vld [tilespmem:$0x110];
	v52 =	vadd.s32 $0x186A2, v43;
	[tilespmem:$0x4B0] =	vst v50  }
0x84: {  	v55 =	vld [tilespmem:$0x120];
	v54 =	vadd.s32 $0x186A2, v45;
	[tilespmem:$0x4C0] =	vst v52  }
0x85: {  	v57 =	vld [tilespmem:$0x130];
	v56 =	vadd.s32 $0x186A2, v47;
	[tilespmem:$0x4D0] =	vst v54  }
0x86: {  	v59 =	vld [tilespmem:$0x140];
	v58 =	vadd.s32 $0x186A2, v49;
	[tilespmem:$0x4E0] =	vst v56  }
0x87: {  	v61 =	vld [tilespmem:$0x150];
	v60 =	vadd.s32 $0x186A2, v51;
	[tilespmem:$0x4F0] =	vst v58  }
0x88: {  	v63 =	vld [tilespmem:$0x160];
	v62 =	vadd.s32 $0x186A2, v53;
	[tilespmem:$0x500] =	vst v60  }
0x89: {  	v9 =	vld [tilespmem:$0x170];
	v8 =	vadd.s32 $0x186A2, v55;
	[tilespmem:$0x510] =	vst v62  }
0x8a: {  	v11 =	vld [tilespmem:$0x180];
	v10 =	vadd.s32 $0x186A2, v57;
	[tilespmem:$0x520] =	vst v8  }
0x8b: {  	v13 =	vld [tilespmem:$0x190];
	v12 =	vadd.s32 $0x186A2, v59;
	[tilespmem:$0x530] =	vst v10  }
0x8c: {  	v15 =	vld [tilespmem:$0x1A0];
	v14 =	vadd.s32 $0x186A2, v61;
	[tilespmem:$0x540] =	vst v12  }
0x8d: {  	v17 =	vld [tilespmem:$0x1B0];
	v16 =	vadd.s32 $0x186A2, v63;
	[tilespmem:$0x550] =	vst v14  }
0x8e: {  	v19 =	vld [tilespmem:$0x1C0];
	v18 =	vadd.s32 $0x186A2, v9;
	[tilespmem:$0x560] =	vst v16  }
0x8f: {  	v21 =	vld [tilespmem:$0x1D0];
	v20 =	vadd.s32 $0x186A2, v11;
	[tilespmem:$0x570] =	vst v18  }
0x90: {  	v23 =	vld [tilespmem:$0x1E0];
	v22 =	vadd.s32 $0x186A2, v13;
	[tilespmem:$0x580] =	vst v20  }
0x91: {  	v24 =	vadd.s32 $0x186A2, v15;
	v25 =	vld [tilespmem:$0x1F0];
	[tilespmem:$0x590] =	vst v22  }
0x92: {  	v26 =	vadd.s32 $0x186A2, v17;
	[tilespmem:$0x5A0] =	vst v24  }
0x93: {  	v27 =	vadd.s32 $0x186A2, v19;
	[tilespmem:$0x5B0] =	vst v26  }
0x94: {  	v28 =	vadd.s32 $0x186A2, v21;
	[tilespmem:$0x5C0] =	vst v27  }
0x95: {  	v29 =	vadd.s32 $0x186A2, v23;
	[tilespmem:$0x5D0] =	vst v28  }
0x96: {  	[tilespmem:$0x5E0] =	vst v29;
	v30 =	vadd.s32 $0x186A2, v25  }
0x97: {  	s17 =	simm.s32 $0x2400;
	s16 =	rddreg [dreg:$0x5];
	[tilespmem:$0x5F0] =	vst v30  }
0x98: {  	[tilespmem:s17], [sflag:$0x1] =	stream.indirect.gather [hbm4b:s3+s14], $0x1, s16, s14, $0xb8;
	[tilespmem:$0x4200] =	vst v63  }
0x99: {  	v31 =	vld [tilespmem:$0x0]  }
0x9a: {  	v32 =	vld [tilespmem:$0x10]  }
0x9b: {  	v33 =	vld [tilespmem:$0x20]  }
0x9c: {  	v34 =	vld [tilespmem:$0x30]  }
0x9d: {  	v35 =	vld [tilespmem:$0x40]  }
0x9e: {  	v36 =	vld [tilespmem:$0x50];
	v0 =	vadd.s32 $0x30D44, v31  }
0x9f: {  	v38 =	vld [tilespmem:$0x60];
	v37 =	vadd.s32 $0x30D44, v32;
	[tilespmem:$0x600] =	vst v0  }
0xa0: {  	v40 =	vld [tilespmem:$0x70];
	v39 =	vadd.s32 $0x30D44, v33;
	[tilespmem:$0x610] =	vst v37  }
0xa1: {  	v42 =	vld [tilespmem:$0x80];
	v41 =	vadd.s32 $0x30D44, v34;
	[tilespmem:$0x620] =	vst v39  }
0xa2: {  	v44 =	vld [tilespmem:$0x90];
	v43 =	vadd.s32 $0x30D44, v35;
	[tilespmem:$0x630] =	vst v41  }
0xa3: {  	v46 =	vld [tilespmem:$0xA0];
	v45 =	vadd.s32 $0x30D44, v36;
	[tilespmem:$0x640] =	vst v43  }
0xa4: {  	v48 =	vld [tilespmem:$0xB0];
	v47 =	vadd.s32 $0x30D44, v38;
	[tilespmem:$0x650] =	vst v45  }
0xa5: {  	v50 =	vld [tilespmem:$0xC0];
	v49 =	vadd.s32 $0x30D44, v40;
	[tilespmem:$0x660] =	vst v47  }
0xa6: {  	v52 =	vld [tilespmem:$0xD0];
	v51 =	vadd.s32 $0x30D44, v42;
	[tilespmem:$0x670] =	vst v49  }
0xa7: {  	v54 =	vld [tilespmem:$0xE0];
	v53 =	vadd.s32 $0x30D44, v44;
	[tilespmem:$0x680] =	vst v51  }
0xa8: {  	v56 =	vld [tilespmem:$0xF0];
	v55 =	vadd.s32 $0x30D44, v46;
	[tilespmem:$0x690] =	vst v53  }
0xa9: {  	v58 =	vld [tilespmem:$0x100];
	v57 =	vadd.s32 $0x30D44, v48;
	[tilespmem:$0x6A0] =	vst v55  }
0xaa: {  	v60 =	vld [tilespmem:$0x110];
	v59 =	vadd.s32 $0x30D44, v50;
	[tilespmem:$0x6B0] =	vst v57  }
0xab: {  	v62 =	vld [tilespmem:$0x120];
	v61 =	vadd.s32 $0x30D44, v52;
	[tilespmem:$0x6C0] =	vst v59  }
0xac: {  	v8 =	vld [tilespmem:$0x130];
	v63 =	vadd.s32 $0x30D44, v54;
	[tilespmem:$0x6D0] =	vst v61  }
0xad: {  	v10 =	vld [tilespmem:$0x140];
	v9 =	vadd.s32 $0x30D44, v56;
	[tilespmem:$0x6E0] =	vst v63  }
0xae: {  	v12 =	vld [tilespmem:$0x150];
	v11 =	vadd.s32 $0x30D44, v58;
	[tilespmem:$0x6F0] =	vst v9  }
0xaf: {  	v14 =	vld [tilespmem:$0x160];
	v13 =	vadd.s32 $0x30D44, v60;
	[tilespmem:$0x700] =	vst v11  }
0xb0: {  	v16 =	vld [tilespmem:$0x170];
	v15 =	vadd.s32 $0x30D44, v62;
	[tilespmem:$0x710] =	vst v13  }
0xb1: {  	v18 =	vld [tilespmem:$0x180];
	v17 =	vadd.s32 $0x30D44, v8;
	[tilespmem:$0x720] =	vst v15  }
0xb2: {  	v20 =	vld [tilespmem:$0x190];
	v19 =	vadd.s32 $0x30D44, v10;
	[tilespmem:$0x730] =	vst v17  }
0xb3: {  	v22 =	vld [tilespmem:$0x1A0];
	v21 =	vadd.s32 $0x30D44, v12;
	[tilespmem:$0x740] =	vst v19  }
0xb4: {  	v24 =	vld [tilespmem:$0x1B0];
	v23 =	vadd.s32 $0x30D44, v14;
	[tilespmem:$0x750] =	vst v21  }
0xb5: {  	v26 =	vld [tilespmem:$0x1C0];
	v25 =	vadd.s32 $0x30D44, v16;
	[tilespmem:$0x760] =	vst v23  }
0xb6: {  	v28 =	vld [tilespmem:$0x1D0];
	v27 =	vadd.s32 $0x30D44, v18;
	[tilespmem:$0x770] =	vst v25  }
0xb7: {  	v30 =	vld [tilespmem:$0x1E0];
	v29 =	vadd.s32 $0x30D44, v20;
	[tilespmem:$0x780] =	vst v27  }
0xb8: {  	v31 =	vadd.s32 $0x30D44, v22;
	v32 =	vld [tilespmem:$0x1F0];
	[tilespmem:$0x790] =	vst v29  }
0xb9: {  	v33 =	vadd.s32 $0x30D44, v24;
	[tilespmem:$0x7A0] =	vst v31  }
0xba: {  	v34 =	vadd.s32 $0x30D44, v26;
	[tilespmem:$0x7B0] =	vst v33  }
0xbb: {  	v35 =	vadd.s32 $0x30D44, v28;
	[tilespmem:$0x7C0] =	vst v34  }
0xbc: {  	v36 =	vadd.s32 $0x30D44, v30;
	[tilespmem:$0x7D0] =	vst v35  }
0xbd: {  	[tilespmem:$0x7E0] =	vst v36;
	v37 =	vadd.s32 $0x30D44, v32  }
0xbe: {  	s12 =	rddreg [dreg:$0x6];
	s16 =	simm.s32 $0x2600;
	[tilespmem:$0x7F0] =	vst v37  }
0xbf: {  	[tilespmem:s16], [sflag:$0x1] =	stream.indirect.gather [hbm4b:s3+s14], $0x1, s12, s14, $0xb8;
	[tilespmem:$0x4200] =	vst v63  }
0xc0: {  	v38 =	vld [tilespmem:$0x0]  }
0xc1: {  	v39 =	vld [tilespmem:$0x10]  }
0xc2: {  	v40 =	vld [tilespmem:$0x20]  }
0xc3: {  	v41 =	vld [tilespmem:$0x30]  }
0xc4: {  	v42 =	vld [tilespmem:$0x40]  }
0xc5: {  	v43 =	vld [tilespmem:$0x50];
	v0 =	vadd.s32 $0x493E6, v38  }
0xc6: {  	v45 =	vld [tilespmem:$0x60];
	v44 =	vadd.s32 $0x493E6, v39;
	[tilespmem:$0x800] =	vst v0  }
0xc7: {  	v47 =	vld [tilespmem:$0x70];
	v46 =	vadd.s32 $0x493E6, v40;
	[tilespmem:$0x810] =	vst v44  }
0xc8: {  	v49 =	vld [tilespmem:$0x80];
	v48 =	vadd.s32 $0x493E6, v41;
	[tilespmem:$0x820] =	vst v46  }
0xc9: {  	v50 =	vadd.s32 $0x493E6, v42;
	[tilespmem:$0x830] =	vst v48  }
0xca: {  	v51 =	vadd.s32 $0x493E6, v43;
	[tilespmem:$0x840] =	vst v50  }
0xcb: {  	v52 =	vadd.s32 $0x493E6, v45;
	[tilespmem:$0x850] =	vst v51  }
0xcc: {  	v53 =	vadd.s32 $0x493E6, v47;
	[tilespmem:$0x860] =	vst v52  }
0xcd: {  	v54 =	vadd.s32 $0x493E6, v49;
	[tilespmem:$0x870] =	vst v53  }
0xce: {  	[tilespmem:$0x880] =	vst v54  }
0xcf: {  	v0 =	vld [tilespmem:$0x90]  }
0xd0: {  	v55 =	vld [tilespmem:$0xA0]  }
0xd1: {  	v56 =	vld [tilespmem:$0xB0]  }
0xd2: {  	v57 =	vld [tilespmem:$0xC0]  }
0xd3: {  	v58 =	vld [tilespmem:$0xD0]  }
0xd4: {  	v59 =	vld [tilespmem:$0xE0];
	v0 =	vadd.s32 $0x493E6, v0  }
0xd5: {  	v61 =	vld [tilespmem:$0xF0];
	v60 =	vadd.s32 $0x493E6, v55;
	[tilespmem:$0x890] =	vst v0  }
0xd6: {  	v63 =	vld [tilespmem:$0x100];
	v62 =	vadd.s32 $0x493E6, v56;
	[tilespmem:$0x8A0] =	vst v60  }
0xd7: {  	v8 =	vld [tilespmem:$0x110];
	v7 =	vadd.s32 $0x493E6, v57;
	[tilespmem:$0x8B0] =	vst v62  }
0xd8: {  	v10 =	vld [tilespmem:$0x120];
	v9 =	vadd.s32 $0x493E6, v58;
	[tilespmem:$0x8C0] =	vst v7  }
0xd9: {  	v12 =	vld [tilespmem:$0x130];
	v11 =	vadd.s32 $0x493E6, v59;
	[tilespmem:$0x8D0] =	vst v9  }
0xda: {  	v14 =	vld [tilespmem:$0x140];
	v13 =	vadd.s32 $0x493E6, v61;
	[tilespmem:$0x8E0] =	vst v11  }
0xdb: {  	v16 =	vld [tilespmem:$0x150];
	v15 =	vadd.s32 $0x493E6, v63;
	[tilespmem:$0x8F0] =	vst v13  }
0xdc: {  	v18 =	vld [tilespmem:$0x160];
	v17 =	vadd.s32 $0x493E6, v8;
	[tilespmem:$0x900] =	vst v15  }
0xdd: {  	v20 =	vld [tilespmem:$0x170];
	v19 =	vadd.s32 $0x493E6, v10;
	[tilespmem:$0x910] =	vst v17  }
0xde: {  	v22 =	vld [tilespmem:$0x180];
	v21 =	vadd.s32 $0x493E6, v12;
	[tilespmem:$0x920] =	vst v19  }
0xdf: {  	v24 =	vld [tilespmem:$0x190];
	v23 =	vadd.s32 $0x493E6, v14;
	[tilespmem:$0x930] =	vst v21  }
0xe0: {  	v26 =	vld [tilespmem:$0x1A0];
	v25 =	vadd.s32 $0x493E6, v16;
	[tilespmem:$0x940] =	vst v23  }
0xe1: {  	v28 =	vld [tilespmem:$0x1B0];
	v27 =	vadd.s32 $0x493E6, v18;
	[tilespmem:$0x950] =	vst v25  }
0xe2: {  	v30 =	vld [tilespmem:$0x1C0];
	v29 =	vadd.s32 $0x493E6, v20;
	[tilespmem:$0x960] =	vst v27  }
0xe3: {  	v32 =	vld [tilespmem:$0x1D0];
	v31 =	vadd.s32 $0x493E6, v22;
	[tilespmem:$0x970] =	vst v29  }
0xe4: {  	v34 =	vld [tilespmem:$0x1E0];
	v33 =	vadd.s32 $0x493E6, v24;
	[tilespmem:$0x980] =	vst v31  }
0xe5: {  	v36 =	vld [tilespmem:$0x1F0];
	v35 =	vadd.s32 $0x493E6, v26;
	[tilespmem:$0x990] =	vst v33  }
0xe6: {  	v37 =	vadd.s32 $0x493E6, v28;
	[tilespmem:$0x9A0] =	vst v35  }
0xe7: {  	v38 =	vadd.s32 $0x493E6, v30;
	[tilespmem:$0x9B0] =	vst v37  }
0xe8: {  	v39 =	vadd.s32 $0x493E6, v32;
	[tilespmem:$0x9C0] =	vst v38  }
0xe9: {  	v40 =	vadd.s32 $0x493E6, v34;
	[tilespmem:$0x9D0] =	vst v39  }
0xea: {  	v41 =	vadd.s32 $0x493E6, v36;
	[tilespmem:$0x9E0] =	vst v40  }
0xeb: {  	s12 =	rddreg [dreg:$0x7];
	[tilespmem:$0x9F0] =	vst v41  }
0xec: {  	[tilespmem:s19], [sflag:$0x1] =	stream.indirect.gather [hbm4b:s3+s14], $0x1, s12, s14, $0xb8;
	[tilespmem:$0x4200] =	vst v63  }
0xed: {  	v42 =	vld [tilespmem:$0x0]  }
0xee: {  	v43 =	vld [tilespmem:$0x10]  }
0xef: {  	v44 =	vld [tilespmem:$0x20]  }
0xf0: {  	v45 =	vld [tilespmem:$0x30]  }
0xf1: {  	v46 =	vld [tilespmem:$0x40]  }
0xf2: {  	v47 =	vld [tilespmem:$0x50];
	v0 =	vadd.s32 $0x61A88, v42  }
0xf3: {  	v49 =	vld [tilespmem:$0x60];
	v48 =	vadd.s32 $0x61A88, v43;
	[tilespmem:$0xA00] =	vst v0  }
0xf4: {  	v51 =	vld [tilespmem:$0x70];
	v50 =	vadd.s32 $0x61A88, v44;
	[tilespmem:$0xA10] =	vst v48  }
0xf5: {  	v53 =	vld [tilespmem:$0x80];
	v52 =	vadd.s32 $0x61A88, v45;
	[tilespmem:$0xA20] =	vst v50  }
0xf6: {  	v55 =	vld [tilespmem:$0x90];
	v54 =	vadd.s32 $0x61A88, v46;
	[tilespmem:$0xA30] =	vst v52  }
0xf7: {  	v57 =	vld [tilespmem:$0xA0];
	v56 =	vadd.s32 $0x61A88, v47;
	[tilespmem:$0xA40] =	vst v54  }
0xf8: {  	v59 =	vld [tilespmem:$0xB0];
	v58 =	vadd.s32 $0x61A88, v49;
	[tilespmem:$0xA50] =	vst v56  }
0xf9: {  	v61 =	vld [tilespmem:$0xC0];
	v60 =	vadd.s32 $0x61A88, v51;
	[tilespmem:$0xA60] =	vst v58  }
0xfa: {  	v63 =	vld [tilespmem:$0xD0];
	v62 =	vadd.s32 $0x61A88, v53;
	[tilespmem:$0xA70] =	vst v60  }
0xfb: {  	v9 =	vld [tilespmem:$0xE0];
	v8 =	vadd.s32 $0x61A88, v55;
	[tilespmem:$0xA80] =	vst v62  }
0xfc: {  	v11 =	vld [tilespmem:$0xF0];
	v10 =	vadd.s32 $0x61A88, v57;
	[tilespmem:$0xA90] =	vst v8  }
0xfd: {  	v13 =	vld [tilespmem:$0x100];
	v12 =	vadd.s32 $0x61A88, v59;
	[tilespmem:$0xAA0] =	vst v10  }
0xfe: {  	v15 =	vld [tilespmem:$0x110];
	v14 =	vadd.s32 $0x61A88, v61;
	[tilespmem:$0xAB0] =	vst v12  }
0xff: {  	v17 =	vld [tilespmem:$0x120];
	v16 =	vadd.s32 $0x61A88, v63;
	[tilespmem:$0xAC0] =	vst v14  }
0x100: {  	v19 =	vld [tilespmem:$0x130];
	v18 =	vadd.s32 $0x61A88, v9;
	[tilespmem:$0xAD0] =	vst v16  }
0x101: {  	v21 =	vld [tilespmem:$0x140];
	v20 =	vadd.s32 $0x61A88, v11;
	[tilespmem:$0xAE0] =	vst v18  }
0x102: {  	v23 =	vld [tilespmem:$0x150];
	v22 =	vadd.s32 $0x61A88, v13;
	[tilespmem:$0xAF0] =	vst v20  }
0x103: {  	v25 =	vld [tilespmem:$0x160];
	v24 =	vadd.s32 $0x61A88, v15;
	[tilespmem:$0xB00] =	vst v22  }
0x104: {  	v27 =	vld [tilespmem:$0x170];
	v26 =	vadd.s32 $0x61A88, v17;
	[tilespmem:$0xB10] =	vst v24  }
0x105: {  	v29 =	vld [tilespmem:$0x180];
	v28 =	vadd.s32 $0x61A88, v19;
	[tilespmem:$0xB20] =	vst v26  }
0x106: {  	v31 =	vld [tilespmem:$0x190];
	v30 =	vadd.s32 $0x61A88, v21;
	[tilespmem:$0xB30] =	vst v28  }
0x107: {  	v33 =	vld [tilespmem:$0x1A0];
	v32 =	vadd.s32 $0x61A88, v23;
	[tilespmem:$0xB40] =	vst v30  }
0x108: {  	v35 =	vld [tilespmem:$0x1B0];
	v34 =	vadd.s32 $0x61A88, v25;
	[tilespmem:$0xB50] =	vst v32  }
0x109: {  	v37 =	vld [tilespmem:$0x1C0];
	v36 =	vadd.s32 $0x61A88, v27;
	[tilespmem:$0xB60] =	vst v34  }
0x10a: {  	v39 =	vld [tilespmem:$0x1D0];
	v38 =	vadd.s32 $0x61A88, v29;
	[tilespmem:$0xB70] =	vst v36  }
0x10b: {  	v41 =	vld [tilespmem:$0x1E0];
	v40 =	vadd.s32 $0x61A88, v31;
	[tilespmem:$0xB80] =	vst v38  }
0x10c: {  	v42 =	vadd.s32 $0x61A88, v33;
	v43 =	vld [tilespmem:$0x1F0];
	[tilespmem:$0xB90] =	vst v40  }
0x10d: {  	v44 =	vadd.s32 $0x61A88, v35;
	[tilespmem:$0xBA0] =	vst v42  }
0x10e: {  	v45 =	vadd.s32 $0x61A88, v37;
	[tilespmem:$0xBB0] =	vst v44  }
0x10f: {  	v46 =	vadd.s32 $0x61A88, v39;
	[tilespmem:$0xBC0] =	vst v45  }
0x110: {  	v47 =	vadd.s32 $0x61A88, v41;
	[tilespmem:$0xBD0] =	vst v46  }
0x111: {  	[tilespmem:$0xBE0] =	vst v47;
	v48 =	vadd.s32 $0x61A88, v43  }
0x112: {  	s12 =	rddreg [dreg:$0x8];
	[tilespmem:$0xBF0] =	vst v48  }
0x113: {  	[tilespmem:s20], [sflag:$0x1] =	stream.indirect.gather [hbm4b:s3+s14], $0x1, s12, s14, $0xb8;
	[tilespmem:$0x4200] =	vst v63  }
0x114: {  	v49 =	vld [tilespmem:$0x0]  }
0x115: {  	v50 =	vld [tilespmem:$0x10]  }
0x116: {  	v51 =	vld [tilespmem:$0x20]  }
0x117: {  	v52 =	vld [tilespmem:$0x30]  }
0x118: {  	v53 =	vld [tilespmem:$0x40]  }
0x119: {  	v54 =	vld [tilespmem:$0x50];
	v0 =	vadd.s32 $0x7A12A, v49  }
0x11a: {  	v56 =	vld [tilespmem:$0x60];
	v55 =	vadd.s32 $0x7A12A, v50;
	[tilespmem:$0xC00] =	vst v0  }
0x11b: {  	v58 =	vld [tilespmem:$0x70];
	v57 =	vadd.s32 $0x7A12A, v51;
	[tilespmem:$0xC10] =	vst v55  }
0x11c: {  	v60 =	vld [tilespmem:$0x80];
	v59 =	vadd.s32 $0x7A12A, v52;
	[tilespmem:$0xC20] =	vst v57  }
0x11d: {  	v62 =	vld [tilespmem:$0x90];
	v61 =	vadd.s32 $0x7A12A, v53;
	[tilespmem:$0xC30] =	vst v59  }
0x11e: {  	v8 =	vld [tilespmem:$0xA0];
	v63 =	vadd.s32 $0x7A12A, v54;
	[tilespmem:$0xC40] =	vst v61  }
0x11f: {  	v10 =	vld [tilespmem:$0xB0];
	v9 =	vadd.s32 $0x7A12A, v56;
	[tilespmem:$0xC50] =	vst v63  }
0x120: {  	v12 =	vld [tilespmem:$0xC0];
	v11 =	vadd.s32 $0x7A12A, v58;
	[tilespmem:$0xC60] =	vst v9  }
0x121: {  	v14 =	vld [tilespmem:$0xD0];
	v13 =	vadd.s32 $0x7A12A, v60;
	[tilespmem:$0xC70] =	vst v11  }
0x122: {  	v16 =	vld [tilespmem:$0xE0];
	v15 =	vadd.s32 $0x7A12A, v62;
	[tilespmem:$0xC80] =	vst v13  }
0x123: {  	v18 =	vld [tilespmem:$0xF0];
	v17 =	vadd.s32 $0x7A12A, v8;
	[tilespmem:$0xC90] =	vst v15  }
0x124: {  	v20 =	vld [tilespmem:$0x100];
	v19 =	vadd.s32 $0x7A12A, v10;
	[tilespmem:$0xCA0] =	vst v17  }
0x125: {  	v22 =	vld [tilespmem:$0x110];
	v21 =	vadd.s32 $0x7A12A, v12;
	[tilespmem:$0xCB0] =	vst v19  }
0x126: {  	v24 =	vld [tilespmem:$0x120];
	v23 =	vadd.s32 $0x7A12A, v14;
	[tilespmem:$0xCC0] =	vst v21  }
0x127: {  	v26 =	vld [tilespmem:$0x130];
	v25 =	vadd.s32 $0x7A12A, v16;
	[tilespmem:$0xCD0] =	vst v23  }
0x128: {  	v28 =	vld [tilespmem:$0x140];
	v27 =	vadd.s32 $0x7A12A, v18;
	[tilespmem:$0xCE0] =	vst v25  }
0x129: {  	v30 =	vld [tilespmem:$0x150];
	v29 =	vadd.s32 $0x7A12A, v20;
	[tilespmem:$0xCF0] =	vst v27  }
0x12a: {  	v32 =	vld [tilespmem:$0x160];
	v31 =	vadd.s32 $0x7A12A, v22;
	[tilespmem:$0xD00] =	vst v29  }
0x12b: {  	v34 =	vld [tilespmem:$0x170];
	v33 =	vadd.s32 $0x7A12A, v24;
	[tilespmem:$0xD10] =	vst v31  }
0x12c: {  	v36 =	vld [tilespmem:$0x180];
	v35 =	vadd.s32 $0x7A12A, v26;
	[tilespmem:$0xD20] =	vst v33  }
0x12d: {  	v38 =	vld [tilespmem:$0x190];
	v37 =	vadd.s32 $0x7A12A, v28;
	[tilespmem:$0xD30] =	vst v35  }
0x12e: {  	v40 =	vld [tilespmem:$0x1A0];
	v39 =	vadd.s32 $0x7A12A, v30;
	[tilespmem:$0xD40] =	vst v37  }
0x12f: {  	v42 =	vld [tilespmem:$0x1B0];
	v41 =	vadd.s32 $0x7A12A, v32;
	[tilespmem:$0xD50] =	vst v39  }
0x130: {  	v44 =	vld [tilespmem:$0x1C0];
	v43 =	vadd.s32 $0x7A12A, v34;
	[tilespmem:$0xD60] =	vst v41  }
0x131: {  	v46 =	vld [tilespmem:$0x1D0];
	v45 =	vadd.s32 $0x7A12A, v36;
	[tilespmem:$0xD70] =	vst v43  }
0x132: {  	v48 =	vld [tilespmem:$0x1E0];
	v47 =	vadd.s32 $0x7A12A, v38;
	[tilespmem:$0xD80] =	vst v45  }
0x133: {  	v49 =	vadd.s32 $0x7A12A, v40;
	v50 =	vld [tilespmem:$0x1F0];
	[tilespmem:$0xD90] =	vst v47  }
0x134: {  	v51 =	vadd.s32 $0x7A12A, v42;
	[tilespmem:$0xDA0] =	vst v49  }
0x135: {  	v52 =	vadd.s32 $0x7A12A, v44;
	[tilespmem:$0xDB0] =	vst v51  }
0x136: {  	v53 =	vadd.s32 $0x7A12A, v46;
	[tilespmem:$0xDC0] =	vst v52  }
0x137: {  	v54 =	vadd.s32 $0x7A12A, v48;
	[tilespmem:$0xDD0] =	vst v53  }
0x138: {  	[tilespmem:$0xDE0] =	vst v54;
	v55 =	vadd.s32 $0x7A12A, v50  }
0x139: {  	s12 =	rddreg [dreg:$0x9];
	[tilespmem:$0xDF0] =	vst v55  }
0x13a: {  	[tilespmem:s21], [sflag:$0x1] =	stream.indirect.gather [hbm4b:s3+s14], $0x1, s12, s14, $0xb8;
	[tilespmem:$0x4200] =	vst v63  }
0x13b: {  	v56 =	vld [tilespmem:$0x0]  }
0x13c: {  	v57 =	vld [tilespmem:$0x10]  }
0x13d: {  	v58 =	vld [tilespmem:$0x20]  }
0x13e: {  	v59 =	vld [tilespmem:$0x30]  }
0x13f: {  	v60 =	vld [tilespmem:$0x40]  }
0x140: {  	v61 =	vld [tilespmem:$0x50];
	v0 =	vadd.s32 $0x927CC, v56  }
0x141: {  	v63 =	vld [tilespmem:$0x60];
	v62 =	vadd.s32 $0x927CC, v57;
	[tilespmem:$0xE00] =	vst v0  }
0x142: {  	v9 =	vld [tilespmem:$0x70];
	v8 =	vadd.s32 $0x927CC, v58;
	[tilespmem:$0xE10] =	vst v62  }
0x143: {  	v11 =	vld [tilespmem:$0x80];
	v10 =	vadd.s32 $0x927CC, v59;
	[tilespmem:$0xE20] =	vst v8  }
0x144: {  	v13 =	vld [tilespmem:$0x90];
	v12 =	vadd.s32 $0x927CC, v60;
	[tilespmem:$0xE30] =	vst v10  }
0x145: {  	v15 =	vld [tilespmem:$0xA0];
	v14 =	vadd.s32 $0x927CC, v61;
	[tilespmem:$0xE40] =	vst v12  }
0x146: {  	v17 =	vld [tilespmem:$0xB0];
	v16 =	vadd.s32 $0x927CC, v63;
	[tilespmem:$0xE50] =	vst v14  }
0x147: {  	v19 =	vld [tilespmem:$0xC0];
	v18 =	vadd.s32 $0x927CC, v9;
	[tilespmem:$0xE60] =	vst v16  }
0x148: {  	v21 =	vld [tilespmem:$0xD0];
	v20 =	vadd.s32 $0x927CC, v11;
	[tilespmem:$0xE70] =	vst v18  }
0x149: {  	v23 =	vld [tilespmem:$0xE0];
	v22 =	vadd.s32 $0x927CC, v13;
	[tilespmem:$0xE80] =	vst v20  }
0x14a: {  	v25 =	vld [tilespmem:$0xF0];
	v24 =	vadd.s32 $0x927CC, v15;
	[tilespmem:$0xE90] =	vst v22  }
0x14b: {  	v27 =	vld [tilespmem:$0x100];
	v26 =	vadd.s32 $0x927CC, v17;
	[tilespmem:$0xEA0] =	vst v24  }
0x14c: {  	v29 =	vld [tilespmem:$0x110];
	v28 =	vadd.s32 $0x927CC, v19;
	[tilespmem:$0xEB0] =	vst v26  }
0x14d: {  	v31 =	vld [tilespmem:$0x120];
	v30 =	vadd.s32 $0x927CC, v21;
	[tilespmem:$0xEC0] =	vst v28  }
0x14e: {  	v33 =	vld [tilespmem:$0x130];
	v32 =	vadd.s32 $0x927CC, v23;
	[tilespmem:$0xED0] =	vst v30  }
0x14f: {  	v35 =	vld [tilespmem:$0x140];
	v34 =	vadd.s32 $0x927CC, v25;
	[tilespmem:$0xEE0] =	vst v32  }
0x150: {  	v37 =	vld [tilespmem:$0x150];
	v36 =	vadd.s32 $0x927CC, v27;
	[tilespmem:$0xEF0] =	vst v34  }
0x151: {  	v39 =	vld [tilespmem:$0x160];
	v38 =	vadd.s32 $0x927CC, v29;
	[tilespmem:$0xF00] =	vst v36  }
0x152: {  	v41 =	vld [tilespmem:$0x170];
	v40 =	vadd.s32 $0x927CC, v31;
	[tilespmem:$0xF10] =	vst v38  }
0x153: {  	v43 =	vld [tilespmem:$0x180];
	v42 =	vadd.s32 $0x927CC, v33;
	[tilespmem:$0xF20] =	vst v40  }
0x154: {  	v45 =	vld [tilespmem:$0x190];
	v44 =	vadd.s32 $0x927CC, v35;
	[tilespmem:$0xF30] =	vst v42  }
0x155: {  	v47 =	vld [tilespmem:$0x1A0];
	v46 =	vadd.s32 $0x927CC, v37;
	[tilespmem:$0xF40] =	vst v44  }
0x156: {  	v49 =	vld [tilespmem:$0x1B0];
	v48 =	vadd.s32 $0x927CC, v39;
	[tilespmem:$0xF50] =	vst v46  }
0x157: {  	v51 =	vld [tilespmem:$0x1C0];
	v50 =	vadd.s32 $0x927CC, v41;
	[tilespmem:$0xF60] =	vst v48  }
0x158: {  	v53 =	vld [tilespmem:$0x1D0];
	v52 =	vadd.s32 $0x927CC, v43;
	[tilespmem:$0xF70] =	vst v50  }
0x159: {  	v55 =	vld [tilespmem:$0x1E0];
	v54 =	vadd.s32 $0x927CC, v45;
	[tilespmem:$0xF80] =	vst v52  }
0x15a: {  	v56 =	vadd.s32 $0x927CC, v47;
	v57 =	vld [tilespmem:$0x1F0];
	[tilespmem:$0xF90] =	vst v54  }
0x15b: {  	v58 =	vadd.s32 $0x927CC, v49;
	[tilespmem:$0xFA0] =	vst v56  }
0x15c: {  	v59 =	vadd.s32 $0x927CC, v51;
	[tilespmem:$0xFB0] =	vst v58  }
0x15d: {  	v60 =	vadd.s32 $0x927CC, v53;
	[tilespmem:$0xFC0] =	vst v59  }
0x15e: {  	v61 =	vadd.s32 $0x927CC, v55;
	[tilespmem:$0xFD0] =	vst v60  }
0x15f: {  	[tilespmem:$0xFE0] =	vst v61;
	v62 =	vadd.s32 $0x927CC, v57  }
0x160: {  	s12 =	rddreg [dreg:$0xa];
	[tilespmem:$0xFF0] =	vst v62  }
0x161: {  	[tilespmem:s22], [sflag:$0x1] =	stream.indirect.gather [hbm4b:s3+s14], $0x1, s12, s14, $0xb8;
	[tilespmem:$0x4200] =	vst v63  }
0x162: {  	v63 =	vld [tilespmem:$0x0]  }
0x163: {  	v8 =	vld [tilespmem:$0x10]  }
0x164: {  	v9 =	vld [tilespmem:$0x20]  }
0x165: {  	v10 =	vld [tilespmem:$0x30]  }
0x166: {  	v11 =	vld [tilespmem:$0x40]  }
0x167: {  	v12 =	vld [tilespmem:$0x50];
	v0 =	vadd.s32 $0xAAE6E, v63  }
0x168: {  	v14 =	vld [tilespmem:$0x60];
	v13 =	vadd.s32 $0xAAE6E, v8;
	[tilespmem:$0x1000] =	vst v0  }
0x169: {  	v16 =	vld [tilespmem:$0x70];
	v15 =	vadd.s32 $0xAAE6E, v9;
	[tilespmem:$0x1010] =	vst v13  }
0x16a: {  	v18 =	vld [tilespmem:$0x80];
	v17 =	vadd.s32 $0xAAE6E, v10;
	[tilespmem:$0x1020] =	vst v15  }
0x16b: {  	v20 =	vld [tilespmem:$0x90];
	v19 =	vadd.s32 $0xAAE6E, v11;
	[tilespmem:$0x1030] =	vst v17  }
0x16c: {  	v22 =	vld [tilespmem:$0xA0];
	v21 =	vadd.s32 $0xAAE6E, v12;
	[tilespmem:$0x1040] =	vst v19  }
0x16d: {  	v24 =	vld [tilespmem:$0xB0];
	v23 =	vadd.s32 $0xAAE6E, v14;
	[tilespmem:$0x1050] =	vst v21  }
0x16e: {  	v26 =	vld [tilespmem:$0xC0];
	v25 =	vadd.s32 $0xAAE6E, v16;
	[tilespmem:$0x1060] =	vst v23  }
0x16f: {  	v28 =	vld [tilespmem:$0xD0];
	v27 =	vadd.s32 $0xAAE6E, v18;
	[tilespmem:$0x1070] =	vst v25  }
0x170: {  	v30 =	vld [tilespmem:$0xE0];
	v29 =	vadd.s32 $0xAAE6E, v20;
	[tilespmem:$0x1080] =	vst v27  }
0x171: {  	v32 =	vld [tilespmem:$0xF0];
	v31 =	vadd.s32 $0xAAE6E, v22;
	[tilespmem:$0x1090] =	vst v29  }
0x172: {  	v34 =	vld [tilespmem:$0x100];
	v33 =	vadd.s32 $0xAAE6E, v24;
	[tilespmem:$0x10A0] =	vst v31  }
0x173: {  	v36 =	vld [tilespmem:$0x110];
	v35 =	vadd.s32 $0xAAE6E, v26;
	[tilespmem:$0x10B0] =	vst v33  }
0x174: {  	v38 =	vld [tilespmem:$0x120];
	v37 =	vadd.s32 $0xAAE6E, v28;
	[tilespmem:$0x10C0] =	vst v35  }
0x175: {  	v40 =	vld [tilespmem:$0x130];
	v39 =	vadd.s32 $0xAAE6E, v30;
	[tilespmem:$0x10D0] =	vst v37  }
0x176: {  	v42 =	vld [tilespmem:$0x140];
	v41 =	vadd.s32 $0xAAE6E, v32;
	[tilespmem:$0x10E0] =	vst v39  }
0x177: {  	v44 =	vld [tilespmem:$0x150];
	v43 =	vadd.s32 $0xAAE6E, v34;
	[tilespmem:$0x10F0] =	vst v41  }
0x178: {  	v46 =	vld [tilespmem:$0x160];
	v45 =	vadd.s32 $0xAAE6E, v36;
	[tilespmem:$0x1100] =	vst v43  }
0x179: {  	v48 =	vld [tilespmem:$0x170];
	v47 =	vadd.s32 $0xAAE6E, v38;
	[tilespmem:$0x1110] =	vst v45  }
0x17a: {  	v50 =	vld [tilespmem:$0x180];
	v49 =	vadd.s32 $0xAAE6E, v40;
	[tilespmem:$0x1120] =	vst v47  }
0x17b: {  	v52 =	vld [tilespmem:$0x190];
	v51 =	vadd.s32 $0xAAE6E, v42;
	[tilespmem:$0x1130] =	vst v49  }
0x17c: {  	v54 =	vld [tilespmem:$0x1A0];
	v53 =	vadd.s32 $0xAAE6E, v44;
	[tilespmem:$0x1140] =	vst v51  }
0x17d: {  	v56 =	vld [tilespmem:$0x1B0];
	v55 =	vadd.s32 $0xAAE6E, v46;
	[tilespmem:$0x1150] =	vst v53  }
0x17e: {  	v58 =	vld [tilespmem:$0x1C0];
	v57 =	vadd.s32 $0xAAE6E, v48;
	[tilespmem:$0x1160] =	vst v55  }
0x17f: {  	v60 =	vld [tilespmem:$0x1D0];
	v59 =	vadd.s32 $0xAAE6E, v50;
	[tilespmem:$0x1170] =	vst v57  }
0x180: {  	v62 =	vld [tilespmem:$0x1E0];
	v61 =	vadd.s32 $0xAAE6E, v52;
	[tilespmem:$0x1180] =	vst v59  }
0x181: {  	v6 =	vld [tilespmem:$0x1F0];
	v63 =	vadd.s32 $0xAAE6E, v54;
	[tilespmem:$0x1190] =	vst v61  }
0x182: {  	v7 =	vadd.s32 $0xAAE6E, v56;
	[tilespmem:$0x11A0] =	vst v63  }
0x183: {  	v8 =	vadd.s32 $0xAAE6E, v58;
	[tilespmem:$0x11B0] =	vst v7  }
0x184: {  	v9 =	vadd.s32 $0xAAE6E, v60;
	[tilespmem:$0x11C0] =	vst v8  }
0x185: {  	v10 =	vadd.s32 $0xAAE6E, v62;
	[tilespmem:$0x11D0] =	vst v9  }
0x186: {  	v11 =	vadd.s32 $0xAAE6E, v6;
	[tilespmem:$0x11E0] =	vst v10  }
0x187: {  	s12 =	rddreg [dreg:$0xb];
	[tilespmem:$0x11F0] =	vst v11  }
0x188: {  	[tilespmem:s23], [sflag:$0x1] =	stream.indirect.gather [hbm4b:s3+s14], $0x1, s12, s14, $0xb8;
	[tilespmem:$0x4200] =	vst v63  }
0x189: {  	v12 =	vld [tilespmem:$0x0]  }
0x18a: {  	v13 =	vld [tilespmem:$0x10]  }
0x18b: {  	v14 =	vld [tilespmem:$0x20]  }
0x18c: {  	v15 =	vld [tilespmem:$0x30]  }
0x18d: {  	v16 =	vld [tilespmem:$0x40]  }
0x18e: {  	v17 =	vld [tilespmem:$0x50];
	v0 =	vadd.s32 $0xC3510, v12  }
0x18f: {  	v19 =	vld [tilespmem:$0x60];
	v18 =	vadd.s32 $0xC3510, v13;
	[tilespmem:$0x1200] =	vst v0  }
0x190: {  	v21 =	vld [tilespmem:$0x70];
	v20 =	vadd.s32 $0xC3510, v14;
	[tilespmem:$0x1210] =	vst v18  }
0x191: {  	v23 =	vld [tilespmem:$0x80];
	v22 =	vadd.s32 $0xC3510, v15;
	[tilespmem:$0x1220] =	vst v20  }
0x192: {  	v25 =	vld [tilespmem:$0x90];
	v24 =	vadd.s32 $0xC3510, v16;
	[tilespmem:$0x1230] =	vst v22  }
0x193: {  	v27 =	vld [tilespmem:$0xA0];
	v26 =	vadd.s32 $0xC3510, v17;
	[tilespmem:$0x1240] =	vst v24  }
0x194: {  	v29 =	vld [tilespmem:$0xB0];
	v28 =	vadd.s32 $0xC3510, v19;
	[tilespmem:$0x1250] =	vst v26  }
0x195: {  	v31 =	vld [tilespmem:$0xC0];
	v30 =	vadd.s32 $0xC3510, v21;
	[tilespmem:$0x1260] =	vst v28  }
0x196: {  	v33 =	vld [tilespmem:$0xD0];
	v32 =	vadd.s32 $0xC3510, v23;
	[tilespmem:$0x1270] =	vst v30  }
0x197: {  	v35 =	vld [tilespmem:$0xE0];
	v34 =	vadd.s32 $0xC3510, v25;
	[tilespmem:$0x1280] =	vst v32  }
0x198: {  	v37 =	vld [tilespmem:$0xF0];
	v36 =	vadd.s32 $0xC3510, v27;
	[tilespmem:$0x1290] =	vst v34  }
0x199: {  	v39 =	vld [tilespmem:$0x100];
	v38 =	vadd.s32 $0xC3510, v29;
	[tilespmem:$0x12A0] =	vst v36  }
0x19a: {  	v41 =	vld [tilespmem:$0x110];
	v40 =	vadd.s32 $0xC3510, v31;
	[tilespmem:$0x12B0] =	vst v38  }
0x19b: {  	v43 =	vld [tilespmem:$0x120];
	v42 =	vadd.s32 $0xC3510, v33;
	[tilespmem:$0x12C0] =	vst v40  }
0x19c: {  	v45 =	vld [tilespmem:$0x130];
	v44 =	vadd.s32 $0xC3510, v35;
	[tilespmem:$0x12D0] =	vst v42  }
0x19d: {  	v47 =	vld [tilespmem:$0x140];
	v46 =	vadd.s32 $0xC3510, v37;
	[tilespmem:$0x12E0] =	vst v44  }
0x19e: {  	v49 =	vld [tilespmem:$0x150];
	v48 =	vadd.s32 $0xC3510, v39;
	[tilespmem:$0x12F0] =	vst v46  }
0x19f: {  	v51 =	vld [tilespmem:$0x160];
	v50 =	vadd.s32 $0xC3510, v41;
	[tilespmem:$0x1300] =	vst v48  }
0x1a0: {  	v53 =	vld [tilespmem:$0x170];
	v52 =	vadd.s32 $0xC3510, v43;
	[tilespmem:$0x1310] =	vst v50  }
0x1a1: {  	v55 =	vld [tilespmem:$0x180];
	v54 =	vadd.s32 $0xC3510, v45;
	[tilespmem:$0x1320] =	vst v52  }
0x1a2: {  	v57 =	vld [tilespmem:$0x190];
	v56 =	vadd.s32 $0xC3510, v47;
	[tilespmem:$0x1330] =	vst v54  }
0x1a3: {  	v59 =	vld [tilespmem:$0x1A0];
	v58 =	vadd.s32 $0xC3510, v49;
	[tilespmem:$0x1340] =	vst v56  }
0x1a4: {  	v61 =	vld [tilespmem:$0x1B0];
	v60 =	vadd.s32 $0xC3510, v51;
	[tilespmem:$0x1350] =	vst v58  }
0x1a5: {  	v63 =	vld [tilespmem:$0x1C0];
	v62 =	vadd.s32 $0xC3510, v53;
	[tilespmem:$0x1360] =	vst v60  }
0x1a6: {  	v9 =	vld [tilespmem:$0x1D0];
	v8 =	vadd.s32 $0xC3510, v55;
	[tilespmem:$0x1370] =	vst v62  }
0x1a7: {  	v11 =	vld [tilespmem:$0x1E0];
	v10 =	vadd.s32 $0xC3510, v57;
	[tilespmem:$0x1380] =	vst v8  }
0x1a8: {  	v12 =	vadd.s32 $0xC3510, v59;
	v13 =	vld [tilespmem:$0x1F0];
	[tilespmem:$0x1390] =	vst v10  }
0x1a9: {  	v14 =	vadd.s32 $0xC3510, v61;
	[tilespmem:$0x13A0] =	vst v12  }
0x1aa: {  	v15 =	vadd.s32 $0xC3510, v63;
	[tilespmem:$0x13B0] =	vst v14  }
0x1ab: {  	v16 =	vadd.s32 $0xC3510, v9;
	[tilespmem:$0x13C0] =	vst v15  }
0x1ac: {  	v17 =	vadd.s32 $0xC3510, v11;
	[tilespmem:$0x13D0] =	vst v16  }
0x1ad: {  	[tilespmem:$0x13E0] =	vst v17;
	v18 =	vadd.s32 $0xC3510, v13  }
0x1ae: {  	s12 =	rddreg [dreg:$0xc];
	[tilespmem:$0x13F0] =	vst v18  }
0x1af: {  	[tilespmem:s24], [sflag:$0x2] =	stream.indirect.gather [hbm4b:s3+s14], $0x1, s12, s14, $0xb8;
	[tilespmem:$0x4200] =	vst v63  }
0x1b0: {  	v19 =	vld [tilespmem:$0x0]  }
0x1b1: {  	v20 =	vld [tilespmem:$0x10]  }
0x1b2: {  	v21 =	vld [tilespmem:$0x20]  }
0x1b3: {  	v22 =	vld [tilespmem:$0x30]  }
0x1b4: {  	v23 =	vld [tilespmem:$0x40]  }
0x1b5: {  	v24 =	vld [tilespmem:$0x50];
	v0 =	vadd.s32 $0xDBBB2, v19  }
0x1b6: {  	v26 =	vld [tilespmem:$0x60];
	v25 =	vadd.s32 $0xDBBB2, v20;
	[tilespmem:$0x1400] =	vst v0  }
0x1b7: {  	v28 =	vld [tilespmem:$0x70];
	v27 =	vadd.s32 $0xDBBB2, v21;
	[tilespmem:$0x1410] =	vst v25  }
0x1b8: {  	v30 =	vld [tilespmem:$0x80];
	v29 =	vadd.s32 $0xDBBB2, v22;
	[tilespmem:$0x1420] =	vst v27  }
0x1b9: {  	v32 =	vld [tilespmem:$0x90];
	v31 =	vadd.s32 $0xDBBB2, v23;
	[tilespmem:$0x1430] =	vst v29  }
0x1ba: {  	v34 =	vld [tilespmem:$0xA0];
	v33 =	vadd.s32 $0xDBBB2, v24;
	[tilespmem:$0x1440] =	vst v31  }
0x1bb: {  	v36 =	vld [tilespmem:$0xB0];
	v35 =	vadd.s32 $0xDBBB2, v26;
	[tilespmem:$0x1450] =	vst v33  }
0x1bc: {  	v38 =	vld [tilespmem:$0xC0];
	v37 =	vadd.s32 $0xDBBB2, v28;
	[tilespmem:$0x1460] =	vst v35  }
0x1bd: {  	v40 =	vld [tilespmem:$0xD0];
	v39 =	vadd.s32 $0xDBBB2, v30;
	[tilespmem:$0x1470] =	vst v37  }
0x1be: {  	v42 =	vld [tilespmem:$0xE0];
	v41 =	vadd.s32 $0xDBBB2, v32;
	[tilespmem:$0x1480] =	vst v39  }
0x1bf: {  	v44 =	vld [tilespmem:$0xF0];
	v43 =	vadd.s32 $0xDBBB2, v34;
	[tilespmem:$0x1490] =	vst v41  }
0x1c0: {  	v46 =	vld [tilespmem:$0x100];
	v45 =	vadd.s32 $0xDBBB2, v36;
	[tilespmem:$0x14A0] =	vst v43  }
0x1c1: {  	v48 =	vld [tilespmem:$0x110];
	v47 =	vadd.s32 $0xDBBB2, v38;
	[tilespmem:$0x14B0] =	vst v45  }
0x1c2: {  	v50 =	vld [tilespmem:$0x120];
	v49 =	vadd.s32 $0xDBBB2, v40;
	[tilespmem:$0x14C0] =	vst v47  }
0x1c3: {  	v52 =	vld [tilespmem:$0x130];
	v51 =	vadd.s32 $0xDBBB2, v42;
	[tilespmem:$0x14D0] =	vst v49  }
0x1c4: {  	v54 =	vld [tilespmem:$0x140];
	v53 =	vadd.s32 $0xDBBB2, v44;
	[tilespmem:$0x14E0] =	vst v51  }
0x1c5: {  	v56 =	vld [tilespmem:$0x150];
	v55 =	vadd.s32 $0xDBBB2, v46;
	[tilespmem:$0x14F0] =	vst v53  }
0x1c6: {  	v58 =	vld [tilespmem:$0x160];
	v57 =	vadd.s32 $0xDBBB2, v48;
	[tilespmem:$0x1500] =	vst v55  }
0x1c7: {  	v60 =	vld [tilespmem:$0x170];
	v59 =	vadd.s32 $0xDBBB2, v50;
	[tilespmem:$0x1510] =	vst v57  }
0x1c8: {  	v62 =	vld [tilespmem:$0x180];
	v61 =	vadd.s32 $0xDBBB2, v52;
	[tilespmem:$0x1520] =	vst v59  }
0x1c9: {  	v8 =	vld [tilespmem:$0x190];
	v63 =	vadd.s32 $0xDBBB2, v54;
	[tilespmem:$0x1530] =	vst v61  }
0x1ca: {  	v10 =	vld [tilespmem:$0x1A0];
	v9 =	vadd.s32 $0xDBBB2, v56;
	[tilespmem:$0x1540] =	vst v63  }
0x1cb: {  	v12 =	vld [tilespmem:$0x1B0];
	v11 =	vadd.s32 $0xDBBB2, v58;
	[tilespmem:$0x1550] =	vst v9  }
0x1cc: {  	v14 =	vld [tilespmem:$0x1C0];
	v13 =	vadd.s32 $0xDBBB2, v60;
	[tilespmem:$0x1560] =	vst v11  }
0x1cd: {  	v16 =	vld [tilespmem:$0x1D0];
	v15 =	vadd.s32 $0xDBBB2, v62;
	[tilespmem:$0x1570] =	vst v13  }
0x1ce: {  	v18 =	vld [tilespmem:$0x1E0];
	v17 =	vadd.s32 $0xDBBB2, v8;
	[tilespmem:$0x1580] =	vst v15  }
0x1cf: {  	v19 =	vadd.s32 $0xDBBB2, v10;
	v20 =	vld [tilespmem:$0x1F0];
	[tilespmem:$0x1590] =	vst v17  }
0x1d0: {  	v21 =	vadd.s32 $0xDBBB2, v12;
	[tilespmem:$0x15A0] =	vst v19  }
0x1d1: {  	v22 =	vadd.s32 $0xDBBB2, v14;
	[tilespmem:$0x15B0] =	vst v21  }
0x1d2: {  	v23 =	vadd.s32 $0xDBBB2, v16;
	[tilespmem:$0x15C0] =	vst v22  }
0x1d3: {  	v24 =	vadd.s32 $0xDBBB2, v18;
	[tilespmem:$0x15D0] =	vst v23  }
0x1d4: {  	[tilespmem:$0x15E0] =	vst v24;
	v25 =	vadd.s32 $0xDBBB2, v20  }
0x1d5: {  	s12 =	rddreg [dreg:$0xd];
	[tilespmem:$0x15F0] =	vst v25  }
0x1d6: {  	[tilespmem:s25], [sflag:$0x2] =	stream.indirect.gather [hbm4b:s3+s14], $0x1, s12, s14, $0xb8;
	[tilespmem:$0x4200] =	vst v63  }
0x1d7: {  	v26 =	vld [tilespmem:$0x0]  }
0x1d8: {  	v27 =	vld [tilespmem:$0x10]  }
0x1d9: {  	v28 =	vld [tilespmem:$0x20]  }
0x1da: {  	v29 =	vld [tilespmem:$0x30]  }
0x1db: {  	v30 =	vld [tilespmem:$0x40]  }
0x1dc: {  	v31 =	vld [tilespmem:$0x50];
	v0 =	vadd.s32 $0xF4254, v26  }
0x1dd: {  	v33 =	vld [tilespmem:$0x60];
	v32 =	vadd.s32 $0xF4254, v27;
	[tilespmem:$0x1600] =	vst v0  }
0x1de: {  	v35 =	vld [tilespmem:$0x70];
	v34 =	vadd.s32 $0xF4254, v28;
	[tilespmem:$0x1610] =	vst v32  }
0x1df: {  	v37 =	vld [tilespmem:$0x80];
	v36 =	vadd.s32 $0xF4254, v29;
	[tilespmem:$0x1620] =	vst v34  }
0x1e0: {  	v39 =	vld [tilespmem:$0x90];
	v38 =	vadd.s32 $0xF4254, v30;
	[tilespmem:$0x1630] =	vst v36  }
0x1e1: {  	v41 =	vld [tilespmem:$0xA0];
	v40 =	vadd.s32 $0xF4254, v31;
	[tilespmem:$0x1640] =	vst v38  }
0x1e2: {  	v43 =	vld [tilespmem:$0xB0];
	v42 =	vadd.s32 $0xF4254, v33;
	[tilespmem:$0x1650] =	vst v40  }
0x1e3: {  	v45 =	vld [tilespmem:$0xC0];
	v44 =	vadd.s32 $0xF4254, v35;
	[tilespmem:$0x1660] =	vst v42  }
0x1e4: {  	v47 =	vld [tilespmem:$0xD0];
	v46 =	vadd.s32 $0xF4254, v37;
	[tilespmem:$0x1670] =	vst v44  }
0x1e5: {  	v49 =	vld [tilespmem:$0xE0];
	v48 =	vadd.s32 $0xF4254, v39;
	[tilespmem:$0x1680] =	vst v46  }
0x1e6: {  	v51 =	vld [tilespmem:$0xF0];
	v50 =	vadd.s32 $0xF4254, v41;
	[tilespmem:$0x1690] =	vst v48  }
0x1e7: {  	v53 =	vld [tilespmem:$0x100];
	v52 =	vadd.s32 $0xF4254, v43;
	[tilespmem:$0x16A0] =	vst v50  }
0x1e8: {  	v55 =	vld [tilespmem:$0x110];
	v54 =	vadd.s32 $0xF4254, v45;
	[tilespmem:$0x16B0] =	vst v52  }
0x1e9: {  	v57 =	vld [tilespmem:$0x120];
	v56 =	vadd.s32 $0xF4254, v47;
	[tilespmem:$0x16C0] =	vst v54  }
0x1ea: {  	v59 =	vld [tilespmem:$0x130];
	v58 =	vadd.s32 $0xF4254, v49;
	[tilespmem:$0x16D0] =	vst v56  }
0x1eb: {  	v61 =	vld [tilespmem:$0x140];
	v60 =	vadd.s32 $0xF4254, v51;
	[tilespmem:$0x16E0] =	vst v58  }
0x1ec: {  	v63 =	vld [tilespmem:$0x150];
	v62 =	vadd.s32 $0xF4254, v53;
	[tilespmem:$0x16F0] =	vst v60  }
0x1ed: {  	v9 =	vld [tilespmem:$0x160];
	v8 =	vadd.s32 $0xF4254, v55;
	[tilespmem:$0x1700] =	vst v62  }
0x1ee: {  	v11 =	vld [tilespmem:$0x170];
	v10 =	vadd.s32 $0xF4254, v57;
	[tilespmem:$0x1710] =	vst v8  }
0x1ef: {  	v13 =	vld [tilespmem:$0x180];
	v12 =	vadd.s32 $0xF4254, v59;
	[tilespmem:$0x1720] =	vst v10  }
0x1f0: {  	v15 =	vld [tilespmem:$0x190];
	v14 =	vadd.s32 $0xF4254, v61;
	[tilespmem:$0x1730] =	vst v12  }
0x1f1: {  	v17 =	vld [tilespmem:$0x1A0];
	v16 =	vadd.s32 $0xF4254, v63;
	[tilespmem:$0x1740] =	vst v14  }
0x1f2: {  	v19 =	vld [tilespmem:$0x1B0];
	v18 =	vadd.s32 $0xF4254, v9;
	[tilespmem:$0x1750] =	vst v16  }
0x1f3: {  	v20 =	vadd.s32 $0xF4254, v11;
	[tilespmem:$0x1760] =	vst v18  }
0x1f4: {  	v21 =	vadd.s32 $0xF4254, v13;
	[tilespmem:$0x1770] =	vst v20  }
0x1f5: {  	v22 =	vadd.s32 $0xF4254, v15;
	[tilespmem:$0x1780] =	vst v21  }
0x1f6: {  	v23 =	vadd.s32 $0xF4254, v17;
	[tilespmem:$0x1790] =	vst v22  }
0x1f7: {  	v24 =	vadd.s32 $0xF4254, v19;
	[tilespmem:$0x17A0] =	vst v23  }
0x1f8: {  	[tilespmem:$0x17B0] =	vst v24  }
0x1f9: {  	v0 =	vld [tilespmem:$0x1C0]  }
0x1fa: {  	v25 =	vld [tilespmem:$0x1D0]  }
0x1fb: {  	v26 =	vld [tilespmem:$0x1E0]  }
0x1fc: {  	v27 =	vld [tilespmem:$0x1F0];
	_ =	sdelay $0x1  }
0x1fd: {  	v0 =	vadd.s32 $0xF4254, v0  }
0x1fe: {  	v28 =	vadd.s32 $0xF4254, v25;
	[tilespmem:$0x17C0] =	vst v0  }
0x1ff: {  	v29 =	vadd.s32 $0xF4254, v26;
	[tilespmem:$0x17D0] =	vst v28  }
0x200: {  	v30 =	vadd.s32 $0xF4254, v27;
	[tilespmem:$0x17E0] =	vst v29  }
0x201: {  	s12 =	rddreg [dreg:$0xe];
	[tilespmem:$0x17F0] =	vst v30  }
0x202: {  	[tilespmem:s26], [sflag:$0x2] =	stream.indirect.gather [hbm4b:s3+s14], $0x1, s12, s14, $0xb8;
	[tilespmem:$0x4200] =	vst v63  }
0x203: {  	v31 =	vld [tilespmem:$0x0]  }
0x204: {  	v32 =	vld [tilespmem:$0x10]  }
0x205: {  	v33 =	vld [tilespmem:$0x20]  }
0x206: {  	v34 =	vld [tilespmem:$0x30]  }
0x207: {  	v35 =	vld [tilespmem:$0x40]  }
0x208: {  	v36 =	vld [tilespmem:$0x50];
	v0 =	vadd.s32 $0x10C8F6, v31  }
0x209: {  	v38 =	vld [tilespmem:$0x60];
	v37 =	vadd.s32 $0x10C8F6, v32;
	[tilespmem:$0x1800] =	vst v0  }
0x20a: {  	v40 =	vld [tilespmem:$0x70];
	v39 =	vadd.s32 $0x10C8F6, v33;
	[tilespmem:$0x1810] =	vst v37  }
0x20b: {  	v42 =	vld [tilespmem:$0x80];
	v41 =	vadd.s32 $0x10C8F6, v34;
	[tilespmem:$0x1820] =	vst v39  }
0x20c: {  	v44 =	vld [tilespmem:$0x90];
	v43 =	vadd.s32 $0x10C8F6, v35;
	[tilespmem:$0x1830] =	vst v41  }
0x20d: {  	v46 =	vld [tilespmem:$0xA0];
	v45 =	vadd.s32 $0x10C8F6, v36;
	[tilespmem:$0x1840] =	vst v43  }
0x20e: {  	v48 =	vld [tilespmem:$0xB0];
	v47 =	vadd.s32 $0x10C8F6, v38;
	[tilespmem:$0x1850] =	vst v45  }
0x20f: {  	v50 =	vld [tilespmem:$0xC0];
	v49 =	vadd.s32 $0x10C8F6, v40;
	[tilespmem:$0x1860] =	vst v47  }
0x210: {  	v52 =	vld [tilespmem:$0xD0];
	v51 =	vadd.s32 $0x10C8F6, v42;
	[tilespmem:$0x1870] =	vst v49  }
0x211: {  	v54 =	vld [tilespmem:$0xE0];
	v53 =	vadd.s32 $0x10C8F6, v44;
	[tilespmem:$0x1880] =	vst v51  }
0x212: {  	v56 =	vld [tilespmem:$0xF0];
	v55 =	vadd.s32 $0x10C8F6, v46;
	[tilespmem:$0x1890] =	vst v53  }
0x213: {  	v58 =	vld [tilespmem:$0x100];
	v57 =	vadd.s32 $0x10C8F6, v48;
	[tilespmem:$0x18A0] =	vst v55  }
0x214: {  	v60 =	vld [tilespmem:$0x110];
	v59 =	vadd.s32 $0x10C8F6, v50;
	[tilespmem:$0x18B0] =	vst v57  }
0x215: {  	v62 =	vld [tilespmem:$0x120];
	v61 =	vadd.s32 $0x10C8F6, v52;
	[tilespmem:$0x18C0] =	vst v59  }
0x216: {  	v8 =	vld [tilespmem:$0x130];
	v63 =	vadd.s32 $0x10C8F6, v54;
	[tilespmem:$0x18D0] =	vst v61  }
0x217: {  	v10 =	vld [tilespmem:$0x140];
	v9 =	vadd.s32 $0x10C8F6, v56;
	[tilespmem:$0x18E0] =	vst v63  }
0x218: {  	v12 =	vld [tilespmem:$0x150];
	v11 =	vadd.s32 $0x10C8F6, v58;
	[tilespmem:$0x18F0] =	vst v9  }
0x219: {  	v14 =	vld [tilespmem:$0x160];
	v13 =	vadd.s32 $0x10C8F6, v60;
	[tilespmem:$0x1900] =	vst v11  }
0x21a: {  	v16 =	vld [tilespmem:$0x170];
	v15 =	vadd.s32 $0x10C8F6, v62;
	[tilespmem:$0x1910] =	vst v13  }
0x21b: {  	v18 =	vld [tilespmem:$0x180];
	v17 =	vadd.s32 $0x10C8F6, v8;
	[tilespmem:$0x1920] =	vst v15  }
0x21c: {  	v20 =	vld [tilespmem:$0x190];
	v19 =	vadd.s32 $0x10C8F6, v10;
	[tilespmem:$0x1930] =	vst v17  }
0x21d: {  	v22 =	vld [tilespmem:$0x1A0];
	v21 =	vadd.s32 $0x10C8F6, v12;
	[tilespmem:$0x1940] =	vst v19  }
0x21e: {  	v24 =	vld [tilespmem:$0x1B0];
	v23 =	vadd.s32 $0x10C8F6, v14;
	[tilespmem:$0x1950] =	vst v21  }
0x21f: {  	v26 =	vld [tilespmem:$0x1C0];
	v25 =	vadd.s32 $0x10C8F6, v16;
	[tilespmem:$0x1960] =	vst v23  }
0x220: {  	v28 =	vld [tilespmem:$0x1D0];
	v27 =	vadd.s32 $0x10C8F6, v18;
	[tilespmem:$0x1970] =	vst v25  }
0x221: {  	v30 =	vld [tilespmem:$0x1E0];
	v29 =	vadd.s32 $0x10C8F6, v20;
	[tilespmem:$0x1980] =	vst v27  }
0x222: {  	v31 =	vadd.s32 $0x10C8F6, v22;
	v32 =	vld [tilespmem:$0x1F0];
	[tilespmem:$0x1990] =	vst v29  }
0x223: {  	v33 =	vadd.s32 $0x10C8F6, v24;
	[tilespmem:$0x19A0] =	vst v31  }
0x224: {  	v34 =	vadd.s32 $0x10C8F6, v26;
	[tilespmem:$0x19B0] =	vst v33  }
0x225: {  	v35 =	vadd.s32 $0x10C8F6, v28;
	[tilespmem:$0x19C0] =	vst v34  }
0x226: {  	v36 =	vadd.s32 $0x10C8F6, v30;
	[tilespmem:$0x19D0] =	vst v35  }
0x227: {  	[tilespmem:$0x19E0] =	vst v36;
	v37 =	vadd.s32 $0x10C8F6, v32  }
0x228: {  	s12 =	rddreg [dreg:$0xf];
	[tilespmem:$0x19F0] =	vst v37  }
0x229: {  	[tilespmem:s28], [sflag:$0x2] =	stream.indirect.gather [hbm4b:s3+s14], $0x1, s12, s14, $0xb8;
	[tilespmem:$0x4200] =	vst v63  }
0x22a: {  	v38 =	vld [tilespmem:$0x0]  }
0x22b: {  	v39 =	vld [tilespmem:$0x10]  }
0x22c: {  	v40 =	vld [tilespmem:$0x20]  }
0x22d: {  	v41 =	vld [tilespmem:$0x30]  }
0x22e: {  	v42 =	vld [tilespmem:$0x40]  }
0x22f: {  	v43 =	vld [tilespmem:$0x50];
	v0 =	vadd.s32 $0x124F98, v38  }
0x230: {  	v45 =	vld [tilespmem:$0x60];
	v44 =	vadd.s32 $0x124F98, v39;
	[tilespmem:$0x1A00] =	vst v0  }
0x231: {  	v47 =	vld [tilespmem:$0x70];
	v46 =	vadd.s32 $0x124F98, v40;
	[tilespmem:$0x1A10] =	vst v44  }
0x232: {  	v49 =	vld [tilespmem:$0x80];
	v48 =	vadd.s32 $0x124F98, v41;
	[tilespmem:$0x1A20] =	vst v46  }
0x233: {  	v51 =	vld [tilespmem:$0x90];
	v50 =	vadd.s32 $0x124F98, v42;
	[tilespmem:$0x1A30] =	vst v48  }
0x234: {  	v53 =	vld [tilespmem:$0xA0];
	v52 =	vadd.s32 $0x124F98, v43;
	[tilespmem:$0x1A40] =	vst v50  }
0x235: {  	v55 =	vld [tilespmem:$0xB0];
	v54 =	vadd.s32 $0x124F98, v45;
	[tilespmem:$0x1A50] =	vst v52  }
0x236: {  	v57 =	vld [tilespmem:$0xC0];
	v56 =	vadd.s32 $0x124F98, v47;
	[tilespmem:$0x1A60] =	vst v54  }
0x237: {  	v59 =	vld [tilespmem:$0xD0];
	v58 =	vadd.s32 $0x124F98, v49;
	[tilespmem:$0x1A70] =	vst v56  }
0x238: {  	v61 =	vld [tilespmem:$0xE0];
	v60 =	vadd.s32 $0x124F98, v51;
	[tilespmem:$0x1A80] =	vst v58  }
0x239: {  	v63 =	vld [tilespmem:$0xF0];
	v62 =	vadd.s32 $0x124F98, v53;
	[tilespmem:$0x1A90] =	vst v60  }
0x23a: {  	v8 =	vld [tilespmem:$0x100];
	v7 =	vadd.s32 $0x124F98, v55;
	[tilespmem:$0x1AA0] =	vst v62  }
0x23b: {  	v10 =	vld [tilespmem:$0x110];
	v9 =	vadd.s32 $0x124F98, v57;
	[tilespmem:$0x1AB0] =	vst v7  }
0x23c: {  	v12 =	vld [tilespmem:$0x120];
	v11 =	vadd.s32 $0x124F98, v59;
	[tilespmem:$0x1AC0] =	vst v9  }
0x23d: {  	v14 =	vld [tilespmem:$0x130];
	v13 =	vadd.s32 $0x124F98, v61;
	[tilespmem:$0x1AD0] =	vst v11  }
0x23e: {  	v16 =	vld [tilespmem:$0x140];
	v15 =	vadd.s32 $0x124F98, v63;
	[tilespmem:$0x1AE0] =	vst v13  }
0x23f: {  	v18 =	vld [tilespmem:$0x150];
	v17 =	vadd.s32 $0x124F98, v8;
	[tilespmem:$0x1AF0] =	vst v15  }
0x240: {  	v20 =	vld [tilespmem:$0x160];
	v19 =	vadd.s32 $0x124F98, v10;
	[tilespmem:$0x1B00] =	vst v17  }
0x241: {  	v22 =	vld [tilespmem:$0x170];
	v21 =	vadd.s32 $0x124F98, v12;
	[tilespmem:$0x1B10] =	vst v19  }
0x242: {  	v24 =	vld [tilespmem:$0x180];
	v23 =	vadd.s32 $0x124F98, v14;
	[tilespmem:$0x1B20] =	vst v21  }
0x243: {  	v26 =	vld [tilespmem:$0x190];
	v25 =	vadd.s32 $0x124F98, v16;
	[tilespmem:$0x1B30] =	vst v23  }
0x244: {  	v28 =	vld [tilespmem:$0x1A0];
	v27 =	vadd.s32 $0x124F98, v18;
	[tilespmem:$0x1B40] =	vst v25  }
0x245: {  	v30 =	vld [tilespmem:$0x1B0];
	v29 =	vadd.s32 $0x124F98, v20;
	[tilespmem:$0x1B50] =	vst v27  }
0x246: {  	v32 =	vld [tilespmem:$0x1C0];
	v31 =	vadd.s32 $0x124F98, v22;
	[tilespmem:$0x1B60] =	vst v29  }
0x247: {  	v34 =	vld [tilespmem:$0x1D0];
	v33 =	vadd.s32 $0x124F98, v24;
	[tilespmem:$0x1B70] =	vst v31  }
0x248: {  	v36 =	vld [tilespmem:$0x1E0];
	v35 =	vadd.s32 $0x124F98, v26;
	[tilespmem:$0x1B80] =	vst v33  }
0x249: {  	v37 =	vadd.s32 $0x124F98, v28;
	v38 =	vld [tilespmem:$0x1F0];
	[tilespmem:$0x1B90] =	vst v35  }
0x24a: {  	v39 =	vadd.s32 $0x124F98, v30;
	[tilespmem:$0x1BA0] =	vst v37  }
0x24b: {  	v40 =	vadd.s32 $0x124F98, v32;
	[tilespmem:$0x1BB0] =	vst v39  }
0x24c: {  	v41 =	vadd.s32 $0x124F98, v34;
	[tilespmem:$0x1BC0] =	vst v40  }
0x24d: {  	v42 =	vadd.s32 $0x124F98, v36;
	[tilespmem:$0x1BD0] =	vst v41  }
0x24e: {  	[tilespmem:$0x1BE0] =	vst v42;
	v43 =	vadd.s32 $0x124F98, v38  }
0x24f: {  	s12 =	rddreg [dreg:$0x10];
	[tilespmem:$0x1BF0] =	vst v43  }
0x250: {  	[tilespmem:s29], [sflag:$0x2] =	stream.indirect.gather [hbm4b:s3+s14], $0x1, s12, s14, $0xb8;
	[tilespmem:$0x4200] =	vst v63  }
0x251: {  	v44 =	vld [tilespmem:$0x0]  }
0x252: {  	v45 =	vld [tilespmem:$0x10]  }
0x253: {  	v46 =	vld [tilespmem:$0x20]  }
0x254: {  	v47 =	vld [tilespmem:$0x30]  }
0x255: {  	v48 =	vld [tilespmem:$0x40]  }
0x256: {  	v49 =	vld [tilespmem:$0x50];
	v0 =	vadd.s32 $0x13D63A, v44  }
0x257: {  	v51 =	vld [tilespmem:$0x60];
	v50 =	vadd.s32 $0x13D63A, v45;
	[tilespmem:$0x1C00] =	vst v0  }
0x258: {  	v53 =	vld [tilespmem:$0x70];
	v52 =	vadd.s32 $0x13D63A, v46;
	[tilespmem:$0x1C10] =	vst v50  }
0x259: {  	v55 =	vld [tilespmem:$0x80];
	v54 =	vadd.s32 $0x13D63A, v47;
	[tilespmem:$0x1C20] =	vst v52  }
0x25a: {  	v57 =	vld [tilespmem:$0x90];
	v56 =	vadd.s32 $0x13D63A, v48;
	[tilespmem:$0x1C30] =	vst v54  }
0x25b: {  	v59 =	vld [tilespmem:$0xA0];
	v58 =	vadd.s32 $0x13D63A, v49;
	[tilespmem:$0x1C40] =	vst v56  }
0x25c: {  	v61 =	vld [tilespmem:$0xB0];
	v60 =	vadd.s32 $0x13D63A, v51;
	[tilespmem:$0x1C50] =	vst v58  }
0x25d: {  	v63 =	vld [tilespmem:$0xC0];
	v62 =	vadd.s32 $0x13D63A, v53;
	[tilespmem:$0x1C60] =	vst v60  }
0x25e: {  	v9 =	vld [tilespmem:$0xD0];
	v8 =	vadd.s32 $0x13D63A, v55;
	[tilespmem:$0x1C70] =	vst v62  }
0x25f: {  	v11 =	vld [tilespmem:$0xE0];
	v10 =	vadd.s32 $0x13D63A, v57;
	[tilespmem:$0x1C80] =	vst v8  }
0x260: {  	v13 =	vld [tilespmem:$0xF0];
	v12 =	vadd.s32 $0x13D63A, v59;
	[tilespmem:$0x1C90] =	vst v10  }
0x261: {  	v15 =	vld [tilespmem:$0x100];
	v14 =	vadd.s32 $0x13D63A, v61;
	[tilespmem:$0x1CA0] =	vst v12  }
0x262: {  	v17 =	vld [tilespmem:$0x110];
	v16 =	vadd.s32 $0x13D63A, v63;
	[tilespmem:$0x1CB0] =	vst v14  }
0x263: {  	v19 =	vld [tilespmem:$0x120];
	v18 =	vadd.s32 $0x13D63A, v9;
	[tilespmem:$0x1CC0] =	vst v16  }
0x264: {  	v21 =	vld [tilespmem:$0x130];
	v20 =	vadd.s32 $0x13D63A, v11;
	[tilespmem:$0x1CD0] =	vst v18  }
0x265: {  	v23 =	vld [tilespmem:$0x140];
	v22 =	vadd.s32 $0x13D63A, v13;
	[tilespmem:$0x1CE0] =	vst v20  }
0x266: {  	v25 =	vld [tilespmem:$0x150];
	v24 =	vadd.s32 $0x13D63A, v15;
	[tilespmem:$0x1CF0] =	vst v22  }
0x267: {  	v27 =	vld [tilespmem:$0x160];
	v26 =	vadd.s32 $0x13D63A, v17;
	[tilespmem:$0x1D00] =	vst v24  }
0x268: {  	v29 =	vld [tilespmem:$0x170];
	v28 =	vadd.s32 $0x13D63A, v19;
	[tilespmem:$0x1D10] =	vst v26  }
0x269: {  	v31 =	vld [tilespmem:$0x180];
	v30 =	vadd.s32 $0x13D63A, v21;
	[tilespmem:$0x1D20] =	vst v28  }
0x26a: {  	v33 =	vld [tilespmem:$0x190];
	v32 =	vadd.s32 $0x13D63A, v23;
	[tilespmem:$0x1D30] =	vst v30  }
0x26b: {  	v35 =	vld [tilespmem:$0x1A0];
	v34 =	vadd.s32 $0x13D63A, v25;
	[tilespmem:$0x1D40] =	vst v32  }
0x26c: {  	v37 =	vld [tilespmem:$0x1B0];
	v36 =	vadd.s32 $0x13D63A, v27;
	[tilespmem:$0x1D50] =	vst v34  }
0x26d: {  	v39 =	vld [tilespmem:$0x1C0];
	v38 =	vadd.s32 $0x13D63A, v29;
	[tilespmem:$0x1D60] =	vst v36  }
0x26e: {  	v41 =	vld [tilespmem:$0x1D0];
	v40 =	vadd.s32 $0x13D63A, v31;
	[tilespmem:$0x1D70] =	vst v38  }
0x26f: {  	v43 =	vld [tilespmem:$0x1E0];
	v42 =	vadd.s32 $0x13D63A, v33;
	[tilespmem:$0x1D80] =	vst v40  }
0x270: {  	v44 =	vadd.s32 $0x13D63A, v35;
	v45 =	vld [tilespmem:$0x1F0];
	[tilespmem:$0x1D90] =	vst v42  }
0x271: {  	v46 =	vadd.s32 $0x13D63A, v37;
	[tilespmem:$0x1DA0] =	vst v44  }
0x272: {  	v47 =	vadd.s32 $0x13D63A, v39;
	[tilespmem:$0x1DB0] =	vst v46  }
0x273: {  	v48 =	vadd.s32 $0x13D63A, v41;
	[tilespmem:$0x1DC0] =	vst v47  }
0x274: {  	v49 =	vadd.s32 $0x13D63A, v43;
	[tilespmem:$0x1DD0] =	vst v48  }
0x275: {  	[tilespmem:$0x1DE0] =	vst v49;
	v50 =	vadd.s32 $0x13D63A, v45  }
0x276: {  	s12 =	rddreg [dreg:$0x11];
	[tilespmem:$0x1DF0] =	vst v50  }
0x277: {  	[tilespmem:s30], [sflag:$0x2] =	stream.indirect.gather [hbm4b:s3+s14], $0x1, s12, s14, $0xb8;
	[tilespmem:$0x4200] =	vst v63  }
0x278: {  	v51 =	vld [tilespmem:$0x0]  }
0x279: {  	v52 =	vld [tilespmem:$0x10]  }
0x27a: {  	v53 =	vld [tilespmem:$0x20]  }
0x27b: {  	v54 =	vld [tilespmem:$0x30]  }
0x27c: {  	v55 =	vld [tilespmem:$0x40]  }
0x27d: {  	v56 =	vld [tilespmem:$0x50];
	v0 =	vadd.s32 $0x155CDC, v51  }
0x27e: {  	v58 =	vld [tilespmem:$0x60];
	v57 =	vadd.s32 $0x155CDC, v52;
	[tilespmem:$0x1E00] =	vst v0  }
0x27f: {  	v60 =	vld [tilespmem:$0x70];
	v59 =	vadd.s32 $0x155CDC, v53;
	[tilespmem:$0x1E10] =	vst v57  }
0x280: {  	v62 =	vld [tilespmem:$0x80];
	v61 =	vadd.s32 $0x155CDC, v54;
	[tilespmem:$0x1E20] =	vst v59  }
0x281: {  	v8 =	vld [tilespmem:$0x90];
	v63 =	vadd.s32 $0x155CDC, v55;
	[tilespmem:$0x1E30] =	vst v61  }
0x282: {  	v10 =	vld [tilespmem:$0xA0];
	v9 =	vadd.s32 $0x155CDC, v56;
	[tilespmem:$0x1E40] =	vst v63  }
0x283: {  	v12 =	vld [tilespmem:$0xB0];
	v11 =	vadd.s32 $0x155CDC, v58;
	[tilespmem:$0x1E50] =	vst v9  }
0x284: {  	v14 =	vld [tilespmem:$0xC0];
	v13 =	vadd.s32 $0x155CDC, v60;
	[tilespmem:$0x1E60] =	vst v11  }
0x285: {  	v16 =	vld [tilespmem:$0xD0];
	v15 =	vadd.s32 $0x155CDC, v62;
	[tilespmem:$0x1E70] =	vst v13  }
0x286: {  	v18 =	vld [tilespmem:$0xE0];
	v17 =	vadd.s32 $0x155CDC, v8;
	[tilespmem:$0x1E80] =	vst v15  }
0x287: {  	v20 =	vld [tilespmem:$0xF0];
	v19 =	vadd.s32 $0x155CDC, v10;
	[tilespmem:$0x1E90] =	vst v17  }
0x288: {  	v22 =	vld [tilespmem:$0x100];
	v21 =	vadd.s32 $0x155CDC, v12;
	[tilespmem:$0x1EA0] =	vst v19  }
0x289: {  	v24 =	vld [tilespmem:$0x110];
	v23 =	vadd.s32 $0x155CDC, v14;
	[tilespmem:$0x1EB0] =	vst v21  }
0x28a: {  	v26 =	vld [tilespmem:$0x120];
	v25 =	vadd.s32 $0x155CDC, v16;
	[tilespmem:$0x1EC0] =	vst v23  }
0x28b: {  	v28 =	vld [tilespmem:$0x130];
	v27 =	vadd.s32 $0x155CDC, v18;
	[tilespmem:$0x1ED0] =	vst v25  }
0x28c: {  	v30 =	vld [tilespmem:$0x140];
	v29 =	vadd.s32 $0x155CDC, v20;
	[tilespmem:$0x1EE0] =	vst v27  }
0x28d: {  	v32 =	vld [tilespmem:$0x150];
	v31 =	vadd.s32 $0x155CDC, v22;
	[tilespmem:$0x1EF0] =	vst v29  }
0x28e: {  	v34 =	vld [tilespmem:$0x160];
	v33 =	vadd.s32 $0x155CDC, v24;
	[tilespmem:$0x1F00] =	vst v31  }
0x28f: {  	v36 =	vld [tilespmem:$0x170];
	v35 =	vadd.s32 $0x155CDC, v26;
	[tilespmem:$0x1F10] =	vst v33  }
0x290: {  	v38 =	vld [tilespmem:$0x180];
	v37 =	vadd.s32 $0x155CDC, v28;
	[tilespmem:$0x1F20] =	vst v35  }
0x291: {  	v40 =	vld [tilespmem:$0x190];
	v39 =	vadd.s32 $0x155CDC, v30;
	[tilespmem:$0x1F30] =	vst v37  }
0x292: {  	v42 =	vld [tilespmem:$0x1A0];
	v41 =	vadd.s32 $0x155CDC, v32;
	[tilespmem:$0x1F40] =	vst v39  }
0x293: {  	v44 =	vld [tilespmem:$0x1B0];
	v43 =	vadd.s32 $0x155CDC, v34;
	[tilespmem:$0x1F50] =	vst v41  }
0x294: {  	v46 =	vld [tilespmem:$0x1C0];
	v45 =	vadd.s32 $0x155CDC, v36;
	[tilespmem:$0x1F60] =	vst v43  }
0x295: {  	v48 =	vld [tilespmem:$0x1D0];
	v47 =	vadd.s32 $0x155CDC, v38;
	[tilespmem:$0x1F70] =	vst v45  }
0x296: {  	v50 =	vld [tilespmem:$0x1E0];
	v49 =	vadd.s32 $0x155CDC, v40;
	[tilespmem:$0x1F80] =	vst v47  }
0x297: {  	v51 =	vadd.s32 $0x155CDC, v42;
	v52 =	vld [tilespmem:$0x1F0];
	[tilespmem:$0x1F90] =	vst v49  }
0x298: {  	v53 =	vadd.s32 $0x155CDC, v44;
	[tilespmem:$0x1FA0] =	vst v51  }
0x299: {  	v54 =	vadd.s32 $0x155CDC, v46;
	[tilespmem:$0x1FB0] =	vst v53  }
0x29a: {  	v55 =	vadd.s32 $0x155CDC, v48;
	[tilespmem:$0x1FC0] =	vst v54  }
0x29b: {  	v56 =	vadd.s32 $0x155CDC, v50;
	[tilespmem:$0x1FD0] =	vst v55  }
0x29c: {  	[tilespmem:$0x1FE0] =	vst v56;
	v57 =	vadd.s32 $0x155CDC, v52  }
0x29d: {  	s12 =	rddreg [dreg:$0x12];
	[tilespmem:$0x1FF0] =	vst v57  }
0x29e: {  	[tilespmem:s31], [sflag:$0x2] =	stream.indirect.gather [hbm4b:s3+s14], $0x1, s12, s14, $0xb8;
	[tilespmem:$0x4200] =	vst v63  }
0x29f: {  	v58 =	vld [tilespmem:$0x0]  }
0x2a0: {  	v59 =	vld [tilespmem:$0x10]  }
0x2a1: {  	v60 =	vld [tilespmem:$0x20]  }
0x2a2: {  	v61 =	vld [tilespmem:$0x30]  }
0x2a3: {  	v62 =	vld [tilespmem:$0x40]  }
0x2a4: {  	v63 =	vld [tilespmem:$0x50];
	v0 =	vadd.s32 $0x16E37E, v58  }
0x2a5: {  	v8 =	vld [tilespmem:$0x60];
	v7 =	vadd.s32 $0x16E37E, v59;
	[tilespmem:$0x2000] =	vst v0  }
0x2a6: {  	v10 =	vld [tilespmem:$0x70];
	v9 =	vadd.s32 $0x16E37E, v60;
	[tilespmem:$0x2010] =	vst v7  }
0x2a7: {  	v12 =	vld [tilespmem:$0x80];
	v11 =	vadd.s32 $0x16E37E, v61;
	[tilespmem:$0x2020] =	vst v9  }
0x2a8: {  	v14 =	vld [tilespmem:$0x90];
	v13 =	vadd.s32 $0x16E37E, v62;
	[tilespmem:$0x2030] =	vst v11  }
0x2a9: {  	v16 =	vld [tilespmem:$0xA0];
	v15 =	vadd.s32 $0x16E37E, v63;
	[tilespmem:$0x2040] =	vst v13  }
0x2aa: {  	v18 =	vld [tilespmem:$0xB0];
	v17 =	vadd.s32 $0x16E37E, v8;
	[tilespmem:$0x2050] =	vst v15  }
0x2ab: {  	v20 =	vld [tilespmem:$0xC0];
	v19 =	vadd.s32 $0x16E37E, v10;
	[tilespmem:$0x2060] =	vst v17  }
0x2ac: {  	v22 =	vld [tilespmem:$0xD0];
	v21 =	vadd.s32 $0x16E37E, v12;
	[tilespmem:$0x2070] =	vst v19  }
0x2ad: {  	v24 =	vld [tilespmem:$0xE0];
	v23 =	vadd.s32 $0x16E37E, v14;
	[tilespmem:$0x2080] =	vst v21  }
0x2ae: {  	v26 =	vld [tilespmem:$0xF0];
	v25 =	vadd.s32 $0x16E37E, v16;
	[tilespmem:$0x2090] =	vst v23  }
0x2af: {  	v28 =	vld [tilespmem:$0x100];
	v27 =	vadd.s32 $0x16E37E, v18;
	[tilespmem:$0x20A0] =	vst v25  }
0x2b0: {  	v30 =	vld [tilespmem:$0x110];
	v29 =	vadd.s32 $0x16E37E, v20;
	[tilespmem:$0x20B0] =	vst v27  }
0x2b1: {  	v32 =	vld [tilespmem:$0x120];
	v31 =	vadd.s32 $0x16E37E, v22;
	[tilespmem:$0x20C0] =	vst v29  }
0x2b2: {  	v34 =	vld [tilespmem:$0x130];
	v33 =	vadd.s32 $0x16E37E, v24;
	[tilespmem:$0x20D0] =	vst v31  }
0x2b3: {  	v36 =	vld [tilespmem:$0x140];
	v35 =	vadd.s32 $0x16E37E, v26;
	[tilespmem:$0x20E0] =	vst v33  }
0x2b4: {  	v38 =	vld [tilespmem:$0x150];
	v37 =	vadd.s32 $0x16E37E, v28;
	[tilespmem:$0x20F0] =	vst v35  }
0x2b5: {  	v40 =	vld [tilespmem:$0x160];
	v39 =	vadd.s32 $0x16E37E, v30;
	[tilespmem:$0x2100] =	vst v37  }
0x2b6: {  	v42 =	vld [tilespmem:$0x170];
	v41 =	vadd.s32 $0x16E37E, v32;
	[tilespmem:$0x2110] =	vst v39  }
0x2b7: {  	v44 =	vld [tilespmem:$0x180];
	v43 =	vadd.s32 $0x16E37E, v34;
	[tilespmem:$0x2120] =	vst v41  }
0x2b8: {  	v46 =	vld [tilespmem:$0x190];
	v45 =	vadd.s32 $0x16E37E, v36;
	[tilespmem:$0x2130] =	vst v43  }
0x2b9: {  	v48 =	vld [tilespmem:$0x1A0];
	v47 =	vadd.s32 $0x16E37E, v38;
	[tilespmem:$0x2140] =	vst v45  }
0x2ba: {  	v50 =	vld [tilespmem:$0x1B0];
	v49 =	vadd.s32 $0x16E37E, v40;
	[tilespmem:$0x2150] =	vst v47  }
0x2bb: {  	v52 =	vld [tilespmem:$0x1C0];
	v51 =	vadd.s32 $0x16E37E, v42;
	[tilespmem:$0x2160] =	vst v49  }
0x2bc: {  	v54 =	vld [tilespmem:$0x1D0];
	v53 =	vadd.s32 $0x16E37E, v44;
	[tilespmem:$0x2170] =	vst v51  }
0x2bd: {  	v56 =	vld [tilespmem:$0x1E0];
	v55 =	vadd.s32 $0x16E37E, v46;
	[tilespmem:$0x2180] =	vst v53  }
0x2be: {  	v57 =	vadd.s32 $0x16E37E, v48;
	v58 =	vld [tilespmem:$0x1F0];
	[tilespmem:$0x2190] =	vst v55  }
0x2bf: {  	v59 =	vadd.s32 $0x16E37E, v50;
	[tilespmem:$0x21A0] =	vst v57  }
0x2c0: {  	v60 =	vadd.s32 $0x16E37E, v52;
	[tilespmem:$0x21B0] =	vst v59  }
0x2c1: {  	v61 =	vadd.s32 $0x16E37E, v54;
	[tilespmem:$0x21C0] =	vst v60  }
0x2c2: {  	v62 =	vadd.s32 $0x16E37E, v56;
	[tilespmem:$0x21D0] =	vst v61  }
0x2c3: {  	[tilespmem:$0x21E0] =	vst v62;
	v63 =	vadd.s32 $0x16E37E, v58  }
0x2c4: {  	s15 =	rddreg [dreg:$0x13];
	s12 =	simm.s32 $0x4000;
	[tilespmem:$0x21F0] =	vst v63  }
0x2c5: {  	[tilespmem:s12], [sflag:$0x2] =	stream.indirect.gather [hbm4b:s3+s14], $0x1, s15, s14, $0xb8;
	[tilespmem:$0x4200] =	vst v63  }
0x2c6: {  	_ =	swait.ge [sflag:s1], $0x200  }
0x2c7: {  	[sflag:s1] =	ssyncset.done $0x0  }
0x2c8: {  	[sflag:s1] =	ssyncadd.s32 $0xFFFFFE00  }
0x2c9: {  	_ =	swait.ge [sflag:s1], $0x200  }
0x2ca: {  	[sflag:s1] =	ssyncset.done $0x0  }
0x2cb: {  	[sflag:s1] =	ssyncadd.s32 $0xFFFFFE00  }
0x2cc: {  	_ =	swait.ge [sflag:s1], $0x200  }
0x2cd: {  	[sflag:s1] =	ssyncset.done $0x0  }
0x2ce: {  	[sflag:s1] =	ssyncadd.s32 $0xFFFFFE00  }
0x2cf: {  	_ =	swait.ge [sflag:s1], $0x200  }
0x2d0: {  	[sflag:s1] =	ssyncset.done $0x0  }
0x2d1: {  	[sflag:s1] =	ssyncadd.s32 $0xFFFFFE00  }
0x2d2: {  	_ =	swait.ge [sflag:s1], $0x200  }
0x2d3: {  	[sflag:s1] =	ssyncset.done $0x0  }
0x2d4: {  	[sflag:s1] =	ssyncadd.s32 $0xFFFFFE00  }
0x2d5: {  	_ =	swait.ge [sflag:s1], $0x200  }
0x2d6: {  	[sflag:s1] =	ssyncset.done $0x0  }
0x2d7: {  	[sflag:s1] =	ssyncadd.s32 $0xFFFFFE00  }
0x2d8: {  	_ =	swait.ge [sflag:s1], $0x200  }
0x2d9: {  	[sflag:s1] =	ssyncset.done $0x0  }
0x2da: {  	[sflag:s1] =	ssyncadd.s32 $0xFFFFFE00  }
0x2db: {  	_ =	swait.ge [sflag:s1], $0x200  }
0x2dc: {  	[sflag:s1] =	ssyncset.done $0x0  }
0x2dd: {  	s15 =	simm.s32 $0x2200;
	[sflag:s1] =	ssyncadd.s32 $0xFFFFFE00  }
0x2de: {  	[hbm4b:s4+s2] =	stream.linear.scatter [tilespmem:s15], [sflag:$0x3], $0x80, $0x38;
	[tilespmem:$0x4200] =	vst v63  }
0x2df: {  	s15 =	sadd.s32 $0x10, s4  }
0x2e0: {  	[hbm4b:s15+s2] =	stream.linear.scatter [tilespmem:s17], [sflag:$0x3], $0x80, $0x38;
	[tilespmem:$0x4200] =	vst v63  }
0x2e1: {  	s17 =	sadd.s32 $0x20, s4  }
0x2e2: {  	[hbm4b:s17+s2] =	stream.linear.scatter [tilespmem:s16], [sflag:$0x3], $0x80, $0x38;
	[tilespmem:$0x4200] =	vst v63  }
0x2e3: {  	s16 =	sadd.s32 $0x30, s4  }
0x2e4: {  	[hbm4b:s16+s2] =	stream.linear.scatter [tilespmem:s19], [sflag:$0x3], $0x80, $0x38;
	[tilespmem:$0x4200] =	vst v63  }
0x2e5: {  	s17 =	sadd.s32 $0x40, s4  }
0x2e6: {  	[hbm4b:s17+s2] =	stream.linear.scatter [tilespmem:s20], [sflag:$0x3], $0x80, $0x38;
	[tilespmem:$0x4200] =	vst v63  }
0x2e7: {  	s16 =	sadd.s32 $0x50, s4  }
0x2e8: {  	[hbm4b:s16+s2] =	stream.linear.scatter [tilespmem:s21], [sflag:$0x3], $0x80, $0x38;
	[tilespmem:$0x4200] =	vst v63  }
0x2e9: {  	s17 =	sadd.s32 $0x60, s4  }
0x2ea: {  	[hbm4b:s17+s2] =	stream.linear.scatter [tilespmem:s22], [sflag:$0x3], $0x80, $0x38;
	[tilespmem:$0x4200] =	vst v63  }
0x2eb: {  	s16 =	sadd.s32 $0x70, s4  }
0x2ec: {  	[hbm4b:s16+s2] =	stream.linear.scatter [tilespmem:s23], [sflag:$0x3], $0x80, $0x38;
	[tilespmem:$0x4200] =	vst v63  }
0x2ed: {  	_ =	swait.ge [sflag:s13], $0x400  }
0x2ee: {  	[sflag:s13] =	ssyncset.done $0x0  }
0x2ef: {  	s17 =	rddreg [dreg:$0x14];
	[sflag:s13] =	ssyncadd.s32 $0xFFFFFC00  }
0x2f0: {  	[hbm4b:s5+s2] =	stream.linear.scatter [tilespmem:s17], [sflag:$0x3], $0x80, $0x38;
	[tilespmem:$0x4200] =	vst v63  }
0x2f1: {  	s15 =	sadd.s32 $0x10, s5;
	s16 =	rddreg [dreg:$0x15]  }
0x2f2: {  	[hbm4b:s15+s2] =	stream.linear.scatter [tilespmem:s16], [sflag:$0x3], $0x80, $0x38;
	[tilespmem:$0x4200] =	vst v63  }
0x2f3: {  	s17 =	rddreg [dreg:$0x16];
	s15 =	sadd.s32 $0x20, s5  }
0x2f4: {  	[hbm4b:s15+s2] =	stream.linear.scatter [tilespmem:s17], [sflag:$0x3], $0x80, $0x38;
	[tilespmem:$0x4200] =	vst v63  }
0x2f5: {  	s16 =	rddreg [dreg:$0x17];
	s15 =	sadd.s32 $0x30, s5  }
0x2f6: {  	[hbm4b:s15+s2] =	stream.linear.scatter [tilespmem:s16], [sflag:$0x3], $0x80, $0x38;
	[tilespmem:$0x4200] =	vst v63  }
0x2f7: {  	s17 =	rddreg [dreg:$0x18];
	s15 =	sadd.s32 $0x40, s5  }
0x2f8: {  	[hbm4b:s15+s2] =	stream.linear.scatter [tilespmem:s17], [sflag:$0x3], $0x80, $0x38;
	[tilespmem:$0x4200] =	vst v63  }
0x2f9: {  	s16 =	rddreg [dreg:$0x19];
	s15 =	sadd.s32 $0x50, s5  }
0x2fa: {  	[hbm4b:s15+s2] =	stream.linear.scatter [tilespmem:s16], [sflag:$0x3], $0x80, $0x38;
	[tilespmem:$0x4200] =	vst v63  }
0x2fb: {  	s17 =	rddreg [dreg:$0x1a];
	s15 =	sadd.s32 $0x60, s5  }
0x2fc: {  	[hbm4b:s15+s2] =	stream.linear.scatter [tilespmem:s17], [sflag:$0x3], $0x80, $0x38;
	[tilespmem:$0x4200] =	vst v63  }
0x2fd: {  	s16 =	rddreg [dreg:$0x1b];
	s17 =	sadd.s32 $0x70, s5  }
0x2fe: {  	[hbm4b:s17+s2] =	stream.linear.scatter [tilespmem:s16], [sflag:$0x3], $0x80, $0x38;
	[tilespmem:$0x4200] =	vst v63  }
0x2ff: {  	_ =	swait.ge [sflag:s13], $0x400  }
0x300: {  	s17 =	rddreg [dreg:$0x1c];
	[sflag:s13] =	ssyncset.done $0x0  }
0x301: {  	s16 =	rddreg [dreg:$0x1d];
	[sflag:s13] =	ssyncadd.s32 $0xFFFFFC00  }
0x302: {  	[hbm4b:s6+s2] =	stream.linear.scatter [tilespmem:s17], [sflag:$0x3], $0x80, $0x38;
	[tilespmem:$0x4200] =	vst v63  }
0x303: {  	s15 =	sadd.s32 $0x10, s6;
	s17 =	rddreg [dreg:$0x1e]  }
0x304: {  	[hbm4b:s15+s2] =	stream.linear.scatter [tilespmem:s16], [sflag:$0x3], $0x80, $0x38;
	[tilespmem:$0x4200] =	vst v63  }
0x305: {  	s15 =	sadd.s32 $0x20, s6;
	s16 =	rddreg [dreg:$0x1f]  }
0x306: {  	[hbm4b:s15+s2] =	stream.linear.scatter [tilespmem:s17], [sflag:$0x3], $0x80, $0x38;
	[tilespmem:$0x4200] =	vst v63  }
0x307: {  	s15 =	sadd.s32 $0x30, s6;
	s17 =	sld [smem:$0x7DA]  }
0x308: {  	[hbm4b:s15+s2] =	stream.linear.scatter [tilespmem:s16], [sflag:$0x3], $0x80, $0x38;
	[tilespmem:$0x4200] =	vst v63  }
0x309: {  	s15 =	sadd.s32 $0x40, s6;
	s16 =	sld [smem:$0x7DB]  }
0x30a: {  	[hbm4b:s15+s2] =	stream.linear.scatter [tilespmem:s17], [sflag:$0x3], $0x80, $0x38;
	[tilespmem:$0x4200] =	vst v63  }
0x30b: {  	s15 =	sadd.s32 $0x50, s6;
	s17 =	sld [smem:$0x7DC]  }
0x30c: {  	[hbm4b:s15+s2] =	stream.linear.scatter [tilespmem:s16], [sflag:$0x3], $0x80, $0x38;
	[tilespmem:$0x4200] =	vst v63  }
0x30d: {  	s15 =	sadd.s32 $0x60, s6;
	s16 =	sld [smem:$0x7DD]  }
0x30e: {  	[hbm4b:s15+s2] =	stream.linear.scatter [tilespmem:s17], [sflag:$0x3], $0x80, $0x38;
	[tilespmem:$0x4200] =	vst v63  }
0x30f: {  	s17 =	sadd.s32 $0x70, s6  }
0x310: {  	[hbm4b:s17+s2] =	stream.linear.scatter [tilespmem:s16], [sflag:$0x3], $0x80, $0x38;
	[tilespmem:$0x4200] =	vst v63  }
0x311: {  	_ =	swait.ge [sflag:s13], $0x400  }
0x312: {  	s17 =	sld [smem:$0x7DE]  }
0x313: {  	[sflag:s13] =	ssyncset.done $0x0  }
0x314: {  	s16 =	sld [smem:$0x7DF];
	[sflag:s13] =	ssyncadd.s32 $0xFFFFFC00  }
0x315: {  	[hbm4b:s7+s2] =	stream.linear.scatter [tilespmem:s17], [sflag:$0x3], $0x80, $0x38;
	[tilespmem:$0x4200] =	vst v63  }
0x316: {  	s15 =	sadd.s32 $0x10, s7;
	s17 =	sld [smem:$0x7E0]  }
0x317: {  	[hbm4b:s15+s2] =	stream.linear.scatter [tilespmem:s16], [sflag:$0x3], $0x80, $0x38;
	[tilespmem:$0x4200] =	vst v63  }
0x318: {  	s15 =	sadd.s32 $0x20, s7;
	s16 =	sld [smem:$0x7E1]  }
0x319: {  	[hbm4b:s15+s2] =	stream.linear.scatter [tilespmem:s17], [sflag:$0x3], $0x80, $0x38;
	[tilespmem:$0x4200] =	vst v63  }
0x31a: {  	s15 =	sadd.s32 $0x30, s7;
	s17 =	sld [smem:$0x7E2]  }
0x31b: {  	[hbm4b:s15+s2] =	stream.linear.scatter [tilespmem:s16], [sflag:$0x3], $0x80, $0x38;
	[tilespmem:$0x4200] =	vst v63  }
0x31c: {  	s15 =	sadd.s32 $0x40, s7;
	s16 =	sld [smem:$0x7E3]  }
0x31d: {  	[hbm4b:s15+s2] =	stream.linear.scatter [tilespmem:s17], [sflag:$0x3], $0x80, $0x38;
	[tilespmem:$0x4200] =	vst v63  }
0x31e: {  	s15 =	sadd.s32 $0x50, s7;
	s17 =	sld [smem:$0x7E4]  }
0x31f: {  	[hbm4b:s15+s2] =	stream.linear.scatter [tilespmem:s16], [sflag:$0x3], $0x80, $0x38;
	[tilespmem:$0x4200] =	vst v63  }
0x320: {  	s15 =	sadd.s32 $0x60, s7;
	s16 =	sld [smem:$0x7E5]  }
0x321: {  	[hbm4b:s15+s2] =	stream.linear.scatter [tilespmem:s17], [sflag:$0x3], $0x80, $0x38;
	[tilespmem:$0x4200] =	vst v63  }
0x322: {  	s17 =	sadd.s32 $0x70, s7  }
0x323: {  	[hbm4b:s17+s2] =	stream.linear.scatter [tilespmem:s16], [sflag:$0x3], $0x80, $0x38;
	[tilespmem:$0x4200] =	vst v63  }
0x324: {  	_ =	swait.ge [sflag:s13], $0x400  }
0x325: {  	[sflag:s13] =	ssyncset.done $0x0  }
0x326: {  	[sflag:s13] =	ssyncadd.s32 $0xFFFFFC00  }
0x327: {  	_ =	swait.ge [sflag:s0], $0x200  }
0x328: {  	[sflag:s0] =	ssyncset.done $0x0  }
0x329: {  	[sflag:s0] =	ssyncadd.s32 $0xFFFFFE00  }
0x32a: {  	_ =	swait.ge [sflag:s0], $0x200  }
0x32b: {  	[sflag:s0] =	ssyncset.done $0x0  }
0x32c: {  	[sflag:s0] =	ssyncadd.s32 $0xFFFFFE00  }
0x32d: {  	_ =	swait.ge [sflag:s0], $0x200  }
0x32e: {  	[sflag:s0] =	ssyncset.done $0x0  }
0x32f: {  	[sflag:s0] =	ssyncadd.s32 $0xFFFFFE00  }
0x330: {  	_ =	swait.ge [sflag:s0], $0x200  }
0x331: {  	[sflag:s0] =	ssyncset.done $0x0  }
0x332: {  	[sflag:s0] =	ssyncadd.s32 $0xFFFFFE00  }
0x333: {  	_ =	swait.ge [sflag:s0], $0x200  }
0x334: {  	[sflag:s0] =	ssyncset.done $0x0  }
0x335: {  	[sflag:s0] =	ssyncadd.s32 $0xFFFFFE00  }
0x336: {  	_ =	swait.ge [sflag:s0], $0x200  }
0x337: {  	[sflag:s0] =	ssyncset.done $0x0  }
0x338: {  	[sflag:s0] =	ssyncadd.s32 $0xFFFFFE00  }
0x339: {  	_ =	swait.ge [sflag:s0], $0x200  }
0x33a: {  	[sflag:s0] =	ssyncset.done $0x0  }
0x33b: {  	[sflag:s0] =	ssyncadd.s32 $0xFFFFFE00  }
0x33c: {  	_ =	swait.ge [sflag:s0], $0x200  }
0x33d: {  	[sflag:s0] =	ssyncset.done $0x0  }
0x33e: {  	[sflag:s0] =	ssyncadd.s32 $0xFFFFFE00  }
0x33f: {  	[hbm4b:s8+s2] =	stream.linear.scatter [tilespmem:s24], [sflag:$0x3], $0x80, $0x38;
	[tilespmem:$0x4200] =	vst v63  }
0x340: {  	s16 =	sadd.s32 $0x10, s8  }
0x341: {  	[hbm4b:s16+s2] =	stream.linear.scatter [tilespmem:s25], [sflag:$0x3], $0x80, $0x38;
	[tilespmem:$0x4200] =	vst v63  }
0x342: {  	s17 =	sadd.s32 $0x20, s8  }
0x343: {  	[hbm4b:s17+s2] =	stream.linear.scatter [tilespmem:s26], [sflag:$0x3], $0x80, $0x38;
	[tilespmem:$0x4200] =	vst v63  }
0x344: {  	s16 =	sadd.s32 $0x30, s8  }
0x345: {  	[hbm4b:s16+s2] =	stream.linear.scatter [tilespmem:s28], [sflag:$0x3], $0x80, $0x38;
	[tilespmem:$0x4200] =	vst v63  }
0x346: {  	s17 =	sadd.s32 $0x40, s8  }
0x347: {  	[hbm4b:s17+s2] =	stream.linear.scatter [tilespmem:s29], [sflag:$0x3], $0x80, $0x38;
	[tilespmem:$0x4200] =	vst v63  }
0x348: {  	s16 =	sadd.s32 $0x50, s8  }
0x349: {  	[hbm4b:s16+s2] =	stream.linear.scatter [tilespmem:s30], [sflag:$0x3], $0x80, $0x38;
	[tilespmem:$0x4200] =	vst v63  }
0x34a: {  	s17 =	sadd.s32 $0x60, s8  }
0x34b: {  	[hbm4b:s17+s2] =	stream.linear.scatter [tilespmem:s31], [sflag:$0x3], $0x80, $0x38;
	[tilespmem:$0x4200] =	vst v63  }
0x34c: {  	s16 =	sadd.s32 $0x70, s8  }
0x34d: {  	[hbm4b:s16+s2] =	stream.linear.scatter [tilespmem:s12], [sflag:$0x3], $0x80, $0x38;
	[tilespmem:$0x4200] =	vst v63  }
0x34e: {  	_ =	swait.ge [sflag:s13], $0x400  }
0x34f: {  	s17 =	sld [smem:$0x7E6]  }
0x350: {  	[sflag:s13] =	ssyncset.done $0x0  }
0x351: {  	s16 =	sld [smem:$0x7E7];
	[sflag:s13] =	ssyncadd.s32 $0xFFFFFC00  }
0x352: {  	[hbm4b:s9+s2] =	stream.linear.scatter [tilespmem:s17], [sflag:$0x3], $0x80, $0x38;
	[tilespmem:$0x4200] =	vst v63  }
0x353: {  	s12 =	sadd.s32 $0x10, s9;
	s17 =	sld [smem:$0x7E8]  }
0x354: {  	[hbm4b:s12+s2] =	stream.linear.scatter [tilespmem:s16], [sflag:$0x3], $0x80, $0x38;
	[tilespmem:$0x4200] =	vst v63  }
0x355: {  	s12 =	sadd.s32 $0x20, s9;
	s16 =	sld [smem:$0x7E9]  }
0x356: {  	[hbm4b:s12+s2] =	stream.linear.scatter [tilespmem:s17], [sflag:$0x3], $0x80, $0x38;
	[tilespmem:$0x4200] =	vst v63  }
0x357: {  	s12 =	sadd.s32 $0x30, s9;
	s17 =	sld [smem:$0x7EA]  }
0x358: {  	[hbm4b:s12+s2] =	stream.linear.scatter [tilespmem:s16], [sflag:$0x3], $0x80, $0x38;
	[tilespmem:$0x4200] =	vst v63  }
0x359: {  	s12 =	sadd.s32 $0x40, s9;
	s16 =	sld [smem:$0x7EB]  }
0x35a: {  	[hbm4b:s12+s2] =	stream.linear.scatter [tilespmem:s17], [sflag:$0x3], $0x80, $0x38;
	[tilespmem:$0x4200] =	vst v63  }
0x35b: {  	s12 =	sadd.s32 $0x50, s9;
	s17 =	sld [smem:$0x7EC]  }
0x35c: {  	[hbm4b:s12+s2] =	stream.linear.scatter [tilespmem:s16], [sflag:$0x3], $0x80, $0x38;
	[tilespmem:$0x4200] =	vst v63  }
0x35d: {  	s12 =	sadd.s32 $0x60, s9;
	s16 =	sld [smem:$0x7ED]  }
0x35e: {  	[hbm4b:s12+s2] =	stream.linear.scatter [tilespmem:s17], [sflag:$0x3], $0x80, $0x38;
	[tilespmem:$0x4200] =	vst v63  }
0x35f: {  	s12 =	sadd.s32 $0x70, s9  }
0x360: {  	[hbm4b:s12+s2] =	stream.linear.scatter [tilespmem:s16], [sflag:$0x3], $0x80, $0x38;
	[tilespmem:$0x4200] =	vst v63  }
0x361: {  	_ =	swait.ge [sflag:s13], $0x400  }
0x362: {  	s17 =	sld [smem:$0x7EE]  }
0x363: {  	[sflag:s13] =	ssyncset.done $0x0  }
0x364: {  	s16 =	sld [smem:$0x7EF];
	[sflag:s13] =	ssyncadd.s32 $0xFFFFFC00  }
0x365: {  	[hbm4b:s10+s2] =	stream.linear.scatter [tilespmem:s17], [sflag:$0x3], $0x80, $0x38;
	[tilespmem:$0x4200] =	vst v63  }
0x366: {  	s12 =	sadd.s32 $0x10, s10;
	s17 =	sld [smem:$0x7F0]  }
0x367: {  	[hbm4b:s12+s2] =	stream.linear.scatter [tilespmem:s16], [sflag:$0x3], $0x80, $0x38;
	[tilespmem:$0x4200] =	vst v63  }
0x368: {  	s12 =	sadd.s32 $0x20, s10;
	s16 =	sld [smem:$0x7F1]  }
0x369: {  	[hbm4b:s12+s2] =	stream.linear.scatter [tilespmem:s17], [sflag:$0x3], $0x80, $0x38;
	[tilespmem:$0x4200] =	vst v63  }
0x36a: {  	s12 =	sadd.s32 $0x30, s10;
	s17 =	sld [smem:$0x7F2]  }
0x36b: {  	[hbm4b:s12+s2] =	stream.linear.scatter [tilespmem:s16], [sflag:$0x3], $0x80, $0x38;
	[tilespmem:$0x4200] =	vst v63  }
0x36c: {  	s12 =	sadd.s32 $0x40, s10;
	s16 =	sld [smem:$0x7F3]  }
0x36d: {  	[hbm4b:s12+s2] =	stream.linear.scatter [tilespmem:s17], [sflag:$0x3], $0x80, $0x38;
	[tilespmem:$0x4200] =	vst v63  }
0x36e: {  	s12 =	sadd.s32 $0x50, s10;
	s17 =	sld [smem:$0x7F4]  }
0x36f: {  	[hbm4b:s12+s2] =	stream.linear.scatter [tilespmem:s16], [sflag:$0x3], $0x80, $0x38;
	[tilespmem:$0x4200] =	vst v63  }
0x370: {  	s12 =	sadd.s32 $0x60, s10;
	s16 =	sld [smem:$0x7F5]  }
0x371: {  	[hbm4b:s12+s2] =	stream.linear.scatter [tilespmem:s17], [sflag:$0x3], $0x80, $0x38;
	[tilespmem:$0x4200] =	vst v63  }
0x372: {  	s12 =	sadd.s32 $0x70, s10  }
0x373: {  	[hbm4b:s12+s2] =	stream.linear.scatter [tilespmem:s16], [sflag:$0x3], $0x80, $0x38;
	[tilespmem:$0x4200] =	vst v63  }
0x374: {  	_ =	swait.ge [sflag:s13], $0x400  }
0x375: {  	s17 =	sld [smem:$0x7F6]  }
0x376: {  	[sflag:s13] =	ssyncset.done $0x0  }
0x377: {  	s16 =	sld [smem:$0x7F7];
	[sflag:s13] =	ssyncadd.s32 $0xFFFFFC00  }
0x378: {  	[hbm4b:s11+s2] =	stream.linear.scatter [tilespmem:s17], [sflag:$0x3], $0x80, $0x38;
	[tilespmem:$0x4200] =	vst v63  }
0x379: {  	s12 =	sadd.s32 $0x10, s11;
	s17 =	sld [smem:$0x7F8]  }
0x37a: {  	[hbm4b:s12+s2] =	stream.linear.scatter [tilespmem:s16], [sflag:$0x3], $0x80, $0x38;
	[tilespmem:$0x4200] =	vst v63  }
0x37b: {  	s12 =	sadd.s32 $0x20, s11;
	s16 =	sld [smem:$0x7F9]  }
0x37c: {  	[hbm4b:s12+s2] =	stream.linear.scatter [tilespmem:s17], [sflag:$0x3], $0x80, $0x38;
	[tilespmem:$0x4200] =	vst v63  }
0x37d: {  	s12 =	sadd.s32 $0x30, s11;
	s17 =	sld [smem:$0x7FA]  }
0x37e: {  	[hbm4b:s12+s2] =	stream.linear.scatter [tilespmem:s16], [sflag:$0x3], $0x80, $0x38;
	[tilespmem:$0x4200] =	vst v63  }
0x37f: {  	s12 =	sadd.s32 $0x40, s11;
	s16 =	sld [smem:$0x7FB]  }
0x380: {  	[hbm4b:s12+s2] =	stream.linear.scatter [tilespmem:s17], [sflag:$0x3], $0x80, $0x38;
	[tilespmem:$0x4200] =	vst v63  }
0x381: {  	s12 =	sadd.s32 $0x50, s11;
	s17 =	sld [smem:$0x7FC]  }
0x382: {  	[hbm4b:s12+s2] =	stream.linear.scatter [tilespmem:s16], [sflag:$0x3], $0x80, $0x38;
	[tilespmem:$0x4200] =	vst v63  }
0x383: {  	p0 =	sne.s32 s18, $0x1;
	s16 =	sadd.s32 $0x60, s11;
	s12 =	sld [smem:$0x7FD]  }
0x384: {  	[hbm4b:s16+s2] =	stream.linear.scatter [tilespmem:s17], [sflag:$0x3], $0x80, $0x38;
	[tilespmem:$0x4200] =	vst v63  }
.Ltmp0:
0x385: {  	s17 =	sadd.s32 $0x70, s11;
	(pc) =	sbr.rel @p0 .LBB2_1-.Ltmp0, $4  }
0x386: {  	[hbm4b:s17+s2] =	stream.linear.scatter [tilespmem:s12], [sflag:$0x3], $0x80, $0x38;
	[tilespmem:$0x4200] =	vst v63  }
0x387: {  	_ =	swait.ge [sflag:s13], $0x400  }
0x388: {  	[sflag:s13] =	ssyncset.done $0x0  }
0x389: {  	s18 =	sadd.s32 $0xFFFFFFFF, s18;
	[sflag:s13] =	ssyncadd.s32 $0xFFFFFC00  }
0x38a: {  	_ =	sfence.sel $0x180000  }
0x38b: {  	[bflag:$0x0] =	sbarrier.arrive $0xFFFF  }
0x38c: {  	_ =	strace $0x90000047  }
0x38d: {  	s0 =	stileid.u32;
	[bflag:$0x2] =	sbarrier.arrive $0xFFFF  }
0x38e: {  	p0 =	sne.s32 s0, $0x0;
	s0 =	rddreg [dreg:$0x3]  }
0x38f: {  	s0 =	sadd.s32 @!p0 $0x100000, s0  }
0x390: {  	[sflag:s0] =	ssyncadd.tile.s32 @!p0 $0x1;
	_ =	shalt  }
.Lfunc_end2:
_tile_overlayer_lowered:
.L_overlay_start_2:
0x391: {  	(tag) =	ssettag $0x2  }
0x392: {  	s0 =	rddreg [dreg:$0x0];
	s2 =	stileid.u32  }
0x393: {  	s1 =	rddreg [dreg:$0x1];
	p0 =	sne.s32 s2, $0x0  }
0x394: {  	s3 =	rddreg [dreg:$0x2];
	[bflag:$0x3] =	sbarrier.arrive $0xFFFF;
	s2 =	simm.s32 @!p0 $0x1C03  }
0x395: {  	[timem:s3], [sflag:s2] =	dma.local @!p0 [hbm:s0], s1  }
0x396: {  	s0 =	simm.s32 @!p0 $0x3  }
0x397: {  	_ =	swait.ge @!p0 [sflag:s0], s1  }
0x398: {  	s1 =	ssub.s32 @!p0 $0x0, s1;
	[sflag:s0] =	ssyncset.done @!p0 $0x0  }
0x399: {  	[sflag:s0] =	ssyncadd.s32 @!p0 s1  }
0x39a: {  	[bflag:$0x3] =	sbarrier.arrive $0xFFFF  }
0x39b: {  	_ =	shalt  }

</sc_bundles>
